<compile_context>
chip_gen: v7x
topology: tpu7x:2x2x1
jax: 0.10.2.dev20260603
libtpu: 0.0.44.dev20260713+nightly
codegen_flags: <defaults>
</compile_context>

<pallas_src>
import functools

import jax
import jax.numpy as jnp
import numpy as np
from jax import lax
from jax.experimental import pallas as pl
from jax.experimental.pallas import tpu as pltpu
from jax.experimental.pallas import tpu_sc as plsc

_LOC_SCOPE = 3.0
_LOC_BIN_SIZE = 0.5
_NUM_HEAD_BIN = 12
_NMS_POST = 512
_NMS_THRES = 0.85
_MEAN_SIZE = (1.52563191, 1.62856739, 3.8831164)
_NB = 12


def _argmax_rows(ref, base):
    mv = ref[base]
    mi = jnp.zeros_like(mv)
    for b in range(1, _NB):
        v = ref[base + b]
        gt = v > mv
        mv = jnp.where(gt, v, mv)
        mi = jnp.where(gt, jnp.float32(b), mi)
    return mi


def _gather_rows(ref, base, mi):
    acc = jnp.zeros_like(mi)
    for b in range(_NB):
        acc = acc + jnp.where(mi == jnp.float32(b), ref[base + b], 0.0)
    return acc


def _decode_kernel(reg_ref, xyz_ref, feat_ref):
    xi = _argmax_rows(reg_ref, 0)
    zi = _argmax_rows(reg_ref, _NB)
    xr = _gather_rows(reg_ref, 2 * _NB, xi)
    zr = _gather_rows(reg_ref, 3 * _NB, zi)
    half = _LOC_BIN_SIZE / 2.0 - _LOC_SCOPE
    px = xi * _LOC_BIN_SIZE + half + xr * _LOC_BIN_SIZE + xyz_ref[0]
    pz = zi * _LOC_BIN_SIZE + half + zr * _LOC_BIN_SIZE + xyz_ref[2]
    py = xyz_ref[1] + reg_ref[48]
    ri = _argmax_rows(reg_ref, 49)
    rr = _gather_rows(reg_ref, 61, ri)
    apc = 2.0 * np.pi / _NUM_HEAD_BIN
    ry = ri * apc + rr * (apc / 2.0)
    two_pi = jnp.float32(2.0 * np.pi)
    ry = ry - jnp.floor(ry / two_pi) * two_pi
    ry = jnp.where(ry > np.pi, ry - two_pi, ry)
    h = reg_ref[73] * _MEAN_SIZE[0] + _MEAN_SIZE[0]
    w = reg_ref[74] * _MEAN_SIZE[1] + _MEAN_SIZE[1]
    l = reg_ref[75] * _MEAN_SIZE[2] + _MEAN_SIZE[2]
    x1 = px - h / 2.0
    y1 = pz - l / 2.0
    x2 = px + h / 2.0
    y2 = pz + l / 2.0
    area = jnp.maximum(x2 - x1, 0.0) * jnp.maximum(y2 - y1, 0.0)
    feat_ref[0] = px
    feat_ref[1] = py
    feat_ref[2] = pz
    feat_ref[3] = h
    feat_ref[4] = w
    feat_ref[5] = l
    feat_ref[6] = ry
    feat_ref[7] = x1
    feat_ref[8] = y1
    feat_ref[9] = x2
    feat_ref[10] = y2
    feat_ref[11] = area


def _sc_nms_body(feat_h, sc_h, bbox_o, sout_o,
                 s_v, x1_v, y1_v, x2_v, y2_v, p5_v, p6_v, gmax_v,
                 kx1, ky1, kx2, ky2, kar, sbuf, idxb, vbuf, outbuf, sem):
    wid = lax.axis_index("s")

    @pl.when(wid < 4)
    def _():
        k = wid
        pltpu.sync_copy(sc_h.at[k], s_v)
        pltpu.sync_copy(feat_h.at[7, k], x1_v)
        pltpu.sync_copy(feat_h.at[8, k], y1_v)
        pltpu.sync_copy(feat_h.at[9, k], x2_v)
        pltpu.sync_copy(feat_h.at[10, k], y2_v)
        neg_inf = jnp.float32(-jnp.inf)
        big_i = jnp.int32(1 << 30)
        big_f = jnp.float32(1e30)
        lanes = lax.broadcasted_iota(jnp.int32, (16,), 0)

        def set1(ref, pos, val):
            b = (pos // 16) * 16
            chunk = ref[pl.ds(b, 16)]
            ref[pl.ds(b, 16)] = jnp.where(lanes == pos % 16, val, chunk)

        def get1(ref, pos):
            chunk = ref[pl.ds((pos // 16) * 16, 16)]
            return jnp.max(jnp.where(lanes == pos % 16, chunk, -big_f))

        def ginit(g, carry):
            m8 = s_v[pl.ds(g * 128, 16)]
            for v in range(1, 8):
                m8 = jnp.maximum(m8, s_v[pl.ds(g * 128 + v * 16, 16)])
            set1(gmax_v, g, jnp.max(m8))
            return carry

        lax.fori_loop(0, 128, ginit, 0)

        def kinit(i, carry):
            sl = pl.ds(i * 16, 16)
            kx1[sl] = jnp.full((16,), big_f)
            ky1[sl] = jnp.full((16,), big_f)
            kx2[sl] = jnp.full((16,), -big_f)
            ky2[sl] = jnp.full((16,), -big_f)
            kar[sl] = jnp.zeros((16,), jnp.float32)
            sbuf[sl] = jnp.zeros((16,), jnp.float32)
            return carry

        lax.fori_loop(0, _NMS_POST // 16, kinit, 0)

        def iinit(i, carry):
            idxb[pl.ds(i * 16, 16)] = jnp.zeros((16,), jnp.int32)
            vbuf[pl.ds(i * 16, 16)] = jnp.zeros((16,), jnp.float32)
            return carry

        lax.fori_loop(0, _NMS_POST // 16, iinit, 0)

        def cond(carry):
            kc, alive = carry[0], carry[1]
            return (kc < _NMS_POST) & alive

        def body(carry):
            kc, alive = carry[0], carry[1]
            gregs = list(carry[2])
            gm = gregs[0]
            for v in range(1, 8):
                gm = jnp.maximum(gm, gregs[v])
            m = jnp.max(gm)
            gsel = jnp.full((16,), big_i)
            for v in range(8):
                gsel = jnp.minimum(
                    gsel, jnp.where(gregs[v] == m, lanes + v * 16, big_i))
            g = jnp.min(gsel)
            base = g * 128
            psel = jnp.full((16,), big_i)
            for v in range(8):
                sv = s_v[pl.ds(base + v * 16, 16)]
                psel = jnp.minimum(
                    psel, jnp.where(sv == m, lanes + v * 16, big_i))
            j = base + jnp.min(psel)
            jsplat = jnp.zeros((16,), jnp.int32) + j
            cx1 = plsc.load_gather(x1_v, [jsplat])
            cy1 = plsc.load_gather(y1_v, [jsplat])
            cx2 = plsc.load_gather(x2_v, [jsplat])
            cy2 = plsc.load_gather(y2_v, [jsplat])
            carea = (jnp.maximum(cx2 - cx1, 0.0) *
                     jnp.maximum(cy2 - cy1, 0.0))
            set1(s_v, j, neg_inf)
            ng = s_v[pl.ds(base, 16)]
            for v in range(1, 8):
                ng = jnp.maximum(ng, s_v[pl.ds(base + v * 16, 16)])
            newmax = jnp.max(ng)
            for v in range(8):
                gregs[v] = jnp.where(lanes + v * 16 == g, newmax, gregs[v])
            nb = (kc + 127) // 128

            def scan(i, fl):
                for u in range(8):
                    sl = pl.ds(i * 128 + u * 16, 16)
                    xx1 = jnp.maximum(kx1[sl], cx1)
                    yy1 = jnp.maximum(ky1[sl], cy1)
                    xx2 = jnp.minimum(kx2[sl], cx2)
                    yy2 = jnp.minimum(ky2[sl], cy2)
                    inter = (jnp.maximum(xx2 - xx1, 0.0) *
                             jnp.maximum(yy2 - yy1, 0.0))
                    iou = inter / jnp.maximum(kar[sl] + carea - inter,
                                              1e-8)
                    fl = jnp.maximum(fl, iou)
                return fl

            fl = lax.fori_loop(0, nb, scan, jnp.zeros((16,), jnp.float32))
            supp = jnp.max(fl) > _NMS_THRES
            valid = m > neg_inf
            accept = valid & jnp.logical_not(supp)

            @pl.when(accept)
            def _():
                set1(kx1, kc, cx1)
                set1(ky1, kc, cy1)
                set1(kx2, kc, cx2)
                set1(ky2, kc, cy2)
                set1(kar, kc, carea)
                set1(sbuf, kc, m)
                set1(idxb, kc, j)
                set1(vbuf, kc, jnp.float32(1.0))

            kc = kc + jnp.where(accept, jnp.int32(1), jnp.int32(0))
            return (kc, valid, tuple(gregs))

        gregs0 = tuple(gmax_v[pl.ds(v * 16, 16)] for v in range(8))
        lax.while_loop(cond, body, (jnp.int32(0), jnp.bool_(True), gregs0))

        pltpu.sync_copy(sbuf, sout_o.at[k])
        pbufs = [s_v, x1_v, y1_v, x2_v, y2_v, p5_v, p6_v]
        for c2 in range(7):
            pltpu.sync_copy(feat_h.at[c2, k], pbufs[c2])

        def emit(t, carry):
            ivec = idxb[pl.ds(t * 16, 16)]
            vmask = vbuf[pl.ds(t * 16, 16)]
            rows = t * 16 + lanes
            for f in range(7):
                vals = plsc.load_gather(pbufs[f], [ivec]) * vmask
                plsc.store_scatter(outbuf, [rows, jnp.full((16,),
                                                           jnp.int32(f))],
                                   vals)
            return carry

        lax.fori_loop(0, _NMS_POST // 16, emit, 0)
        pltpu.sync_copy(outbuf, bbox_o.at[k])


def _sc_nms_call(feat4, sc, batch):
    fn = functools.partial(
        pl.kernel,
        out_type=[
            jax.ShapeDtypeStruct((batch, _NMS_POST, 7), jnp.float32),
            jax.ShapeDtypeStruct((batch, _NMS_POST), jnp.float32),
        ],
        mesh=plsc.VectorSubcoreMesh(core_axis_name="c",
                                    subcore_axis_name="s", num_cores=1),
        compiler_params=pltpu.CompilerParams(needs_layout_passes=False,
                                              use_tc_tiling_on_sc=False),
        scratch_types=[
            pltpu.VMEM((16384,), jnp.float32),
            pltpu.VMEM((16384,), jnp.float32),
            pltpu.VMEM((16384,), jnp.float32),
            pltpu.VMEM((16384,), jnp.float32),
            pltpu.VMEM((16384,), jnp.float32),
            pltpu.VMEM((16384,), jnp.float32),
            pltpu.VMEM((16384,), jnp.float32),
            pltpu.VMEM((128,), jnp.float32),
            pltpu.VMEM((_NMS_POST,), jnp.float32),
            pltpu.VMEM((_NMS_POST,), jnp.float32),
            pltpu.VMEM((_NMS_POST,), jnp.float32),
            pltpu.VMEM((_NMS_POST,), jnp.float32),
            pltpu.VMEM((_NMS_POST,), jnp.float32),
            pltpu.VMEM((_NMS_POST,), jnp.float32),
            pltpu.VMEM((_NMS_POST,), jnp.int32),
            pltpu.VMEM((_NMS_POST,), jnp.float32),
            pltpu.VMEM((_NMS_POST, 7), jnp.float32),
            pltpu.SemaphoreType.DMA,
        ],
    )(_sc_nms_body)
    return fn(feat4, sc)


def kernel(rpn_scores, rpn_reg, xyz):
    batch, n, _ = rpn_scores.shape
    total = batch * n
    rows = total // 8
    reg_t = rpn_reg.reshape(total, 76).T.reshape(76, 8, rows)
    xyz_t = xyz.reshape(total, 3).T.reshape(3, 8, rows)
    chunk = 2048
    nchunks = rows // chunk
    feat = pl.pallas_call(
        _decode_kernel,
        grid=(nchunks,),
        in_specs=[
            pl.BlockSpec((76, 8, chunk), lambda i: (0, 0, i)),
            pl.BlockSpec((3, 8, chunk), lambda i: (0, 0, i)),
        ],
        out_specs=pl.BlockSpec((12, 8, chunk), lambda i: (0, 0, i)),
        out_shape=jax.ShapeDtypeStruct((12, 8, rows), jnp.float32),
    )(reg_t, xyz_t)
    feat4 = feat.reshape(12, batch, n)
    sc = rpn_scores.reshape(batch, n)
    bbox7, souts = _sc_nms_call(feat4, sc, batch)
    return bbox7, souts.reshape(batch, _NMS_POST, 1)

# --- scband reference (transcript-rebuilt; emitter-appended) ---
"""Pipeline reference for scband-proposal-layer-69217692942973 (READ-ONLY COPY).

The authoritative reference and input builder live on the scoring server;
editing this copy changes nothing except your own understanding.
"""

import jax, jax.numpy as jnp
import numpy as np

LOC_SCOPE = 3.0
LOC_BIN_SIZE = 0.5
NUM_HEAD_BIN = 12
NMS_POST = 512
NMS_THRES = 0.85
MEAN_SIZE = jnp.array([1.52563191, 1.62856739, 3.8831164], dtype=jnp.float32)


def decode_bbox_target(roi_box3d, pred_reg):
    # roi_box3d: (N, 3) xyz points; pred_reg: (N, 76)
    per_loc_bin_num = int(LOC_SCOPE / LOC_BIN_SIZE) * 2  # 12
    x_bin_l, x_bin_r = 0, per_loc_bin_num
    z_bin_l, z_bin_r = per_loc_bin_num, per_loc_bin_num * 2
    x_bin = jnp.argmax(pred_reg[:, x_bin_l:x_bin_r], axis=1)
    z_bin = jnp.argmax(pred_reg[:, z_bin_l:z_bin_r], axis=1)
    pos_x = x_bin.astype(jnp.float32) * LOC_BIN_SIZE + LOC_BIN_SIZE / 2 - LOC_SCOPE
    pos_z = z_bin.astype(jnp.float32) * LOC_BIN_SIZE + LOC_BIN_SIZE / 2 - LOC_SCOPE
    # get_xz_fine=True
    x_res_l, x_res_r = per_loc_bin_num * 2, per_loc_bin_num * 3
    z_res_l, z_res_r = per_loc_bin_num * 3, per_loc_bin_num * 4
    x_res_norm = jnp.take_along_axis(pred_reg[:, x_res_l:x_res_r], x_bin[:, None], axis=1)[:, 0]
    z_res_norm = jnp.take_along_axis(pred_reg[:, z_res_l:z_res_r], z_bin[:, None], axis=1)[:, 0]
    pos_x = pos_x + x_res_norm * LOC_BIN_SIZE
    pos_z = pos_z + z_res_norm * LOC_BIN_SIZE
    start_offset = z_res_r
    # get_y_by_bin=False -> direct y offset
    pos_y = roi_box3d[:, 1] + pred_reg[:, start_offset]
    start_offset = start_offset + 1
    # heading (get_ry_fine=False)
    ry_bin_l, ry_bin_r = start_offset, start_offset + NUM_HEAD_BIN
    ry_res_l, ry_res_r = ry_bin_r, ry_bin_r + NUM_HEAD_BIN
    ry_bin = jnp.argmax(pred_reg[:, ry_bin_l:ry_bin_r], axis=1)
    ry_res_norm = jnp.take_along_axis(pred_reg[:, ry_res_l:ry_res_r], ry_bin[:, None], axis=1)[:, 0]
    angle_per_class = 2.0 * np.pi / NUM_HEAD_BIN
    ry_res = ry_res_norm * (angle_per_class / 2.0)
    ry = (ry_bin.astype(jnp.float32) * angle_per_class + ry_res) % (2.0 * np.pi)
    ry = jnp.where(ry > np.pi, ry - 2.0 * np.pi, ry)
    # size
    size_res_l, size_res_r = ry_res_r, ry_res_r + 3
    assert size_res_r == pred_reg.shape[1]
    size_res_norm = pred_reg[:, size_res_l:size_res_r]
    hwl = size_res_norm * MEAN_SIZE + MEAN_SIZE
    # roi_box3d has 3 columns -> no rotation branch; shift x/z by roi center
    ret_box3d = jnp.concatenate([
        pos_x[:, None] + roi_box3d[:, 0:1],
        pos_y[:, None],
        pos_z[:, None] + roi_box3d[:, 2:3],
        hwl,
        ry[:, None],
    ], axis=1)
    return ret_box3d


def nms_fixed(xyxy, scores, thres, max_keep):
    # greedy axis-aligned NMS, fixed max_keep selections via scan
    N = scores.shape[0]
    x1, y1, x2, y2 = xyxy[:, 0], xyxy[:, 1], xyxy[:, 2], xyxy[:, 3]
    areas = jnp.maximum(x2 - x1, 0.0) * jnp.maximum(y2 - y1, 0.0)

    def body(sup, _):
        s = jnp.where(sup, -jnp.inf, scores)
        j = jnp.argmax(s)
        valid = s[j] > -jnp.inf
        xx1 = jnp.maximum(x1[j], x1)
        yy1 = jnp.maximum(y1[j], y1)
        xx2 = jnp.minimum(x2[j], x2)
        yy2 = jnp.minimum(y2[j], y2)
        inter = jnp.maximum(xx2 - xx1, 0.0) * jnp.maximum(yy2 - yy1, 0.0)
        iou = inter / jnp.maximum(areas[j] + areas - inter, 1e-8)
        sup_new = sup | (iou > thres)
        sup_new = sup_new.at[j].set(True)
        sup = jnp.where(valid, sup_new, sup)
        return sup, (j, valid)

    _, (idxs, valids) = jax.lax.scan(body, jnp.zeros((N,), dtype=bool), None, length=max_keep)
    return idxs, valids


def setup_inputs(seed: int = 0) -> dict:
    key = jax.random.key(seed)
    k1, k2, k3 = jax.random.split(key, 3)
    return {
        'rpn_scores': jax.random.normal(k1, (4, 16384, 1), dtype=jnp.float32),
        'rpn_reg': jax.random.normal(k2, (4, 16384, 76), dtype=jnp.float32),
        'xyz': jax.random.normal(k3, (4, 16384, 3), dtype=jnp.float32),
    }


def reference(rpn_scores, rpn_reg, xyz):
    batch_size = xyz.shape[0]
    proposals = decode_bbox_target(xyz.reshape(-1, xyz.shape[-1]), rpn_reg.reshape(-1, rpn_reg.shape[-1]))
    proposals = proposals.reshape(batch_size, -1, 7)
    bev_cols = jnp.array([0, 2, 3, 5, 6])
    ret_bbox3d = []
    ret_scores = []
    for k in range(batch_size):
        bev = proposals[k][:, bev_cols]  # (x, z, w, h, r) per original index selection
        x1 = bev[:, 0] - bev[:, 2] / 2.0
        y1 = bev[:, 1] - bev[:, 3] / 2.0
        x2 = bev[:, 0] + bev[:, 2] / 2.0
        y2 = bev[:, 1] + bev[:, 3] / 2.0
        xyxy = jnp.stack([x1, y1, x2, y2], axis=1)
        idxs, valids = nms_fixed(xyxy, rpn_scores[k, :, 0], NMS_THRES, NMS_POST)
        mask = valids.astype(jnp.float32)[:, None]
        ret_bbox3d.append(proposals[k][idxs] * mask)
        ret_scores.append(rpn_scores[k][idxs] * mask)
    return jnp.stack(ret_bbox3d), jnp.stack(ret_scores)

if __name__ == "__main__":
    import jax
    _d = setup_inputs()
    print(jax.jit(kernel)(*tuple(_d.values())))

</pallas_src>

<mosaic_0001>
#map = affine_map<(d0, d1) -> (0, 0, 0)>
#map1 = affine_map<(d0, d1) -> (0, 0)>
module attributes {stable_mosaic.version = 14 : i64} {
  func.func @_sc_nms_body(%arg0: i32, %arg1: i32, %arg2: memref<12x4x16384xf32, #tpu.memory_space<hbm>>, %arg3: memref<4x16384xf32, #tpu.memory_space<hbm>>, %arg4: memref<4x512x7xf32, #tpu.memory_space<hbm>>, %arg5: memref<4x512xf32, #tpu.memory_space<hbm>>, %arg6: memref<16384xf32, #tpu.memory_space<vmem>>, %arg7: memref<16384xf32, #tpu.memory_space<vmem>>, %arg8: memref<16384xf32, #tpu.memory_space<vmem>>, %arg9: memref<16384xf32, #tpu.memory_space<vmem>>, %arg10: memref<16384xf32, #tpu.memory_space<vmem>>, %arg11: memref<16384xf32, #tpu.memory_space<vmem>>, %arg12: memref<16384xf32, #tpu.memory_space<vmem>>, %arg13: memref<128xf32, #tpu.memory_space<vmem>>, %arg14: memref<512xf32, #tpu.memory_space<vmem>>, %arg15: memref<512xf32, #tpu.memory_space<vmem>>, %arg16: memref<512xf32, #tpu.memory_space<vmem>>, %arg17: memref<512xf32, #tpu.memory_space<vmem>>, %arg18: memref<512xf32, #tpu.memory_space<vmem>>, %arg19: memref<512xf32, #tpu.memory_space<vmem>>, %arg20: memref<512xi32, #tpu.memory_space<vmem>>, %arg21: memref<512xf32, #tpu.memory_space<vmem>>, %arg22: memref<512x7xf32, #tpu.memory_space<vmem>>, %arg23: memref<!tpu.dma_semaphore, #tpu.memory_space<semaphore_mem>>) attributes {dimension_semantics = [#tpu.dimension_semantics<core_parallel>, #tpu.dimension_semantics<subcore_parallel>], iteration_bounds = array<i64: 1, 16>, scalar_prefetch = 0 : i64, scratch_operands = 18 : i64, tpu.core_type = #tpu.core_type<sc_vector_subcore>, window_params = [{transform_indices = #map}, {transform_indices = #map1}, {transform_indices = #map}, {transform_indices = #map1}]} {
    %lt3A = arith.constant 4 : i32
    %lt3A_0 = arith.cmpi slt, %arg1, %lt3A : i32
    %convert_element_type3A = arith.extui %lt3A_0 : i1 to i32
    %cond3A = arith.constant 0 : i32
    %cond3A_1 = arith.cmpi ne, %convert_element_type3A, %cond3A : i32
    scf.if %cond3A_1 {
      "tpu.region"() ({
        %run_scoped3A_55 = tpu.sem_alloc : memref<!tpu.dma_semaphore, #tpu.memory_space<semaphore_mem>>
        %dma_start3A = arith.constant 0 : i32
        %dma_start3A_56 = tpu.memref_slice %arg3[%arg1, %dma_start3A] : memref<4x16384xf32, #tpu.memory_space<hbm>> -> memref<1x16384xf32, #tpu.memory_space<hbm>>
        %dma_start3A_57 = tpu.memref_squeeze %dma_start3A_56 : memref<1x16384xf32, #tpu.memory_space<hbm>> -> memref<16384xf32, #tpu.memory_space<hbm>>
        %dma_start3A_58 = arith.constant 0 : i32
        %dma_start3A_59 = tpu.memref_slice %arg3[%arg1, %dma_start3A_58] : memref<4x16384xf32, #tpu.memory_space<hbm>> -> memref<1x16384xf32, #tpu.memory_space<hbm>>
        %dma_start3A_60 = tpu.memref_squeeze %dma_start3A_59 : memref<1x16384xf32, #tpu.memory_space<hbm>> -> memref<16384xf32, #tpu.memory_space<hbm>>
        tpu.enqueue_dma source(%dma_start3A_60 : memref<16384xf32, #tpu.memory_space<hbm>>) target(%arg6 : memref<16384xf32, #tpu.memory_space<vmem>>) target_semaphore(%run_scoped3A_55 : memref<!tpu.dma_semaphore, #tpu.memory_space<semaphore_mem>>)
        %dma_wait3A = arith.constant 0 : i32
        %dma_wait3A_61 = tpu.memref_slice %arg3[%arg1, %dma_wait3A] : memref<4x16384xf32, #tpu.memory_space<hbm>> -> memref<1x16384xf32, #tpu.memory_space<hbm>>
        %dma_wait3A_62 = tpu.memref_squeeze %dma_wait3A_61 : memref<1x16384xf32, #tpu.memory_space<hbm>> -> memref<16384xf32, #tpu.memory_space<hbm>>
        %dma_wait3A_63 = arith.constant 0 : i32
        %dma_wait3A_64 = tpu.memref_slice %arg3[%arg1, %dma_wait3A_63] : memref<4x16384xf32, #tpu.memory_space<hbm>> -> memref<1x16384xf32, #tpu.memory_space<hbm>>
        %dma_wait3A_65 = tpu.memref_squeeze %dma_wait3A_64 : memref<1x16384xf32, #tpu.memory_space<hbm>> -> memref<16384xf32, #tpu.memory_space<hbm>>
        tpu.wait_dma2 semaphore(%run_scoped3A_55 : memref<!tpu.dma_semaphore, #tpu.memory_space<semaphore_mem>>) src(%dma_wait3A_65 : memref<16384xf32, #tpu.memory_space<hbm>>) dst(%arg6 : memref<16384xf32, #tpu.memory_space<vmem>>)
        tpu.yield
      }) : () -> ()
      %run_scoped3A = arith.constant 7 : i32
      "tpu.region"() ({
        %run_scoped3A_55 = tpu.sem_alloc : memref<!tpu.dma_semaphore, #tpu.memory_space<semaphore_mem>>
        %dma_start3A = arith.constant 0 : i32
        %dma_start3A_56 = tpu.memref_slice %arg2[%run_scoped3A, %arg1, %dma_start3A] : memref<12x4x16384xf32, #tpu.memory_space<hbm>> -> memref<1x1x16384xf32, #tpu.memory_space<hbm>>
        %dma_start3A_57 = tpu.memref_squeeze %dma_start3A_56 : memref<1x1x16384xf32, #tpu.memory_space<hbm>> -> memref<16384xf32, #tpu.memory_space<hbm>>
        %dma_start3A_58 = arith.constant 0 : i32
        %dma_start3A_59 = tpu.memref_slice %arg2[%run_scoped3A, %arg1, %dma_start3A_58] : memref<12x4x16384xf32, #tpu.memory_space<hbm>> -> memref<1x1x16384xf32, #tpu.memory_space<hbm>>
        %dma_start3A_60 = tpu.memref_squeeze %dma_start3A_59 : memref<1x1x16384xf32, #tpu.memory_space<hbm>> -> memref<16384xf32, #tpu.memory_space<hbm>>
        tpu.enqueue_dma source(%dma_start3A_60 : memref<16384xf32, #tpu.memory_space<hbm>>) target(%arg7 : memref<16384xf32, #tpu.memory_space<vmem>>) target_semaphore(%run_scoped3A_55 : memref<!tpu.dma_semaphore, #tpu.memory_space<semaphore_mem>>)
        %dma_wait3A = arith.constant 0 : i32
        %dma_wait3A_61 = tpu.memref_slice %arg2[%run_scoped3A, %arg1, %dma_wait3A] : memref<12x4x16384xf32, #tpu.memory_space<hbm>> -> memref<1x1x16384xf32, #tpu.memory_space<hbm>>
        %dma_wait3A_62 = tpu.memref_squeeze %dma_wait3A_61 : memref<1x1x16384xf32, #tpu.memory_space<hbm>> -> memref<16384xf32, #tpu.memory_space<hbm>>
        %dma_wait3A_63 = arith.constant 0 : i32
        %dma_wait3A_64 = tpu.memref_slice %arg2[%run_scoped3A, %arg1, %dma_wait3A_63] : memref<12x4x16384xf32, #tpu.memory_space<hbm>> -> memref<1x1x16384xf32, #tpu.memory_space<hbm>>
        %dma_wait3A_65 = tpu.memref_squeeze %dma_wait3A_64 : memref<1x1x16384xf32, #tpu.memory_space<hbm>> -> memref<16384xf32, #tpu.memory_space<hbm>>
        tpu.wait_dma2 semaphore(%run_scoped3A_55 : memref<!tpu.dma_semaphore, #tpu.memory_space<semaphore_mem>>) src(%dma_wait3A_65 : memref<16384xf32, #tpu.memory_space<hbm>>) dst(%arg7 : memref<16384xf32, #tpu.memory_space<vmem>>)
        tpu.yield
      }) : () -> ()
      %run_scoped3A_2 = arith.constant 8 : i32
      "tpu.region"() ({
        %run_scoped3A_55 = tpu.sem_alloc : memref<!tpu.dma_semaphore, #tpu.memory_space<semaphore_mem>>
        %dma_start3A = arith.constant 0 : i32
        %dma_start3A_56 = tpu.memref_slice %arg2[%run_scoped3A_2, %arg1, %dma_start3A] : memref<12x4x16384xf32, #tpu.memory_space<hbm>> -> memref<1x1x16384xf32, #tpu.memory_space<hbm>>
        %dma_start3A_57 = tpu.memref_squeeze %dma_start3A_56 : memref<1x1x16384xf32, #tpu.memory_space<hbm>> -> memref<16384xf32, #tpu.memory_space<hbm>>
        %dma_start3A_58 = arith.constant 0 : i32
        %dma_start3A_59 = tpu.memref_slice %arg2[%run_scoped3A_2, %arg1, %dma_start3A_58] : memref<12x4x16384xf32, #tpu.memory_space<hbm>> -> memref<1x1x16384xf32, #tpu.memory_space<hbm>>
        %dma_start3A_60 = tpu.memref_squeeze %dma_start3A_59 : memref<1x1x16384xf32, #tpu.memory_space<hbm>> -> memref<16384xf32, #tpu.memory_space<hbm>>
        tpu.enqueue_dma source(%dma_start3A_60 : memref<16384xf32, #tpu.memory_space<hbm>>) target(%arg8 : memref<16384xf32, #tpu.memory_space<vmem>>) target_semaphore(%run_scoped3A_55 : memref<!tpu.dma_semaphore, #tpu.memory_space<semaphore_mem>>)
        %dma_wait3A = arith.constant 0 : i32
        %dma_wait3A_61 = tpu.memref_slice %arg2[%run_scoped3A_2, %arg1, %dma_wait3A] : memref<12x4x16384xf32, #tpu.memory_space<hbm>> -> memref<1x1x16384xf32, #tpu.memory_space<hbm>>
        %dma_wait3A_62 = tpu.memref_squeeze %dma_wait3A_61 : memref<1x1x16384xf32, #tpu.memory_space<hbm>> -> memref<16384xf32, #tpu.memory_space<hbm>>
        %dma_wait3A_63 = arith.constant 0 : i32
        %dma_wait3A_64 = tpu.memref_slice %arg2[%run_scoped3A_2, %arg1, %dma_wait3A_63] : memref<12x4x16384xf32, #tpu.memory_space<hbm>> -> memref<1x1x16384xf32, #tpu.memory_space<hbm>>
        %dma_wait3A_65 = tpu.memref_squeeze %dma_wait3A_64 : memref<1x1x16384xf32, #tpu.memory_space<hbm>> -> memref<16384xf32, #tpu.memory_space<hbm>>
        tpu.wait_dma2 semaphore(%run_scoped3A_55 : memref<!tpu.dma_semaphore, #tpu.memory_space<semaphore_mem>>) src(%dma_wait3A_65 : memref<16384xf32, #tpu.memory_space<hbm>>) dst(%arg8 : memref<16384xf32, #tpu.memory_space<vmem>>)
        tpu.yield
      }) : () -> ()
      %run_scoped3A_3 = arith.constant 9 : i32
      "tpu.region"() ({
        %run_scoped3A_55 = tpu.sem_alloc : memref<!tpu.dma_semaphore, #tpu.memory_space<semaphore_mem>>
        %dma_start3A = arith.constant 0 : i32
        %dma_start3A_56 = tpu.memref_slice %arg2[%run_scoped3A_3, %arg1, %dma_start3A] : memref<12x4x16384xf32, #tpu.memory_space<hbm>> -> memref<1x1x16384xf32, #tpu.memory_space<hbm>>
        %dma_start3A_57 = tpu.memref_squeeze %dma_start3A_56 : memref<1x1x16384xf32, #tpu.memory_space<hbm>> -> memref<16384xf32, #tpu.memory_space<hbm>>
        %dma_start3A_58 = arith.constant 0 : i32
        %dma_start3A_59 = tpu.memref_slice %arg2[%run_scoped3A_3, %arg1, %dma_start3A_58] : memref<12x4x16384xf32, #tpu.memory_space<hbm>> -> memref<1x1x16384xf32, #tpu.memory_space<hbm>>
        %dma_start3A_60 = tpu.memref_squeeze %dma_start3A_59 : memref<1x1x16384xf32, #tpu.memory_space<hbm>> -> memref<16384xf32, #tpu.memory_space<hbm>>
        tpu.enqueue_dma source(%dma_start3A_60 : memref<16384xf32, #tpu.memory_space<hbm>>) target(%arg9 : memref<16384xf32, #tpu.memory_space<vmem>>) target_semaphore(%run_scoped3A_55 : memref<!tpu.dma_semaphore, #tpu.memory_space<semaphore_mem>>)
        %dma_wait3A = arith.constant 0 : i32
        %dma_wait3A_61 = tpu.memref_slice %arg2[%run_scoped3A_3, %arg1, %dma_wait3A] : memref<12x4x16384xf32, #tpu.memory_space<hbm>> -> memref<1x1x16384xf32, #tpu.memory_space<hbm>>
        %dma_wait3A_62 = tpu.memref_squeeze %dma_wait3A_61 : memref<1x1x16384xf32, #tpu.memory_space<hbm>> -> memref<16384xf32, #tpu.memory_space<hbm>>
        %dma_wait3A_63 = arith.constant 0 : i32
        %dma_wait3A_64 = tpu.memref_slice %arg2[%run_scoped3A_3, %arg1, %dma_wait3A_63] : memref<12x4x16384xf32, #tpu.memory_space<hbm>> -> memref<1x1x16384xf32, #tpu.memory_space<hbm>>
        %dma_wait3A_65 = tpu.memref_squeeze %dma_wait3A_64 : memref<1x1x16384xf32, #tpu.memory_space<hbm>> -> memref<16384xf32, #tpu.memory_space<hbm>>
        tpu.wait_dma2 semaphore(%run_scoped3A_55 : memref<!tpu.dma_semaphore, #tpu.memory_space<semaphore_mem>>) src(%dma_wait3A_65 : memref<16384xf32, #tpu.memory_space<hbm>>) dst(%arg9 : memref<16384xf32, #tpu.memory_space<vmem>>)
        tpu.yield
      }) : () -> ()
      %run_scoped3A_4 = arith.constant 10 : i32
      "tpu.region"() ({
        %run_scoped3A_55 = tpu.sem_alloc : memref<!tpu.dma_semaphore, #tpu.memory_space<semaphore_mem>>
        %dma_start3A = arith.constant 0 : i32
        %dma_start3A_56 = tpu.memref_slice %arg2[%run_scoped3A_4, %arg1, %dma_start3A] : memref<12x4x16384xf32, #tpu.memory_space<hbm>> -> memref<1x1x16384xf32, #tpu.memory_space<hbm>>
        %dma_start3A_57 = tpu.memref_squeeze %dma_start3A_56 : memref<1x1x16384xf32, #tpu.memory_space<hbm>> -> memref<16384xf32, #tpu.memory_space<hbm>>
        %dma_start3A_58 = arith.constant 0 : i32
        %dma_start3A_59 = tpu.memref_slice %arg2[%run_scoped3A_4, %arg1, %dma_start3A_58] : memref<12x4x16384xf32, #tpu.memory_space<hbm>> -> memref<1x1x16384xf32, #tpu.memory_space<hbm>>
        %dma_start3A_60 = tpu.memref_squeeze %dma_start3A_59 : memref<1x1x16384xf32, #tpu.memory_space<hbm>> -> memref<16384xf32, #tpu.memory_space<hbm>>
        tpu.enqueue_dma source(%dma_start3A_60 : memref<16384xf32, #tpu.memory_space<hbm>>) target(%arg10 : memref<16384xf32, #tpu.memory_space<vmem>>) target_semaphore(%run_scoped3A_55 : memref<!tpu.dma_semaphore, #tpu.memory_space<semaphore_mem>>)
        %dma_wait3A = arith.constant 0 : i32
        %dma_wait3A_61 = tpu.memref_slice %arg2[%run_scoped3A_4, %arg1, %dma_wait3A] : memref<12x4x16384xf32, #tpu.memory_space<hbm>> -> memref<1x1x16384xf32, #tpu.memory_space<hbm>>
        %dma_wait3A_62 = tpu.memref_squeeze %dma_wait3A_61 : memref<1x1x16384xf32, #tpu.memory_space<hbm>> -> memref<16384xf32, #tpu.memory_space<hbm>>
        %dma_wait3A_63 = arith.constant 0 : i32
        %dma_wait3A_64 = tpu.memref_slice %arg2[%run_scoped3A_4, %arg1, %dma_wait3A_63] : memref<12x4x16384xf32, #tpu.memory_space<hbm>> -> memref<1x1x16384xf32, #tpu.memory_space<hbm>>
        %dma_wait3A_65 = tpu.memref_squeeze %dma_wait3A_64 : memref<1x1x16384xf32, #tpu.memory_space<hbm>> -> memref<16384xf32, #tpu.memory_space<hbm>>
        tpu.wait_dma2 semaphore(%run_scoped3A_55 : memref<!tpu.dma_semaphore, #tpu.memory_space<semaphore_mem>>) src(%dma_wait3A_65 : memref<16384xf32, #tpu.memory_space<hbm>>) dst(%arg10 : memref<16384xf32, #tpu.memory_space<vmem>>)
        tpu.yield
      }) : () -> ()
      %iota3A = tpu.iota {dimensions = array<i32: 0>} : vector<16xi32>
      %scan3A = arith.constant 0 : i32
      %scan3A_5 = arith.constant 0 : i32
      %scan3A_6 = arith.constant 128 : i32
      %scan3A_7 = arith.addi %scan3A_5, %scan3A_6 : i32
      %scan3A_8 = arith.constant 1 : i32
      scf.for %scan3A_55 = %scan3A_5 to %scan3A_7 step %scan3A_8  : i32 {
        %mul3A = arith.constant 128 : i32
        %mul3A_56 = arith.muli %scan3A_55, %mul3A : i32
        %get3A_57 = arith.index_cast %mul3A_56 : i32 to index
        %get3A_58 = tpu.vector_load %arg6[%get3A_57] {strides = array<i32>} : memref<16384xf32, #tpu.memory_space<vmem>>, vector<16xf32>,
        %mul3A_59 = arith.constant 128 : i32
        %mul3A_60 = arith.muli %scan3A_55, %mul3A_59 : i32
        %add3A = arith.constant 16 : i32
        %add3A_61 = arith.addi %mul3A_60, %add3A : i32
        %get3A_62 = arith.index_cast %add3A_61 : i32 to index
        %get3A_63 = tpu.vector_load %arg6[%get3A_62] {strides = array<i32>} : memref<16384xf32, #tpu.memory_space<vmem>>, vector<16xf32>,
        %max3A = arith.maximumf %get3A_58, %get3A_63 : vector<16xf32>
        %mul3A_64 = arith.constant 128 : i32
        %mul3A_65 = arith.muli %scan3A_55, %mul3A_64 : i32
        %add3A_66 = arith.constant 32 : i32
        %add3A_67 = arith.addi %mul3A_65, %add3A_66 : i32
        %get3A_68 = arith.index_cast %add3A_67 : i32 to index
        %get3A_69 = tpu.vector_load %arg6[%get3A_68] {strides = array<i32>} : memref<16384xf32, #tpu.memory_space<vmem>>, vector<16xf32>,
        %max3A_70 = arith.maximumf %max3A, %get3A_69 : vector<16xf32>
        %mul3A_71 = arith.constant 128 : i32
        %mul3A_72 = arith.muli %scan3A_55, %mul3A_71 : i32
        %add3A_73 = arith.constant 48 : i32
        %add3A_74 = arith.addi %mul3A_72, %add3A_73 : i32
        %get3A_75 = arith.index_cast %add3A_74 : i32 to index
        %get3A_76 = tpu.vector_load %arg6[%get3A_75] {strides = array<i32>} : memref<16384xf32, #tpu.memory_space<vmem>>, vector<16xf32>,
        %max3A_77 = arith.maximumf %max3A_70, %get3A_76 : vector<16xf32>
        %mul3A_78 = arith.constant 128 : i32
        %mul3A_79 = arith.muli %scan3A_55, %mul3A_78 : i32
        %add3A_80 = arith.constant 64 : i32
        %add3A_81 = arith.addi %mul3A_79, %add3A_80 : i32
        %get3A_82 = arith.index_cast %add3A_81 : i32 to index
        %get3A_83 = tpu.vector_load %arg6[%get3A_82] {strides = array<i32>} : memref<16384xf32, #tpu.memory_space<vmem>>, vector<16xf32>,
        %max3A_84 = arith.maximumf %max3A_77, %get3A_83 : vector<16xf32>
        %mul3A_85 = arith.constant 128 : i32
        %mul3A_86 = arith.muli %scan3A_55, %mul3A_85 : i32
        %add3A_87 = arith.constant 80 : i32
        %add3A_88 = arith.addi %mul3A_86, %add3A_87 : i32
        %get3A_89 = arith.index_cast %add3A_88 : i32 to index
        %get3A_90 = tpu.vector_load %arg6[%get3A_89] {strides = array<i32>} : memref<16384xf32, #tpu.memory_space<vmem>>, vector<16xf32>,
        %max3A_91 = arith.maximumf %max3A_84, %get3A_90 : vector<16xf32>
        %mul3A_92 = arith.constant 128 : i32
        %mul3A_93 = arith.muli %scan3A_55, %mul3A_92 : i32
        %add3A_94 = arith.constant 96 : i32
        %add3A_95 = arith.addi %mul3A_93, %add3A_94 : i32
        %get3A_96 = arith.index_cast %add3A_95 : i32 to index
        %get3A_97 = tpu.vector_load %arg6[%get3A_96] {strides = array<i32>} : memref<16384xf32, #tpu.memory_space<vmem>>, vector<16xf32>,
        %max3A_98 = arith.maximumf %max3A_91, %get3A_97 : vector<16xf32>
        %mul3A_99 = arith.constant 128 : i32
        %mul3A_100 = arith.muli %scan3A_55, %mul3A_99 : i32
        %add3A_101 = arith.constant 112 : i32
        %add3A_102 = arith.addi %mul3A_100, %add3A_101 : i32
        %get3A_103 = arith.index_cast %add3A_102 : i32 to index
        %get3A_104 = tpu.vector_load %arg6[%get3A_103] {strides = array<i32>} : memref<16384xf32, #tpu.memory_space<vmem>>, vector<16xf32>,
        %max3A_105 = arith.maximumf %max3A_98, %get3A_104 : vector<16xf32>
        %reduce_max3A = arith.constant true
        %reduce_max3A_106 = vector.broadcast %reduce_max3A : i1 to vector<16xi1>
        %reduce_max3A_107 = tpu.scan <max>, %max3A_105 masked %reduce_max3A_106 : vector<16xf32>, vector<16xi1> -> vector<16xf32>
        %reduce_max3A_108 = vector.extract %reduce_max3A_107[15] : f32 from vector<16xf32>
        %jit3A = arith.constant 16 : i32
        %div3A = arith.divsi %scan3A_55, %jit3A : i32
        %sign3A = arith.constant 0 : i32
        %sign3A_109 = arith.cmpi sgt, %scan3A_55, %sign3A : i32
        %sign3A_110 = arith.extui %sign3A_109 : i1 to i32
        %sign3A_111 = arith.constant 0 : i32
        %sign3A_112 = arith.cmpi slt, %scan3A_55, %sign3A_111 : i32
        %sign3A_113 = arith.extui %sign3A_112 : i1 to i32
        %sign3A_114 = arith.subi %sign3A_110, %sign3A_113 : i32
        %sign3A_115 = arith.constant 0 : i32
        %sign3A_116 = arith.cmpi sgt, %jit3A, %sign3A_115 : i32
        %sign3A_117 = arith.extui %sign3A_116 : i1 to i32
        %sign3A_118 = arith.constant 0 : i32
        %sign3A_119 = arith.cmpi slt, %jit3A, %sign3A_118 : i32
        %sign3A_120 = arith.extui %sign3A_119 : i1 to i32
        %sign3A_121 = arith.subi %sign3A_117, %sign3A_120 : i32
        %ne3A = arith.cmpi ne, %sign3A_114, %sign3A_121 : i32
        %rem3A = arith.remsi %scan3A_55, %jit3A : i32
        %ne3A_122 = arith.constant 0 : i32
        %ne3A_123 = arith.cmpi ne, %rem3A, %ne3A_122 : i32
        %and3A = arith.andi %ne3A, %ne3A_123 : i1
        %sub3A = arith.constant 1 : i32
        %sub3A_124 = arith.subi %div3A, %sub3A : i32
        %select_n3A = arith.select %and3A, %sub3A_124, %div3A : i32
        %mul3A_125 = arith.constant 16 : i32
        %mul3A_126 = arith.muli %select_n3A, %mul3A_125 : i32
        %get3A_127 = arith.index_cast %mul3A_126 : i32 to index
        %get3A_128 = tpu.vector_load %arg13[%get3A_127] {strides = array<i32>} : memref<128xf32, #tpu.memory_space<vmem>>, vector<16xf32>,
        %jit3A_129 = arith.constant 16 : i32
        %eq3A = arith.constant 0 : i32
        %eq3A_130 = arith.cmpi eq, %jit3A_129, %eq3A : i32
        %jit3A_131 = arith.constant 1 : i32
        %select_n3A_132 = arith.select %eq3A_130, %jit3A_131, %jit3A_129 : i32
        %rem3A_133 = arith.remsi %scan3A_55, %select_n3A_132 : i32
        %ne3A_134 = arith.constant 0 : i32
        %ne3A_135 = arith.cmpi ne, %rem3A_133, %ne3A_134 : i32
        %lt3A_136 = arith.constant 0 : i32
        %lt3A_137 = arith.cmpi slt, %rem3A_133, %lt3A_136 : i32
        %lt3A_138 = arith.constant 0 : i32
        %lt3A_139 = arith.cmpi slt, %select_n3A_132, %lt3A_138 : i32
        %ne3A_140 = arith.xori %lt3A_137, %lt3A_139 : i1
        %and3A_141 = arith.andi %ne3A_140, %ne3A_135 : i1
        %add3A_142 = arith.addi %rem3A_133, %select_n3A_132 : i32
        %select_n3A_143 = arith.select %and3A_141, %add3A_142, %rem3A_133 : i32
        %eq3A_144 = vector.broadcast %select_n3A_143 : i32 to vector<16xi32>
        %eq3A_145 = arith.cmpi eq, %iota3A, %eq3A_144 : vector<16xi32>
        %broadcast_in_dim3A = vector.broadcast %reduce_max3A_108 : f32 to vector<16xf32>
        %select_n3A_146 = arith.select %eq3A_145, %broadcast_in_dim3A, %get3A_128 : vector<16xi1>, vector<16xf32>
        %swap3A = arith.index_cast %mul3A_126 : i32 to index
        %swap3A_147 = tpu.vector_load %arg13[%swap3A] {strides = array<i32>} : memref<128xf32, #tpu.memory_space<vmem>>, vector<16xf32>,
        tpu.vector_store %arg13[%swap3A], %select_n3A_146 {strides = array<i32>} : memref<128xf32, #tpu.memory_space<vmem>>, vector<16xf32>,
      }
      %scan3A_9 = arith.constant 128 : i32
      %scan3A_10 = arith.constant 0 : i32
      %scan3A_11 = arith.constant 1.000000e+30 : f32
      %scan3A_12 = arith.constant 0 : i32
      %scan3A_13 = arith.constant 32 : i32
      %scan3A_14 = arith.addi %scan3A_12, %scan3A_13 : i32
      %scan3A_15 = arith.constant 1 : i32
      scf.for %scan3A_55 = %scan3A_12 to %scan3A_14 step %scan3A_15  : i32 {
        %mul3A = arith.constant 16 : i32
        %mul3A_56 = arith.muli %scan3A_55, %mul3A : i32
        %broadcast_in_dim3A = vector.broadcast %scan3A_11 : f32 to vector<16xf32>
        %swap3A = arith.index_cast %mul3A_56 : i32 to index
        %swap3A_57 = tpu.vector_load %arg14[%swap3A] {strides = array<i32>} : memref<512xf32, #tpu.memory_space<vmem>>, vector<16xf32>,
        tpu.vector_store %arg14[%swap3A], %broadcast_in_dim3A {strides = array<i32>} : memref<512xf32, #tpu.memory_space<vmem>>, vector<16xf32>,
        %broadcast_in_dim3A_58 = vector.broadcast %scan3A_11 : f32 to vector<16xf32>
        %swap3A_59 = arith.index_cast %mul3A_56 : i32 to index
        %swap3A_60 = tpu.vector_load %arg15[%swap3A_59] {strides = array<i32>} : memref<512xf32, #tpu.memory_space<vmem>>, vector<16xf32>,
        tpu.vector_store %arg15[%swap3A_59], %broadcast_in_dim3A_58 {strides = array<i32>} : memref<512xf32, #tpu.memory_space<vmem>>, vector<16xf32>,
        %neg3A = arith.constant 0.000000e+00 : f32
        %neg3A_61 = arith.subf %neg3A, %scan3A_11 : f32
        %broadcast_in_dim3A_62 = vector.broadcast %neg3A_61 : f32 to vector<16xf32>
        %swap3A_63 = arith.index_cast %mul3A_56 : i32 to index
        %swap3A_64 = tpu.vector_load %arg16[%swap3A_63] {strides = array<i32>} : memref<512xf32, #tpu.memory_space<vmem>>, vector<16xf32>,
        tpu.vector_store %arg16[%swap3A_63], %broadcast_in_dim3A_62 {strides = array<i32>} : memref<512xf32, #tpu.memory_space<vmem>>, vector<16xf32>,
        %neg3A_65 = arith.constant 0.000000e+00 : f32
        %neg3A_66 = arith.subf %neg3A_65, %scan3A_11 : f32
        %broadcast_in_dim3A_67 = vector.broadcast %neg3A_66 : f32 to vector<16xf32>
        %swap3A_68 = arith.index_cast %mul3A_56 : i32 to index
        %swap3A_69 = tpu.vector_load %arg17[%swap3A_68] {strides = array<i32>} : memref<512xf32, #tpu.memory_space<vmem>>, vector<16xf32>,
        tpu.vector_store %arg17[%swap3A_68], %broadcast_in_dim3A_67 {strides = array<i32>} : memref<512xf32, #tpu.memory_space<vmem>>, vector<16xf32>,
        %broadcast_in_dim3A_70 = arith.constant 0.000000e+00 : f32
        %broadcast_in_dim3A_71 = vector.broadcast %broadcast_in_dim3A_70 : f32 to vector<16xf32>
        %swap3A_72 = arith.index_cast %mul3A_56 : i32 to index
        %swap3A_73 = tpu.vector_load %arg18[%swap3A_72] {strides = array<i32>} : memref<512xf32, #tpu.memory_space<vmem>>, vector<16xf32>,
        tpu.vector_store %arg18[%swap3A_72], %broadcast_in_dim3A_71 {strides = array<i32>} : memref<512xf32, #tpu.memory_space<vmem>>, vector<16xf32>,
        %broadcast_in_dim3A_74 = arith.constant 0.000000e+00 : f32
        %broadcast_in_dim3A_75 = vector.broadcast %broadcast_in_dim3A_74 : f32 to vector<16xf32>
        %swap3A_76 = arith.index_cast %mul3A_56 : i32 to index
        %swap3A_77 = tpu.vector_load %arg19[%swap3A_76] {strides = array<i32>} : memref<512xf32, #tpu.memory_space<vmem>>, vector<16xf32>,
        tpu.vector_store %arg19[%swap3A_76], %broadcast_in_dim3A_75 {strides = array<i32>} : memref<512xf32, #tpu.memory_space<vmem>>, vector<16xf32>,
      }
      %scan3A_16 = arith.constant 32 : i32
      %scan3A_17 = arith.constant 0 : i32
      %scan3A_18 = arith.constant 0 : i32
      %scan3A_19 = arith.constant 32 : i32
      %scan3A_20 = arith.addi %scan3A_18, %scan3A_19 : i32
      %scan3A_21 = arith.constant 1 : i32
      scf.for %scan3A_55 = %scan3A_18 to %scan3A_20 step %scan3A_21  : i32 {
        %broadcast_in_dim3A = arith.constant 0 : i32
        %broadcast_in_dim3A_56 = vector.broadcast %broadcast_in_dim3A : i32 to vector<16xi32>
        %mul3A = arith.constant 16 : i32
        %mul3A_57 = arith.muli %scan3A_55, %mul3A : i32
        %swap3A = arith.index_cast %mul3A_57 : i32 to index
        %swap3A_58 = tpu.vector_load %arg20[%swap3A] {strides = array<i32>} : memref<512xi32, #tpu.memory_space<vmem>>, vector<16xi32>,
        tpu.vector_store %arg20[%swap3A], %broadcast_in_dim3A_56 {strides = array<i32>} : memref<512xi32, #tpu.memory_space<vmem>>, vector<16xi32>,
        %broadcast_in_dim3A_59 = arith.constant 0.000000e+00 : f32
        %broadcast_in_dim3A_60 = vector.broadcast %broadcast_in_dim3A_59 : f32 to vector<16xf32>
        %mul3A_61 = arith.constant 16 : i32
        %mul3A_62 = arith.muli %scan3A_55, %mul3A_61 : i32
        %swap3A_63 = arith.index_cast %mul3A_62 : i32 to index
        %swap3A_64 = tpu.vector_load %arg21[%swap3A_63] {strides = array<i32>} : memref<512xf32, #tpu.memory_space<vmem>>, vector<16xf32>,
        tpu.vector_store %arg21[%swap3A_63], %broadcast_in_dim3A_60 {strides = array<i32>} : memref<512xf32, #tpu.memory_space<vmem>>, vector<16xf32>,
      }
      %scan3A_22 = arith.constant 32 : i32
      %get3A = arith.constant 0 : index
      %get3A_23 = tpu.vector_load %arg13[%get3A] {strides = array<i32>} : memref<128xf32, #tpu.memory_space<vmem>>, vector<16xf32>,
      %get3A_24 = arith.constant 16 : index
      %get3A_25 = tpu.vector_load %arg13[%get3A_24] {strides = array<i32>} : memref<128xf32, #tpu.memory_space<vmem>>, vector<16xf32>,
      %get3A_26 = arith.constant 32 : index
      %get3A_27 = tpu.vector_load %arg13[%get3A_26] {strides = array<i32>} : memref<128xf32, #tpu.memory_space<vmem>>, vector<16xf32>,
      %get3A_28 = arith.constant 48 : index
      %get3A_29 = tpu.vector_load %arg13[%get3A_28] {strides = array<i32>} : memref<128xf32, #tpu.memory_space<vmem>>, vector<16xf32>,
      %get3A_30 = arith.constant 64 : index
      %get3A_31 = tpu.vector_load %arg13[%get3A_30] {strides = array<i32>} : memref<128xf32, #tpu.memory_space<vmem>>, vector<16xf32>,
      %get3A_32 = arith.constant 80 : index
      %get3A_33 = tpu.vector_load %arg13[%get3A_32] {strides = array<i32>} : memref<128xf32, #tpu.memory_space<vmem>>, vector<16xf32>,
      %get3A_34 = arith.constant 96 : index
      %get3A_35 = tpu.vector_load %arg13[%get3A_34] {strides = array<i32>} : memref<128xf32, #tpu.memory_space<vmem>>, vector<16xf32>,
      %get3A_36 = arith.constant 112 : index
      %get3A_37 = tpu.vector_load %arg13[%get3A_36] {strides = array<i32>} : memref<128xf32, #tpu.memory_space<vmem>>, vector<16xf32>,
      %while3A = arith.constant 1073741824 : i32
      %while3A_38 = arith.constant 0xFF800000 : f32
      %while3A_39 = arith.constant 0 : i32
      %while3A_40 = arith.constant true
      %while3A_41:10 = scf.while (%while3A_55 = %while3A_39, %while3A_56 = %while3A_40, %while3A_57 = %get3A_23, %while3A_58 = %get3A_25, %while3A_59 = %get3A_27, %while3A_60 = %get3A_29, %while3A_61 = %get3A_31, %while3A_62 = %get3A_33, %while3A_63 = %get3A_35, %while3A_64 = %get3A_37) : (i32, i1, vector<16xf32>, vector<16xf32>, vector<16xf32>, vector<16xf32>, vector<16xf32>, vector<16xf32>, vector<16xf32>, vector<16xf32>) -> (i32, i1, vector<16xf32>, vector<16xf32>, vector<16xf32>, vector<16xf32>, vector<16xf32>, vector<16xf32>, vector<16xf32>, vector<16xf32>) {
        %lt3A_65 = arith.constant 512 : i32
        %lt3A_66 = arith.cmpi slt, %while3A_55, %lt3A_65 : i32
        %and3A = arith.andi %lt3A_66, %while3A_56 : i1
        scf.condition(%and3A) %while3A_55, %while3A_56, %while3A_57, %while3A_58, %while3A_59, %while3A_60, %while3A_61, %while3A_62, %while3A_63, %while3A_64 : i32, i1, vector<16xf32>, vector<16xf32>, vector<16xf32>, vector<16xf32>, vector<16xf32>, vector<16xf32>, vector<16xf32>, vector<16xf32>
      } do {
      ^bb0(%while3A_55: i32, %while3A_56: i1, %while3A_57: vector<16xf32>, %while3A_58: vector<16xf32>, %while3A_59: vector<16xf32>, %while3A_60: vector<16xf32>, %while3A_61: vector<16xf32>, %while3A_62: vector<16xf32>, %while3A_63: vector<16xf32>, %while3A_64: vector<16xf32>):
        %max3A = arith.maximumf %while3A_57, %while3A_58 : vector<16xf32>
        %max3A_65 = arith.maximumf %max3A, %while3A_59 : vector<16xf32>
        %max3A_66 = arith.maximumf %max3A_65, %while3A_60 : vector<16xf32>
        %max3A_67 = arith.maximumf %max3A_66, %while3A_61 : vector<16xf32>
        %max3A_68 = arith.maximumf %max3A_67, %while3A_62 : vector<16xf32>
        %max3A_69 = arith.maximumf %max3A_68, %while3A_63 : vector<16xf32>
        %max3A_70 = arith.maximumf %max3A_69, %while3A_64 : vector<16xf32>
        %reduce_max3A = arith.constant true
        %reduce_max3A_71 = vector.broadcast %reduce_max3A : i1 to vector<16xi1>
        %reduce_max3A_72 = tpu.scan <max>, %max3A_70 masked %reduce_max3A_71 : vector<16xf32>, vector<16xi1> -> vector<16xf32>
        %reduce_max3A_73 = vector.extract %reduce_max3A_72[15] : f32 from vector<16xf32>
        %broadcast_in_dim3A = vector.broadcast %while3A : i32 to vector<16xi32>
        %eq3A = vector.broadcast %reduce_max3A_73 : f32 to vector<16xf32>
        %eq3A_74 = arith.cmpf oeq, %while3A_57, %eq3A : vector<16xf32>
        %add3A = arith.constant 0 : i32
        %add3A_75 = vector.broadcast %add3A : i32 to vector<16xi32>
        %add3A_76 = arith.addi %iota3A, %add3A_75 : vector<16xi32>
        %broadcast_in_dim3A_77 = vector.broadcast %while3A : i32 to vector<16xi32>
        %select_n3A = arith.select %eq3A_74, %add3A_76, %broadcast_in_dim3A_77 : vector<16xi1>, vector<16xi32>
        %min3A = arith.minsi %broadcast_in_dim3A, %select_n3A : vector<16xi32>
        %eq3A_78 = vector.broadcast %reduce_max3A_73 : f32 to vector<16xf32>
        %eq3A_79 = arith.cmpf oeq, %while3A_58, %eq3A_78 : vector<16xf32>
        %add3A_80 = arith.constant 16 : i32
        %add3A_81 = vector.broadcast %add3A_80 : i32 to vector<16xi32>
        %add3A_82 = arith.addi %iota3A, %add3A_81 : vector<16xi32>
        %broadcast_in_dim3A_83 = vector.broadcast %while3A : i32 to vector<16xi32>
        %select_n3A_84 = arith.select %eq3A_79, %add3A_82, %broadcast_in_dim3A_83 : vector<16xi1>, vector<16xi32>
        %min3A_85 = arith.minsi %min3A, %select_n3A_84 : vector<16xi32>
        %eq3A_86 = vector.broadcast %reduce_max3A_73 : f32 to vector<16xf32>
        %eq3A_87 = arith.cmpf oeq, %while3A_59, %eq3A_86 : vector<16xf32>
        %add3A_88 = arith.constant 32 : i32
        %add3A_89 = vector.broadcast %add3A_88 : i32 to vector<16xi32>
        %add3A_90 = arith.addi %iota3A, %add3A_89 : vector<16xi32>
        %broadcast_in_dim3A_91 = vector.broadcast %while3A : i32 to vector<16xi32>
        %select_n3A_92 = arith.select %eq3A_87, %add3A_90, %broadcast_in_dim3A_91 : vector<16xi1>, vector<16xi32>
        %min3A_93 = arith.minsi %min3A_85, %select_n3A_92 : vector<16xi32>
        %eq3A_94 = vector.broadcast %reduce_max3A_73 : f32 to vector<16xf32>
        %eq3A_95 = arith.cmpf oeq, %while3A_60, %eq3A_94 : vector<16xf32>
        %add3A_96 = arith.constant 48 : i32
        %add3A_97 = vector.broadcast %add3A_96 : i32 to vector<16xi32>
        %add3A_98 = arith.addi %iota3A, %add3A_97 : vector<16xi32>
        %broadcast_in_dim3A_99 = vector.broadcast %while3A : i32 to vector<16xi32>
        %select_n3A_100 = arith.select %eq3A_95, %add3A_98, %broadcast_in_dim3A_99 : vector<16xi1>, vector<16xi32>
        %min3A_101 = arith.minsi %min3A_93, %select_n3A_100 : vector<16xi32>
        %eq3A_102 = vector.broadcast %reduce_max3A_73 : f32 to vector<16xf32>
        %eq3A_103 = arith.cmpf oeq, %while3A_61, %eq3A_102 : vector<16xf32>
        %add3A_104 = arith.constant 64 : i32
        %add3A_105 = vector.broadcast %add3A_104 : i32 to vector<16xi32>
        %add3A_106 = arith.addi %iota3A, %add3A_105 : vector<16xi32>
        %broadcast_in_dim3A_107 = vector.broadcast %while3A : i32 to vector<16xi32>
        %select_n3A_108 = arith.select %eq3A_103, %add3A_106, %broadcast_in_dim3A_107 : vector<16xi1>, vector<16xi32>
        %min3A_109 = arith.minsi %min3A_101, %select_n3A_108 : vector<16xi32>
        %eq3A_110 = vector.broadcast %reduce_max3A_73 : f32 to vector<16xf32>
        %eq3A_111 = arith.cmpf oeq, %while3A_62, %eq3A_110 : vector<16xf32>
        %add3A_112 = arith.constant 80 : i32
        %add3A_113 = vector.broadcast %add3A_112 : i32 to vector<16xi32>
        %add3A_114 = arith.addi %iota3A, %add3A_113 : vector<16xi32>
        %broadcast_in_dim3A_115 = vector.broadcast %while3A : i32 to vector<16xi32>
        %select_n3A_116 = arith.select %eq3A_111, %add3A_114, %broadcast_in_dim3A_115 : vector<16xi1>, vector<16xi32>
        %min3A_117 = arith.minsi %min3A_109, %select_n3A_116 : vector<16xi32>
        %eq3A_118 = vector.broadcast %reduce_max3A_73 : f32 to vector<16xf32>
        %eq3A_119 = arith.cmpf oeq, %while3A_63, %eq3A_118 : vector<16xf32>
        %add3A_120 = arith.constant 96 : i32
        %add3A_121 = vector.broadcast %add3A_120 : i32 to vector<16xi32>
        %add3A_122 = arith.addi %iota3A, %add3A_121 : vector<16xi32>
        %broadcast_in_dim3A_123 = vector.broadcast %while3A : i32 to vector<16xi32>
        %select_n3A_124 = arith.select %eq3A_119, %add3A_122, %broadcast_in_dim3A_123 : vector<16xi1>, vector<16xi32>
        %min3A_125 = arith.minsi %min3A_117, %select_n3A_124 : vector<16xi32>
        %eq3A_126 = vector.broadcast %reduce_max3A_73 : f32 to vector<16xf32>
        %eq3A_127 = arith.cmpf oeq, %while3A_64, %eq3A_126 : vector<16xf32>
        %add3A_128 = arith.constant 112 : i32
        %add3A_129 = vector.broadcast %add3A_128 : i32 to vector<16xi32>
        %add3A_130 = arith.addi %iota3A, %add3A_129 : vector<16xi32>
        %broadcast_in_dim3A_131 = vector.broadcast %while3A : i32 to vector<16xi32>
        %select_n3A_132 = arith.select %eq3A_127, %add3A_130, %broadcast_in_dim3A_131 : vector<16xi1>, vector<16xi32>
        %min3A_133 = arith.minsi %min3A_125, %select_n3A_132 : vector<16xi32>
        %reduce_min3A = arith.constant true
        %reduce_min3A_134 = vector.broadcast %reduce_min3A : i1 to vector<16xi1>
        %reduce_min3A_135 = arith.constant -2147483648 : i32
        %reduce_min3A_136 = vector.broadcast %reduce_min3A_135 : i32 to vector<16xi32>
        %reduce_min3A_137 = arith.xori %min3A_133, %reduce_min3A_136 : vector<16xi32>
        %reduce_min3A_138 = tpu.scan <min>, %reduce_min3A_137 masked %reduce_min3A_134 : vector<16xi32>, vector<16xi1> -> vector<16xi32>
        %reduce_min3A_139 = arith.xori %reduce_min3A_138, %reduce_min3A_136 : vector<16xi32>
        %reduce_min3A_140 = vector.extract %reduce_min3A_139[15] : i32 from vector<16xi32>
        %mul3A = arith.constant 128 : i32
        %mul3A_141 = arith.muli %reduce_min3A_140, %mul3A : i32
        %broadcast_in_dim3A_142 = vector.broadcast %while3A : i32 to vector<16xi32>
        %add3A_143 = arith.constant 0 : i32
        %add3A_144 = arith.addi %mul3A_141, %add3A_143 : i32
        %get3A_145 = arith.index_cast %add3A_144 : i32 to index
        %get3A_146 = tpu.vector_load %arg6[%get3A_145] {strides = array<i32>} : memref<16384xf32, #tpu.memory_space<vmem>>, vector<16xf32>,
        %eq3A_147 = vector.broadcast %reduce_max3A_73 : f32 to vector<16xf32>
        %eq3A_148 = arith.cmpf oeq, %get3A_146, %eq3A_147 : vector<16xf32>
        %add3A_149 = arith.constant 0 : i32
        %add3A_150 = vector.broadcast %add3A_149 : i32 to vector<16xi32>
        %add3A_151 = arith.addi %iota3A, %add3A_150 : vector<16xi32>
        %broadcast_in_dim3A_152 = vector.broadcast %while3A : i32 to vector<16xi32>
        %select_n3A_153 = arith.select %eq3A_148, %add3A_151, %broadcast_in_dim3A_152 : vector<16xi1>, vector<16xi32>
        %min3A_154 = arith.minsi %broadcast_in_dim3A_142, %select_n3A_153 : vector<16xi32>
        %add3A_155 = arith.constant 16 : i32
        %add3A_156 = arith.addi %mul3A_141, %add3A_155 : i32
        %get3A_157 = arith.index_cast %add3A_156 : i32 to index
        %get3A_158 = tpu.vector_load %arg6[%get3A_157] {strides = array<i32>} : memref<16384xf32, #tpu.memory_space<vmem>>, vector<16xf32>,
        %eq3A_159 = vector.broadcast %reduce_max3A_73 : f32 to vector<16xf32>
        %eq3A_160 = arith.cmpf oeq, %get3A_158, %eq3A_159 : vector<16xf32>
        %add3A_161 = arith.constant 16 : i32
        %add3A_162 = vector.broadcast %add3A_161 : i32 to vector<16xi32>
        %add3A_163 = arith.addi %iota3A, %add3A_162 : vector<16xi32>
        %broadcast_in_dim3A_164 = vector.broadcast %while3A : i32 to vector<16xi32>
        %select_n3A_165 = arith.select %eq3A_160, %add3A_163, %broadcast_in_dim3A_164 : vector<16xi1>, vector<16xi32>
        %min3A_166 = arith.minsi %min3A_154, %select_n3A_165 : vector<16xi32>
        %add3A_167 = arith.constant 32 : i32
        %add3A_168 = arith.addi %mul3A_141, %add3A_167 : i32
        %get3A_169 = arith.index_cast %add3A_168 : i32 to index
        %get3A_170 = tpu.vector_load %arg6[%get3A_169] {strides = array<i32>} : memref<16384xf32, #tpu.memory_space<vmem>>, vector<16xf32>,
        %eq3A_171 = vector.broadcast %reduce_max3A_73 : f32 to vector<16xf32>
        %eq3A_172 = arith.cmpf oeq, %get3A_170, %eq3A_171 : vector<16xf32>
        %add3A_173 = arith.constant 32 : i32
        %add3A_174 = vector.broadcast %add3A_173 : i32 to vector<16xi32>
        %add3A_175 = arith.addi %iota3A, %add3A_174 : vector<16xi32>
        %broadcast_in_dim3A_176 = vector.broadcast %while3A : i32 to vector<16xi32>
        %select_n3A_177 = arith.select %eq3A_172, %add3A_175, %broadcast_in_dim3A_176 : vector<16xi1>, vector<16xi32>
        %min3A_178 = arith.minsi %min3A_166, %select_n3A_177 : vector<16xi32>
        %add3A_179 = arith.constant 48 : i32
        %add3A_180 = arith.addi %mul3A_141, %add3A_179 : i32
        %get3A_181 = arith.index_cast %add3A_180 : i32 to index
        %get3A_182 = tpu.vector_load %arg6[%get3A_181] {strides = array<i32>} : memref<16384xf32, #tpu.memory_space<vmem>>, vector<16xf32>,
        %eq3A_183 = vector.broadcast %reduce_max3A_73 : f32 to vector<16xf32>
        %eq3A_184 = arith.cmpf oeq, %get3A_182, %eq3A_183 : vector<16xf32>
        %add3A_185 = arith.constant 48 : i32
        %add3A_186 = vector.broadcast %add3A_185 : i32 to vector<16xi32>
        %add3A_187 = arith.addi %iota3A, %add3A_186 : vector<16xi32>
        %broadcast_in_dim3A_188 = vector.broadcast %while3A : i32 to vector<16xi32>
        %select_n3A_189 = arith.select %eq3A_184, %add3A_187, %broadcast_in_dim3A_188 : vector<16xi1>, vector<16xi32>
        %min3A_190 = arith.minsi %min3A_178, %select_n3A_189 : vector<16xi32>
        %add3A_191 = arith.constant 64 : i32
        %add3A_192 = arith.addi %mul3A_141, %add3A_191 : i32
        %get3A_193 = arith.index_cast %add3A_192 : i32 to index
        %get3A_194 = tpu.vector_load %arg6[%get3A_193] {strides = array<i32>} : memref<16384xf32, #tpu.memory_space<vmem>>, vector<16xf32>,
        %eq3A_195 = vector.broadcast %reduce_max3A_73 : f32 to vector<16xf32>
        %eq3A_196 = arith.cmpf oeq, %get3A_194, %eq3A_195 : vector<16xf32>
        %add3A_197 = arith.constant 64 : i32
        %add3A_198 = vector.broadcast %add3A_197 : i32 to vector<16xi32>
        %add3A_199 = arith.addi %iota3A, %add3A_198 : vector<16xi32>
        %broadcast_in_dim3A_200 = vector.broadcast %while3A : i32 to vector<16xi32>
        %select_n3A_201 = arith.select %eq3A_196, %add3A_199, %broadcast_in_dim3A_200 : vector<16xi1>, vector<16xi32>
        %min3A_202 = arith.minsi %min3A_190, %select_n3A_201 : vector<16xi32>
        %add3A_203 = arith.constant 80 : i32
        %add3A_204 = arith.addi %mul3A_141, %add3A_203 : i32
        %get3A_205 = arith.index_cast %add3A_204 : i32 to index
        %get3A_206 = tpu.vector_load %arg6[%get3A_205] {strides = array<i32>} : memref<16384xf32, #tpu.memory_space<vmem>>, vector<16xf32>,
        %eq3A_207 = vector.broadcast %reduce_max3A_73 : f32 to vector<16xf32>
        %eq3A_208 = arith.cmpf oeq, %get3A_206, %eq3A_207 : vector<16xf32>
        %add3A_209 = arith.constant 80 : i32
        %add3A_210 = vector.broadcast %add3A_209 : i32 to vector<16xi32>
        %add3A_211 = arith.addi %iota3A, %add3A_210 : vector<16xi32>
        %broadcast_in_dim3A_212 = vector.broadcast %while3A : i32 to vector<16xi32>
        %select_n3A_213 = arith.select %eq3A_208, %add3A_211, %broadcast_in_dim3A_212 : vector<16xi1>, vector<16xi32>
        %min3A_214 = arith.minsi %min3A_202, %select_n3A_213 : vector<16xi32>
        %add3A_215 = arith.constant 96 : i32
        %add3A_216 = arith.addi %mul3A_141, %add3A_215 : i32
        %get3A_217 = arith.index_cast %add3A_216 : i32 to index
        %get3A_218 = tpu.vector_load %arg6[%get3A_217] {strides = array<i32>} : memref<16384xf32, #tpu.memory_space<vmem>>, vector<16xf32>,
        %eq3A_219 = vector.broadcast %reduce_max3A_73 : f32 to vector<16xf32>
        %eq3A_220 = arith.cmpf oeq, %get3A_218, %eq3A_219 : vector<16xf32>
        %add3A_221 = arith.constant 96 : i32
        %add3A_222 = vector.broadcast %add3A_221 : i32 to vector<16xi32>
        %add3A_223 = arith.addi %iota3A, %add3A_222 : vector<16xi32>
        %broadcast_in_dim3A_224 = vector.broadcast %while3A : i32 to vector<16xi32>
        %select_n3A_225 = arith.select %eq3A_220, %add3A_223, %broadcast_in_dim3A_224 : vector<16xi1>, vector<16xi32>
        %min3A_226 = arith.minsi %min3A_214, %select_n3A_225 : vector<16xi32>
        %add3A_227 = arith.constant 112 : i32
        %add3A_228 = arith.addi %mul3A_141, %add3A_227 : i32
        %get3A_229 = arith.index_cast %add3A_228 : i32 to index
        %get3A_230 = tpu.vector_load %arg6[%get3A_229] {strides = array<i32>} : memref<16384xf32, #tpu.memory_space<vmem>>, vector<16xf32>,
        %eq3A_231 = vector.broadcast %reduce_max3A_73 : f32 to vector<16xf32>
        %eq3A_232 = arith.cmpf oeq, %get3A_230, %eq3A_231 : vector<16xf32>
        %add3A_233 = arith.constant 112 : i32
        %add3A_234 = vector.broadcast %add3A_233 : i32 to vector<16xi32>
        %add3A_235 = arith.addi %iota3A, %add3A_234 : vector<16xi32>
        %broadcast_in_dim3A_236 = vector.broadcast %while3A : i32 to vector<16xi32>
        %select_n3A_237 = arith.select %eq3A_232, %add3A_235, %broadcast_in_dim3A_236 : vector<16xi1>, vector<16xi32>
        %min3A_238 = arith.minsi %min3A_226, %select_n3A_237 : vector<16xi32>
        %reduce_min3A_239 = arith.constant true
        %reduce_min3A_240 = vector.broadcast %reduce_min3A_239 : i1 to vector<16xi1>
        %reduce_min3A_241 = arith.constant -2147483648 : i32
        %reduce_min3A_242 = vector.broadcast %reduce_min3A_241 : i32 to vector<16xi32>
        %reduce_min3A_243 = arith.xori %min3A_238, %reduce_min3A_242 : vector<16xi32>
        %reduce_min3A_244 = tpu.scan <min>, %reduce_min3A_243 masked %reduce_min3A_240 : vector<16xi32>, vector<16xi1> -> vector<16xi32>
        %reduce_min3A_245 = arith.xori %reduce_min3A_244, %reduce_min3A_242 : vector<16xi32>
        %reduce_min3A_246 = vector.extract %reduce_min3A_245[15] : i32 from vector<16xi32>
        %add3A_247 = arith.addi %mul3A_141, %reduce_min3A_246 : i32
        %broadcast_in_dim3A_248 = arith.constant 0 : i32
        %broadcast_in_dim3A_249 = vector.broadcast %broadcast_in_dim3A_248 : i32 to vector<16xi32>
        %add3A_250 = vector.broadcast %add3A_247 : i32 to vector<16xi32>
        %add3A_251 = arith.addi %broadcast_in_dim3A_249, %add3A_250 : vector<16xi32>
        %gather3A = tpu.vector_load_idx %arg7[%add3A_251] : memref<16384xf32, #tpu.memory_space<vmem>>[vector<16xi32>], vector<16xf32>,
        %gather3A_252 = tpu.vector_load_idx %arg8[%add3A_251] : memref<16384xf32, #tpu.memory_space<vmem>>[vector<16xi32>], vector<16xf32>,
        %gather3A_253 = tpu.vector_load_idx %arg9[%add3A_251] : memref<16384xf32, #tpu.memory_space<vmem>>[vector<16xi32>], vector<16xf32>,
        %gather3A_254 = tpu.vector_load_idx %arg10[%add3A_251] : memref<16384xf32, #tpu.memory_space<vmem>>[vector<16xi32>], vector<16xf32>,
        %sub3A = arith.subf %gather3A_253, %gather3A : vector<16xf32>
        %max3A_255 = arith.constant 0.000000e+00 : f32
        %max3A_256 = vector.broadcast %max3A_255 : f32 to vector<16xf32>
        %max3A_257 = arith.maximumf %sub3A, %max3A_256 : vector<16xf32>
        %sub3A_258 = arith.subf %gather3A_254, %gather3A_252 : vector<16xf32>
        %max3A_259 = arith.constant 0.000000e+00 : f32
        %max3A_260 = vector.broadcast %max3A_259 : f32 to vector<16xf32>
        %max3A_261 = arith.maximumf %sub3A_258, %max3A_260 : vector<16xf32>
        %mul3A_262 = arith.mulf %max3A_257, %max3A_261 : vector<16xf32>
        %jit3A = arith.constant 16 : i32
        %div3A = arith.divsi %add3A_247, %jit3A : i32
        %sign3A = arith.constant 0 : i32
        %sign3A_263 = arith.cmpi sgt, %add3A_247, %sign3A : i32
        %sign3A_264 = arith.extui %sign3A_263 : i1 to i32
        %sign3A_265 = arith.constant 0 : i32
        %sign3A_266 = arith.cmpi slt, %add3A_247, %sign3A_265 : i32
        %sign3A_267 = arith.extui %sign3A_266 : i1 to i32
        %sign3A_268 = arith.subi %sign3A_264, %sign3A_267 : i32
        %sign3A_269 = arith.constant 0 : i32
        %sign3A_270 = arith.cmpi sgt, %jit3A, %sign3A_269 : i32
        %sign3A_271 = arith.extui %sign3A_270 : i1 to i32
        %sign3A_272 = arith.constant 0 : i32
        %sign3A_273 = arith.cmpi slt, %jit3A, %sign3A_272 : i32
        %sign3A_274 = arith.extui %sign3A_273 : i1 to i32
        %sign3A_275 = arith.subi %sign3A_271, %sign3A_274 : i32
        %ne3A = arith.cmpi ne, %sign3A_268, %sign3A_275 : i32
        %rem3A = arith.remsi %add3A_247, %jit3A : i32
        %ne3A_276 = arith.constant 0 : i32
        %ne3A_277 = arith.cmpi ne, %rem3A, %ne3A_276 : i32
        %and3A = arith.andi %ne3A, %ne3A_277 : i1
        %sub3A_278 = arith.constant 1 : i32
        %sub3A_279 = arith.subi %div3A, %sub3A_278 : i32
        %select_n3A_280 = arith.select %and3A, %sub3A_279, %div3A : i32
        %mul3A_281 = arith.constant 16 : i32
        %mul3A_282 = arith.muli %select_n3A_280, %mul3A_281 : i32
        %get3A_283 = arith.index_cast %mul3A_282 : i32 to index
        %get3A_284 = tpu.vector_load %arg6[%get3A_283] {strides = array<i32>} : memref<16384xf32, #tpu.memory_space<vmem>>, vector<16xf32>,
        %jit3A_285 = arith.constant 16 : i32
        %eq3A_286 = arith.constant 0 : i32
        %eq3A_287 = arith.cmpi eq, %jit3A_285, %eq3A_286 : i32
        %jit3A_288 = arith.constant 1 : i32
        %select_n3A_289 = arith.select %eq3A_287, %jit3A_288, %jit3A_285 : i32
        %rem3A_290 = arith.remsi %add3A_247, %select_n3A_289 : i32
        %ne3A_291 = arith.constant 0 : i32
        %ne3A_292 = arith.cmpi ne, %rem3A_290, %ne3A_291 : i32
        %lt3A_293 = arith.constant 0 : i32
        %lt3A_294 = arith.cmpi slt, %rem3A_290, %lt3A_293 : i32
        %lt3A_295 = arith.constant 0 : i32
        %lt3A_296 = arith.cmpi slt, %select_n3A_289, %lt3A_295 : i32
        %ne3A_297 = arith.xori %lt3A_294, %lt3A_296 : i1
        %and3A_298 = arith.andi %ne3A_297, %ne3A_292 : i1
        %add3A_299 = arith.addi %rem3A_290, %select_n3A_289 : i32
        %select_n3A_300 = arith.select %and3A_298, %add3A_299, %rem3A_290 : i32
        %eq3A_301 = vector.broadcast %select_n3A_300 : i32 to vector<16xi32>
        %eq3A_302 = arith.cmpi eq, %iota3A, %eq3A_301 : vector<16xi32>
        %broadcast_in_dim3A_303 = vector.broadcast %while3A_38 : f32 to vector<16xf32>
        %select_n3A_304 = arith.select %eq3A_302, %broadcast_in_dim3A_303, %get3A_284 : vector<16xi1>, vector<16xf32>
        %swap3A = arith.index_cast %mul3A_282 : i32 to index
        %swap3A_305 = tpu.vector_load %arg6[%swap3A] {strides = array<i32>} : memref<16384xf32, #tpu.memory_space<vmem>>, vector<16xf32>,
        tpu.vector_store %arg6[%swap3A], %select_n3A_304 {strides = array<i32>} : memref<16384xf32, #tpu.memory_space<vmem>>, vector<16xf32>,
        %get3A_306 = arith.index_cast %mul3A_141 : i32 to index
        %get3A_307 = tpu.vector_load %arg6[%get3A_306] {strides = array<i32>} : memref<16384xf32, #tpu.memory_space<vmem>>, vector<16xf32>,
        %add3A_308 = arith.constant 16 : i32
        %add3A_309 = arith.addi %mul3A_141, %add3A_308 : i32
        %get3A_310 = arith.index_cast %add3A_309 : i32 to index
        %get3A_311 = tpu.vector_load %arg6[%get3A_310] {strides = array<i32>} : memref<16384xf32, #tpu.memory_space<vmem>>, vector<16xf32>,
        %max3A_312 = arith.maximumf %get3A_307, %get3A_311 : vector<16xf32>
        %add3A_313 = arith.constant 32 : i32
        %add3A_314 = arith.addi %mul3A_141, %add3A_313 : i32
        %get3A_315 = arith.index_cast %add3A_314 : i32 to index
        %get3A_316 = tpu.vector_load %arg6[%get3A_315] {strides = array<i32>} : memref<16384xf32, #tpu.memory_space<vmem>>, vector<16xf32>,
        %max3A_317 = arith.maximumf %max3A_312, %get3A_316 : vector<16xf32>
        %add3A_318 = arith.constant 48 : i32
        %add3A_319 = arith.addi %mul3A_141, %add3A_318 : i32
        %get3A_320 = arith.index_cast %add3A_319 : i32 to index
        %get3A_321 = tpu.vector_load %arg6[%get3A_320] {strides = array<i32>} : memref<16384xf32, #tpu.memory_space<vmem>>, vector<16xf32>,
        %max3A_322 = arith.maximumf %max3A_317, %get3A_321 : vector<16xf32>
        %add3A_323 = arith.constant 64 : i32
        %add3A_324 = arith.addi %mul3A_141, %add3A_323 : i32
        %get3A_325 = arith.index_cast %add3A_324 : i32 to index
        %get3A_326 = tpu.vector_load %arg6[%get3A_325] {strides = array<i32>} : memref<16384xf32, #tpu.memory_space<vmem>>, vector<16xf32>,
        %max3A_327 = arith.maximumf %max3A_322, %get3A_326 : vector<16xf32>
        %add3A_328 = arith.constant 80 : i32
        %add3A_329 = arith.addi %mul3A_141, %add3A_328 : i32
        %get3A_330 = arith.index_cast %add3A_329 : i32 to index
        %get3A_331 = tpu.vector_load %arg6[%get3A_330] {strides = array<i32>} : memref<16384xf32, #tpu.memory_space<vmem>>, vector<16xf32>,
        %max3A_332 = arith.maximumf %max3A_327, %get3A_331 : vector<16xf32>
        %add3A_333 = arith.constant 96 : i32
        %add3A_334 = arith.addi %mul3A_141, %add3A_333 : i32
        %get3A_335 = arith.index_cast %add3A_334 : i32 to index
        %get3A_336 = tpu.vector_load %arg6[%get3A_335] {strides = array<i32>} : memref<16384xf32, #tpu.memory_space<vmem>>, vector<16xf32>,
        %max3A_337 = arith.maximumf %max3A_332, %get3A_336 : vector<16xf32>
        %add3A_338 = arith.constant 112 : i32
        %add3A_339 = arith.addi %mul3A_141, %add3A_338 : i32
        %get3A_340 = arith.index_cast %add3A_339 : i32 to index
        %get3A_341 = tpu.vector_load %arg6[%get3A_340] {strides = array<i32>} : memref<16384xf32, #tpu.memory_space<vmem>>, vector<16xf32>,
        %max3A_342 = arith.maximumf %max3A_337, %get3A_341 : vector<16xf32>
        %reduce_max3A_343 = arith.constant true
        %reduce_max3A_344 = vector.broadcast %reduce_max3A_343 : i1 to vector<16xi1>
        %reduce_max3A_345 = tpu.scan <max>, %max3A_342 masked %reduce_max3A_344 : vector<16xf32>, vector<16xi1> -> vector<16xf32>
        %reduce_max3A_346 = vector.extract %reduce_max3A_345[15] : f32 from vector<16xf32>
        %add3A_347 = arith.constant 0 : i32
        %add3A_348 = vector.broadcast %add3A_347 : i32 to vector<16xi32>
        %add3A_349 = arith.addi %iota3A, %add3A_348 : vector<16xi32>
        %eq3A_350 = vector.broadcast %reduce_min3A_140 : i32 to vector<16xi32>
        %eq3A_351 = arith.cmpi eq, %add3A_349, %eq3A_350 : vector<16xi32>
        %broadcast_in_dim3A_352 = vector.broadcast %reduce_max3A_346 : f32 to vector<16xf32>
        %select_n3A_353 = arith.select %eq3A_351, %broadcast_in_dim3A_352, %while3A_57 : vector<16xi1>, vector<16xf32>
        %add3A_354 = arith.constant 16 : i32
        %add3A_355 = vector.broadcast %add3A_354 : i32 to vector<16xi32>
        %add3A_356 = arith.addi %iota3A, %add3A_355 : vector<16xi32>
        %eq3A_357 = vector.broadcast %reduce_min3A_140 : i32 to vector<16xi32>
        %eq3A_358 = arith.cmpi eq, %add3A_356, %eq3A_357 : vector<16xi32>
        %broadcast_in_dim3A_359 = vector.broadcast %reduce_max3A_346 : f32 to vector<16xf32>
        %select_n3A_360 = arith.select %eq3A_358, %broadcast_in_dim3A_359, %while3A_58 : vector<16xi1>, vector<16xf32>
        %add3A_361 = arith.constant 32 : i32
        %add3A_362 = vector.broadcast %add3A_361 : i32 to vector<16xi32>
        %add3A_363 = arith.addi %iota3A, %add3A_362 : vector<16xi32>
        %eq3A_364 = vector.broadcast %reduce_min3A_140 : i32 to vector<16xi32>
        %eq3A_365 = arith.cmpi eq, %add3A_363, %eq3A_364 : vector<16xi32>
        %broadcast_in_dim3A_366 = vector.broadcast %reduce_max3A_346 : f32 to vector<16xf32>
        %select_n3A_367 = arith.select %eq3A_365, %broadcast_in_dim3A_366, %while3A_59 : vector<16xi1>, vector<16xf32>
        %add3A_368 = arith.constant 48 : i32
        %add3A_369 = vector.broadcast %add3A_368 : i32 to vector<16xi32>
        %add3A_370 = arith.addi %iota3A, %add3A_369 : vector<16xi32>
        %eq3A_371 = vector.broadcast %reduce_min3A_140 : i32 to vector<16xi32>
        %eq3A_372 = arith.cmpi eq, %add3A_370, %eq3A_371 : vector<16xi32>
        %broadcast_in_dim3A_373 = vector.broadcast %reduce_max3A_346 : f32 to vector<16xf32>
        %select_n3A_374 = arith.select %eq3A_372, %broadcast_in_dim3A_373, %while3A_60 : vector<16xi1>, vector<16xf32>
        %add3A_375 = arith.constant 64 : i32
        %add3A_376 = vector.broadcast %add3A_375 : i32 to vector<16xi32>
        %add3A_377 = arith.addi %iota3A, %add3A_376 : vector<16xi32>
        %eq3A_378 = vector.broadcast %reduce_min3A_140 : i32 to vector<16xi32>
        %eq3A_379 = arith.cmpi eq, %add3A_377, %eq3A_378 : vector<16xi32>
        %broadcast_in_dim3A_380 = vector.broadcast %reduce_max3A_346 : f32 to vector<16xf32>
        %select_n3A_381 = arith.select %eq3A_379, %broadcast_in_dim3A_380, %while3A_61 : vector<16xi1>, vector<16xf32>
        %add3A_382 = arith.constant 80 : i32
        %add3A_383 = vector.broadcast %add3A_382 : i32 to vector<16xi32>
        %add3A_384 = arith.addi %iota3A, %add3A_383 : vector<16xi32>
        %eq3A_385 = vector.broadcast %reduce_min3A_140 : i32 to vector<16xi32>
        %eq3A_386 = arith.cmpi eq, %add3A_384, %eq3A_385 : vector<16xi32>
        %broadcast_in_dim3A_387 = vector.broadcast %reduce_max3A_346 : f32 to vector<16xf32>
        %select_n3A_388 = arith.select %eq3A_386, %broadcast_in_dim3A_387, %while3A_62 : vector<16xi1>, vector<16xf32>
        %add3A_389 = arith.constant 96 : i32
        %add3A_390 = vector.broadcast %add3A_389 : i32 to vector<16xi32>
        %add3A_391 = arith.addi %iota3A, %add3A_390 : vector<16xi32>
        %eq3A_392 = vector.broadcast %reduce_min3A_140 : i32 to vector<16xi32>
        %eq3A_393 = arith.cmpi eq, %add3A_391, %eq3A_392 : vector<16xi32>
        %broadcast_in_dim3A_394 = vector.broadcast %reduce_max3A_346 : f32 to vector<16xf32>
        %select_n3A_395 = arith.select %eq3A_393, %broadcast_in_dim3A_394, %while3A_63 : vector<16xi1>, vector<16xf32>
        %add3A_396 = arith.constant 112 : i32
        %add3A_397 = vector.broadcast %add3A_396 : i32 to vector<16xi32>
        %add3A_398 = arith.addi %iota3A, %add3A_397 : vector<16xi32>
        %eq3A_399 = vector.broadcast %reduce_min3A_140 : i32 to vector<16xi32>
        %eq3A_400 = arith.cmpi eq, %add3A_398, %eq3A_399 : vector<16xi32>
        %broadcast_in_dim3A_401 = vector.broadcast %reduce_max3A_346 : f32 to vector<16xf32>
        %select_n3A_402 = arith.select %eq3A_400, %broadcast_in_dim3A_401, %while3A_64 : vector<16xi1>, vector<16xf32>
        %add3A_403 = arith.constant 127 : i32
        %add3A_404 = arith.addi %while3A_55, %add3A_403 : i32
        %jit3A_405 = arith.constant 128 : i32
        %div3A_406 = arith.divsi %add3A_404, %jit3A_405 : i32
        %sign3A_407 = arith.constant 0 : i32
        %sign3A_408 = arith.cmpi sgt, %add3A_404, %sign3A_407 : i32
        %sign3A_409 = arith.extui %sign3A_408 : i1 to i32
        %sign3A_410 = arith.constant 0 : i32
        %sign3A_411 = arith.cmpi slt, %add3A_404, %sign3A_410 : i32
        %sign3A_412 = arith.extui %sign3A_411 : i1 to i32
        %sign3A_413 = arith.subi %sign3A_409, %sign3A_412 : i32
        %sign3A_414 = arith.constant 0 : i32
        %sign3A_415 = arith.cmpi sgt, %jit3A_405, %sign3A_414 : i32
        %sign3A_416 = arith.extui %sign3A_415 : i1 to i32
        %sign3A_417 = arith.constant 0 : i32
        %sign3A_418 = arith.cmpi slt, %jit3A_405, %sign3A_417 : i32
        %sign3A_419 = arith.extui %sign3A_418 : i1 to i32
        %sign3A_420 = arith.subi %sign3A_416, %sign3A_419 : i32
        %ne3A_421 = arith.cmpi ne, %sign3A_413, %sign3A_420 : i32
        %rem3A_422 = arith.remsi %add3A_404, %jit3A_405 : i32
        %ne3A_423 = arith.constant 0 : i32
        %ne3A_424 = arith.cmpi ne, %rem3A_422, %ne3A_423 : i32
        %and3A_425 = arith.andi %ne3A_421, %ne3A_424 : i1
        %sub3A_426 = arith.constant 1 : i32
        %sub3A_427 = arith.subi %div3A_406, %sub3A_426 : i32
        %select_n3A_428 = arith.select %and3A_425, %sub3A_427, %div3A_406 : i32
        %broadcast_in_dim3A_429 = arith.constant 0.000000e+00 : f32
        %broadcast_in_dim3A_430 = vector.broadcast %broadcast_in_dim3A_429 : f32 to vector<16xf32>
        %while3A_431 = arith.constant 0 : i32
        %while3A_432 = arith.subi %select_n3A_428, %while3A_431 : i32
        %while3A_433 = arith.addi %while3A_431, %while3A_432 : i32
        %while3A_434 = arith.constant 1 : i32
        %while3A_435 = arith.divsi %while3A_432, %while3A_434 : i32
        %while3A_436 = arith.muli %while3A_435, %while3A_434 : i32
        %while3A_437 = arith.addi %while3A_431, %while3A_436 : i32
        %while3A_438 = arith.constant 1 : i32
        %while3A_439 = scf.for %while3A_457 = %while3A_431 to %while3A_437 step %while3A_438 iter_args(%while3A_458 = %broadcast_in_dim3A_430) -> (vector<16xf32>)  : i32 {
          %mul3A_459 = arith.constant 128 : i32
          %mul3A_460 = arith.muli %while3A_457, %mul3A_459 : i32
          %add3A_461 = arith.constant 0 : i32
          %add3A_462 = arith.addi %mul3A_460, %add3A_461 : i32
          %get3A_463 = arith.index_cast %add3A_462 : i32 to index
          %get3A_464 = tpu.vector_load %arg14[%get3A_463] {strides = array<i32>} : memref<512xf32, #tpu.memory_space<vmem>>, vector<16xf32>,
          %max3A_465 = arith.maximumf %get3A_464, %gather3A : vector<16xf32>
          %get3A_466 = arith.index_cast %add3A_462 : i32 to index
          %get3A_467 = tpu.vector_load %arg15[%get3A_466] {strides = array<i32>} : memref<512xf32, #tpu.memory_space<vmem>>, vector<16xf32>,
          %max3A_468 = arith.maximumf %get3A_467, %gather3A_252 : vector<16xf32>
          %get3A_469 = arith.index_cast %add3A_462 : i32 to index
          %get3A_470 = tpu.vector_load %arg16[%get3A_469] {strides = array<i32>} : memref<512xf32, #tpu.memory_space<vmem>>, vector<16xf32>,
          %min3A_471 = arith.minimumf %get3A_470, %gather3A_253 : vector<16xf32>
          %get3A_472 = arith.index_cast %add3A_462 : i32 to index
          %get3A_473 = tpu.vector_load %arg17[%get3A_472] {strides = array<i32>} : memref<512xf32, #tpu.memory_space<vmem>>, vector<16xf32>,
          %min3A_474 = arith.minimumf %get3A_473, %gather3A_254 : vector<16xf32>
          %sub3A_475 = arith.subf %min3A_471, %max3A_465 : vector<16xf32>
          %max3A_476 = arith.constant 0.000000e+00 : f32
          %max3A_477 = vector.broadcast %max3A_476 : f32 to vector<16xf32>
          %max3A_478 = arith.maximumf %sub3A_475, %max3A_477 : vector<16xf32>
          %sub3A_479 = arith.subf %min3A_474, %max3A_468 : vector<16xf32>
          %max3A_480 = arith.constant 0.000000e+00 : f32
          %max3A_481 = vector.broadcast %max3A_480 : f32 to vector<16xf32>
          %max3A_482 = arith.maximumf %sub3A_479, %max3A_481 : vector<16xf32>
          %mul3A_483 = arith.mulf %max3A_478, %max3A_482 : vector<16xf32>
          %get3A_484 = arith.index_cast %add3A_462 : i32 to index
          %get3A_485 = tpu.vector_load %arg18[%get3A_484] {strides = array<i32>} : memref<512xf32, #tpu.memory_space<vmem>>, vector<16xf32>,
          %add3A_486 = arith.addf %get3A_485, %mul3A_262 : vector<16xf32>
          %sub3A_487 = arith.subf %add3A_486, %mul3A_483 : vector<16xf32>
          %max3A_488 = arith.constant 9.99999993E-9 : f32
          %max3A_489 = vector.broadcast %max3A_488 : f32 to vector<16xf32>
          %max3A_490 = arith.maximumf %sub3A_487, %max3A_489 : vector<16xf32>
          %div3A_491 = arith.divf %mul3A_483, %max3A_490 : vector<16xf32>
          %max3A_492 = arith.maximumf %while3A_458, %div3A_491 : vector<16xf32>
          %mul3A_493 = arith.constant 128 : i32
          %mul3A_494 = arith.muli %while3A_457, %mul3A_493 : i32
          %add3A_495 = arith.constant 16 : i32
          %add3A_496 = arith.addi %mul3A_494, %add3A_495 : i32
          %get3A_497 = arith.index_cast %add3A_496 : i32 to index
          %get3A_498 = tpu.vector_load %arg14[%get3A_497] {strides = array<i32>} : memref<512xf32, #tpu.memory_space<vmem>>, vector<16xf32>,
          %max3A_499 = arith.maximumf %get3A_498, %gather3A : vector<16xf32>
          %get3A_500 = arith.index_cast %add3A_496 : i32 to index
          %get3A_501 = tpu.vector_load %arg15[%get3A_500] {strides = array<i32>} : memref<512xf32, #tpu.memory_space<vmem>>, vector<16xf32>,
          %max3A_502 = arith.maximumf %get3A_501, %gather3A_252 : vector<16xf32>
          %get3A_503 = arith.index_cast %add3A_496 : i32 to index
          %get3A_504 = tpu.vector_load %arg16[%get3A_503] {strides = array<i32>} : memref<512xf32, #tpu.memory_space<vmem>>, vector<16xf32>,
          %min3A_505 = arith.minimumf %get3A_504, %gather3A_253 : vector<16xf32>
          %get3A_506 = arith.index_cast %add3A_496 : i32 to index
          %get3A_507 = tpu.vector_load %arg17[%get3A_506] {strides = array<i32>} : memref<512xf32, #tpu.memory_space<vmem>>, vector<16xf32>,
          %min3A_508 = arith.minimumf %get3A_507, %gather3A_254 : vector<16xf32>
          %sub3A_509 = arith.subf %min3A_505, %max3A_499 : vector<16xf32>
          %max3A_510 = arith.constant 0.000000e+00 : f32
          %max3A_511 = vector.broadcast %max3A_510 : f32 to vector<16xf32>
          %max3A_512 = arith.maximumf %sub3A_509, %max3A_511 : vector<16xf32>
          %sub3A_513 = arith.subf %min3A_508, %max3A_502 : vector<16xf32>
          %max3A_514 = arith.constant 0.000000e+00 : f32
          %max3A_515 = vector.broadcast %max3A_514 : f32 to vector<16xf32>
          %max3A_516 = arith.maximumf %sub3A_513, %max3A_515 : vector<16xf32>
          %mul3A_517 = arith.mulf %max3A_512, %max3A_516 : vector<16xf32>
          %get3A_518 = arith.index_cast %add3A_496 : i32 to index
          %get3A_519 = tpu.vector_load %arg18[%get3A_518] {strides = array<i32>} : memref<512xf32, #tpu.memory_space<vmem>>, vector<16xf32>,
          %add3A_520 = arith.addf %get3A_519, %mul3A_262 : vector<16xf32>
          %sub3A_521 = arith.subf %add3A_520, %mul3A_517 : vector<16xf32>
          %max3A_522 = arith.constant 9.99999993E-9 : f32
          %max3A_523 = vector.broadcast %max3A_522 : f32 to vector<16xf32>
          %max3A_524 = arith.maximumf %sub3A_521, %max3A_523 : vector<16xf32>
          %div3A_525 = arith.divf %mul3A_517, %max3A_524 : vector<16xf32>
          %max3A_526 = arith.maximumf %max3A_492, %div3A_525 : vector<16xf32>
          %mul3A_527 = arith.constant 128 : i32
          %mul3A_528 = arith.muli %while3A_457, %mul3A_527 : i32
          %add3A_529 = arith.constant 32 : i32
          %add3A_530 = arith.addi %mul3A_528, %add3A_529 : i32
          %get3A_531 = arith.index_cast %add3A_530 : i32 to index
          %get3A_532 = tpu.vector_load %arg14[%get3A_531] {strides = array<i32>} : memref<512xf32, #tpu.memory_space<vmem>>, vector<16xf32>,
          %max3A_533 = arith.maximumf %get3A_532, %gather3A : vector<16xf32>
          %get3A_534 = arith.index_cast %add3A_530 : i32 to index
          %get3A_535 = tpu.vector_load %arg15[%get3A_534] {strides = array<i32>} : memref<512xf32, #tpu.memory_space<vmem>>, vector<16xf32>,
          %max3A_536 = arith.maximumf %get3A_535, %gather3A_252 : vector<16xf32>
          %get3A_537 = arith.index_cast %add3A_530 : i32 to index
          %get3A_538 = tpu.vector_load %arg16[%get3A_537] {strides = array<i32>} : memref<512xf32, #tpu.memory_space<vmem>>, vector<16xf32>,
          %min3A_539 = arith.minimumf %get3A_538, %gather3A_253 : vector<16xf32>
          %get3A_540 = arith.index_cast %add3A_530 : i32 to index
          %get3A_541 = tpu.vector_load %arg17[%get3A_540] {strides = array<i32>} : memref<512xf32, #tpu.memory_space<vmem>>, vector<16xf32>,
          %min3A_542 = arith.minimumf %get3A_541, %gather3A_254 : vector<16xf32>
          %sub3A_543 = arith.subf %min3A_539, %max3A_533 : vector<16xf32>
          %max3A_544 = arith.constant 0.000000e+00 : f32
          %max3A_545 = vector.broadcast %max3A_544 : f32 to vector<16xf32>
          %max3A_546 = arith.maximumf %sub3A_543, %max3A_545 : vector<16xf32>
          %sub3A_547 = arith.subf %min3A_542, %max3A_536 : vector<16xf32>
          %max3A_548 = arith.constant 0.000000e+00 : f32
          %max3A_549 = vector.broadcast %max3A_548 : f32 to vector<16xf32>
          %max3A_550 = arith.maximumf %sub3A_547, %max3A_549 : vector<16xf32>
          %mul3A_551 = arith.mulf %max3A_546, %max3A_550 : vector<16xf32>
          %get3A_552 = arith.index_cast %add3A_530 : i32 to index
          %get3A_553 = tpu.vector_load %arg18[%get3A_552] {strides = array<i32>} : memref<512xf32, #tpu.memory_space<vmem>>, vector<16xf32>,
          %add3A_554 = arith.addf %get3A_553, %mul3A_262 : vector<16xf32>
          %sub3A_555 = arith.subf %add3A_554, %mul3A_551 : vector<16xf32>
          %max3A_556 = arith.constant 9.99999993E-9 : f32
          %max3A_557 = vector.broadcast %max3A_556 : f32 to vector<16xf32>
          %max3A_558 = arith.maximumf %sub3A_555, %max3A_557 : vector<16xf32>
          %div3A_559 = arith.divf %mul3A_551, %max3A_558 : vector<16xf32>
          %max3A_560 = arith.maximumf %max3A_526, %div3A_559 : vector<16xf32>
          %mul3A_561 = arith.constant 128 : i32
          %mul3A_562 = arith.muli %while3A_457, %mul3A_561 : i32
          %add3A_563 = arith.constant 48 : i32
          %add3A_564 = arith.addi %mul3A_562, %add3A_563 : i32
          %get3A_565 = arith.index_cast %add3A_564 : i32 to index
          %get3A_566 = tpu.vector_load %arg14[%get3A_565] {strides = array<i32>} : memref<512xf32, #tpu.memory_space<vmem>>, vector<16xf32>,
          %max3A_567 = arith.maximumf %get3A_566, %gather3A : vector<16xf32>
          %get3A_568 = arith.index_cast %add3A_564 : i32 to index
          %get3A_569 = tpu.vector_load %arg15[%get3A_568] {strides = array<i32>} : memref<512xf32, #tpu.memory_space<vmem>>, vector<16xf32>,
          %max3A_570 = arith.maximumf %get3A_569, %gather3A_252 : vector<16xf32>
          %get3A_571 = arith.index_cast %add3A_564 : i32 to index
          %get3A_572 = tpu.vector_load %arg16[%get3A_571] {strides = array<i32>} : memref<512xf32, #tpu.memory_space<vmem>>, vector<16xf32>,
          %min3A_573 = arith.minimumf %get3A_572, %gather3A_253 : vector<16xf32>
          %get3A_574 = arith.index_cast %add3A_564 : i32 to index
          %get3A_575 = tpu.vector_load %arg17[%get3A_574] {strides = array<i32>} : memref<512xf32, #tpu.memory_space<vmem>>, vector<16xf32>,
          %min3A_576 = arith.minimumf %get3A_575, %gather3A_254 : vector<16xf32>
          %sub3A_577 = arith.subf %min3A_573, %max3A_567 : vector<16xf32>
          %max3A_578 = arith.constant 0.000000e+00 : f32
          %max3A_579 = vector.broadcast %max3A_578 : f32 to vector<16xf32>
          %max3A_580 = arith.maximumf %sub3A_577, %max3A_579 : vector<16xf32>
          %sub3A_581 = arith.subf %min3A_576, %max3A_570 : vector<16xf32>
          %max3A_582 = arith.constant 0.000000e+00 : f32
          %max3A_583 = vector.broadcast %max3A_582 : f32 to vector<16xf32>
          %max3A_584 = arith.maximumf %sub3A_581, %max3A_583 : vector<16xf32>
          %mul3A_585 = arith.mulf %max3A_580, %max3A_584 : vector<16xf32>
          %get3A_586 = arith.index_cast %add3A_564 : i32 to index
          %get3A_587 = tpu.vector_load %arg18[%get3A_586] {strides = array<i32>} : memref<512xf32, #tpu.memory_space<vmem>>, vector<16xf32>,
          %add3A_588 = arith.addf %get3A_587, %mul3A_262 : vector<16xf32>
          %sub3A_589 = arith.subf %add3A_588, %mul3A_585 : vector<16xf32>
          %max3A_590 = arith.constant 9.99999993E-9 : f32
          %max3A_591 = vector.broadcast %max3A_590 : f32 to vector<16xf32>
          %max3A_592 = arith.maximumf %sub3A_589, %max3A_591 : vector<16xf32>
          %div3A_593 = arith.divf %mul3A_585, %max3A_592 : vector<16xf32>
          %max3A_594 = arith.maximumf %max3A_560, %div3A_593 : vector<16xf32>
          %mul3A_595 = arith.constant 128 : i32
          %mul3A_596 = arith.muli %while3A_457, %mul3A_595 : i32
          %add3A_597 = arith.constant 64 : i32
          %add3A_598 = arith.addi %mul3A_596, %add3A_597 : i32
          %get3A_599 = arith.index_cast %add3A_598 : i32 to index
          %get3A_600 = tpu.vector_load %arg14[%get3A_599] {strides = array<i32>} : memref<512xf32, #tpu.memory_space<vmem>>, vector<16xf32>,
          %max3A_601 = arith.maximumf %get3A_600, %gather3A : vector<16xf32>
          %get3A_602 = arith.index_cast %add3A_598 : i32 to index
          %get3A_603 = tpu.vector_load %arg15[%get3A_602] {strides = array<i32>} : memref<512xf32, #tpu.memory_space<vmem>>, vector<16xf32>,
          %max3A_604 = arith.maximumf %get3A_603, %gather3A_252 : vector<16xf32>
          %get3A_605 = arith.index_cast %add3A_598 : i32 to index
          %get3A_606 = tpu.vector_load %arg16[%get3A_605] {strides = array<i32>} : memref<512xf32, #tpu.memory_space<vmem>>, vector<16xf32>,
          %min3A_607 = arith.minimumf %get3A_606, %gather3A_253 : vector<16xf32>
          %get3A_608 = arith.index_cast %add3A_598 : i32 to index
          %get3A_609 = tpu.vector_load %arg17[%get3A_608] {strides = array<i32>} : memref<512xf32, #tpu.memory_space<vmem>>, vector<16xf32>,
          %min3A_610 = arith.minimumf %get3A_609, %gather3A_254 : vector<16xf32>
          %sub3A_611 = arith.subf %min3A_607, %max3A_601 : vector<16xf32>
          %max3A_612 = arith.constant 0.000000e+00 : f32
          %max3A_613 = vector.broadcast %max3A_612 : f32 to vector<16xf32>
          %max3A_614 = arith.maximumf %sub3A_611, %max3A_613 : vector<16xf32>
          %sub3A_615 = arith.subf %min3A_610, %max3A_604 : vector<16xf32>
          %max3A_616 = arith.constant 0.000000e+00 : f32
          %max3A_617 = vector.broadcast %max3A_616 : f32 to vector<16xf32>
          %max3A_618 = arith.maximumf %sub3A_615, %max3A_617 : vector<16xf32>
          %mul3A_619 = arith.mulf %max3A_614, %max3A_618 : vector<16xf32>
          %get3A_620 = arith.index_cast %add3A_598 : i32 to index
          %get3A_621 = tpu.vector_load %arg18[%get3A_620] {strides = array<i32>} : memref<512xf32, #tpu.memory_space<vmem>>, vector<16xf32>,
          %add3A_622 = arith.addf %get3A_621, %mul3A_262 : vector<16xf32>
          %sub3A_623 = arith.subf %add3A_622, %mul3A_619 : vector<16xf32>
          %max3A_624 = arith.constant 9.99999993E-9 : f32
          %max3A_625 = vector.broadcast %max3A_624 : f32 to vector<16xf32>
          %max3A_626 = arith.maximumf %sub3A_623, %max3A_625 : vector<16xf32>
          %div3A_627 = arith.divf %mul3A_619, %max3A_626 : vector<16xf32>
          %max3A_628 = arith.maximumf %max3A_594, %div3A_627 : vector<16xf32>
          %mul3A_629 = arith.constant 128 : i32
          %mul3A_630 = arith.muli %while3A_457, %mul3A_629 : i32
          %add3A_631 = arith.constant 80 : i32
          %add3A_632 = arith.addi %mul3A_630, %add3A_631 : i32
          %get3A_633 = arith.index_cast %add3A_632 : i32 to index
          %get3A_634 = tpu.vector_load %arg14[%get3A_633] {strides = array<i32>} : memref<512xf32, #tpu.memory_space<vmem>>, vector<16xf32>,
          %max3A_635 = arith.maximumf %get3A_634, %gather3A : vector<16xf32>
          %get3A_636 = arith.index_cast %add3A_632 : i32 to index
          %get3A_637 = tpu.vector_load %arg15[%get3A_636] {strides = array<i32>} : memref<512xf32, #tpu.memory_space<vmem>>, vector<16xf32>,
          %max3A_638 = arith.maximumf %get3A_637, %gather3A_252 : vector<16xf32>
          %get3A_639 = arith.index_cast %add3A_632 : i32 to index
          %get3A_640 = tpu.vector_load %arg16[%get3A_639] {strides = array<i32>} : memref<512xf32, #tpu.memory_space<vmem>>, vector<16xf32>,
          %min3A_641 = arith.minimumf %get3A_640, %gather3A_253 : vector<16xf32>
          %get3A_642 = arith.index_cast %add3A_632 : i32 to index
          %get3A_643 = tpu.vector_load %arg17[%get3A_642] {strides = array<i32>} : memref<512xf32, #tpu.memory_space<vmem>>, vector<16xf32>,
          %min3A_644 = arith.minimumf %get3A_643, %gather3A_254 : vector<16xf32>
          %sub3A_645 = arith.subf %min3A_641, %max3A_635 : vector<16xf32>
          %max3A_646 = arith.constant 0.000000e+00 : f32
          %max3A_647 = vector.broadcast %max3A_646 : f32 to vector<16xf32>
          %max3A_648 = arith.maximumf %sub3A_645, %max3A_647 : vector<16xf32>
          %sub3A_649 = arith.subf %min3A_644, %max3A_638 : vector<16xf32>
          %max3A_650 = arith.constant 0.000000e+00 : f32
          %max3A_651 = vector.broadcast %max3A_650 : f32 to vector<16xf32>
          %max3A_652 = arith.maximumf %sub3A_649, %max3A_651 : vector<16xf32>
          %mul3A_653 = arith.mulf %max3A_648, %max3A_652 : vector<16xf32>
          %get3A_654 = arith.index_cast %add3A_632 : i32 to index
          %get3A_655 = tpu.vector_load %arg18[%get3A_654] {strides = array<i32>} : memref<512xf32, #tpu.memory_space<vmem>>, vector<16xf32>,
          %add3A_656 = arith.addf %get3A_655, %mul3A_262 : vector<16xf32>
          %sub3A_657 = arith.subf %add3A_656, %mul3A_653 : vector<16xf32>
          %max3A_658 = arith.constant 9.99999993E-9 : f32
          %max3A_659 = vector.broadcast %max3A_658 : f32 to vector<16xf32>
          %max3A_660 = arith.maximumf %sub3A_657, %max3A_659 : vector<16xf32>
          %div3A_661 = arith.divf %mul3A_653, %max3A_660 : vector<16xf32>
          %max3A_662 = arith.maximumf %max3A_628, %div3A_661 : vector<16xf32>
          %mul3A_663 = arith.constant 128 : i32
          %mul3A_664 = arith.muli %while3A_457, %mul3A_663 : i32
          %add3A_665 = arith.constant 96 : i32
          %add3A_666 = arith.addi %mul3A_664, %add3A_665 : i32
          %get3A_667 = arith.index_cast %add3A_666 : i32 to index
          %get3A_668 = tpu.vector_load %arg14[%get3A_667] {strides = array<i32>} : memref<512xf32, #tpu.memory_space<vmem>>, vector<16xf32>,
          %max3A_669 = arith.maximumf %get3A_668, %gather3A : vector<16xf32>
          %get3A_670 = arith.index_cast %add3A_666 : i32 to index
          %get3A_671 = tpu.vector_load %arg15[%get3A_670] {strides = array<i32>} : memref<512xf32, #tpu.memory_space<vmem>>, vector<16xf32>,
          %max3A_672 = arith.maximumf %get3A_671, %gather3A_252 : vector<16xf32>
          %get3A_673 = arith.index_cast %add3A_666 : i32 to index
          %get3A_674 = tpu.vector_load %arg16[%get3A_673] {strides = array<i32>} : memref<512xf32, #tpu.memory_space<vmem>>, vector<16xf32>,
          %min3A_675 = arith.minimumf %get3A_674, %gather3A_253 : vector<16xf32>
          %get3A_676 = arith.index_cast %add3A_666 : i32 to index
          %get3A_677 = tpu.vector_load %arg17[%get3A_676] {strides = array<i32>} : memref<512xf32, #tpu.memory_space<vmem>>, vector<16xf32>,
          %min3A_678 = arith.minimumf %get3A_677, %gather3A_254 : vector<16xf32>
          %sub3A_679 = arith.subf %min3A_675, %max3A_669 : vector<16xf32>
          %max3A_680 = arith.constant 0.000000e+00 : f32
          %max3A_681 = vector.broadcast %max3A_680 : f32 to vector<16xf32>
          %max3A_682 = arith.maximumf %sub3A_679, %max3A_681 : vector<16xf32>
          %sub3A_683 = arith.subf %min3A_678, %max3A_672 : vector<16xf32>
          %max3A_684 = arith.constant 0.000000e+00 : f32
          %max3A_685 = vector.broadcast %max3A_684 : f32 to vector<16xf32>
          %max3A_686 = arith.maximumf %sub3A_683, %max3A_685 : vector<16xf32>
          %mul3A_687 = arith.mulf %max3A_682, %max3A_686 : vector<16xf32>
          %get3A_688 = arith.index_cast %add3A_666 : i32 to index
          %get3A_689 = tpu.vector_load %arg18[%get3A_688] {strides = array<i32>} : memref<512xf32, #tpu.memory_space<vmem>>, vector<16xf32>,
          %add3A_690 = arith.addf %get3A_689, %mul3A_262 : vector<16xf32>
          %sub3A_691 = arith.subf %add3A_690, %mul3A_687 : vector<16xf32>
          %max3A_692 = arith.constant 9.99999993E-9 : f32
          %max3A_693 = vector.broadcast %max3A_692 : f32 to vector<16xf32>
          %max3A_694 = arith.maximumf %sub3A_691, %max3A_693 : vector<16xf32>
          %div3A_695 = arith.divf %mul3A_687, %max3A_694 : vector<16xf32>
          %max3A_696 = arith.maximumf %max3A_662, %div3A_695 : vector<16xf32>
          %mul3A_697 = arith.constant 128 : i32
          %mul3A_698 = arith.muli %while3A_457, %mul3A_697 : i32
          %add3A_699 = arith.constant 112 : i32
          %add3A_700 = arith.addi %mul3A_698, %add3A_699 : i32
          %get3A_701 = arith.index_cast %add3A_700 : i32 to index
          %get3A_702 = tpu.vector_load %arg14[%get3A_701] {strides = array<i32>} : memref<512xf32, #tpu.memory_space<vmem>>, vector<16xf32>,
          %max3A_703 = arith.maximumf %get3A_702, %gather3A : vector<16xf32>
          %get3A_704 = arith.index_cast %add3A_700 : i32 to index
          %get3A_705 = tpu.vector_load %arg15[%get3A_704] {strides = array<i32>} : memref<512xf32, #tpu.memory_space<vmem>>, vector<16xf32>,
          %max3A_706 = arith.maximumf %get3A_705, %gather3A_252 : vector<16xf32>
          %get3A_707 = arith.index_cast %add3A_700 : i32 to index
          %get3A_708 = tpu.vector_load %arg16[%get3A_707] {strides = array<i32>} : memref<512xf32, #tpu.memory_space<vmem>>, vector<16xf32>,
          %min3A_709 = arith.minimumf %get3A_708, %gather3A_253 : vector<16xf32>
          %get3A_710 = arith.index_cast %add3A_700 : i32 to index
          %get3A_711 = tpu.vector_load %arg17[%get3A_710] {strides = array<i32>} : memref<512xf32, #tpu.memory_space<vmem>>, vector<16xf32>,
          %min3A_712 = arith.minimumf %get3A_711, %gather3A_254 : vector<16xf32>
          %sub3A_713 = arith.subf %min3A_709, %max3A_703 : vector<16xf32>
          %max3A_714 = arith.constant 0.000000e+00 : f32
          %max3A_715 = vector.broadcast %max3A_714 : f32 to vector<16xf32>
          %max3A_716 = arith.maximumf %sub3A_713, %max3A_715 : vector<16xf32>
          %sub3A_717 = arith.subf %min3A_712, %max3A_706 : vector<16xf32>
          %max3A_718 = arith.constant 0.000000e+00 : f32
          %max3A_719 = vector.broadcast %max3A_718 : f32 to vector<16xf32>
          %max3A_720 = arith.maximumf %sub3A_717, %max3A_719 : vector<16xf32>
          %mul3A_721 = arith.mulf %max3A_716, %max3A_720 : vector<16xf32>
          %get3A_722 = arith.index_cast %add3A_700 : i32 to index
          %get3A_723 = tpu.vector_load %arg18[%get3A_722] {strides = array<i32>} : memref<512xf32, #tpu.memory_space<vmem>>, vector<16xf32>,
          %add3A_724 = arith.addf %get3A_723, %mul3A_262 : vector<16xf32>
          %sub3A_725 = arith.subf %add3A_724, %mul3A_721 : vector<16xf32>
          %max3A_726 = arith.constant 9.99999993E-9 : f32
          %max3A_727 = vector.broadcast %max3A_726 : f32 to vector<16xf32>
          %max3A_728 = arith.maximumf %sub3A_725, %max3A_727 : vector<16xf32>
          %div3A_729 = arith.divf %mul3A_721, %max3A_728 : vector<16xf32>
          %max3A_730 = arith.maximumf %max3A_696, %div3A_729 : vector<16xf32>
          scf.yield %max3A_730 : vector<16xf32>
        }
        %while3A_440 = arith.constant 1 : i32
        %while3A_441 = scf.for %while3A_457 = %while3A_437 to %while3A_433 step %while3A_440 iter_args(%while3A_458 = %while3A_439) -> (vector<16xf32>)  : i32 {
          %mul3A_459 = arith.constant 128 : i32
          %mul3A_460 = arith.muli %while3A_457, %mul3A_459 : i32
          %add3A_461 = arith.constant 0 : i32
          %add3A_462 = arith.addi %mul3A_460, %add3A_461 : i32
          %get3A_463 = arith.index_cast %add3A_462 : i32 to index
          %get3A_464 = tpu.vector_load %arg14[%get3A_463] {strides = array<i32>} : memref<512xf32, #tpu.memory_space<vmem>>, vector<16xf32>,
          %max3A_465 = arith.maximumf %get3A_464, %gather3A : vector<16xf32>
          %get3A_466 = arith.index_cast %add3A_462 : i32 to index
          %get3A_467 = tpu.vector_load %arg15[%get3A_466] {strides = array<i32>} : memref<512xf32, #tpu.memory_space<vmem>>, vector<16xf32>,
          %max3A_468 = arith.maximumf %get3A_467, %gather3A_252 : vector<16xf32>
          %get3A_469 = arith.index_cast %add3A_462 : i32 to index
          %get3A_470 = tpu.vector_load %arg16[%get3A_469] {strides = array<i32>} : memref<512xf32, #tpu.memory_space<vmem>>, vector<16xf32>,
          %min3A_471 = arith.minimumf %get3A_470, %gather3A_253 : vector<16xf32>
          %get3A_472 = arith.index_cast %add3A_462 : i32 to index
          %get3A_473 = tpu.vector_load %arg17[%get3A_472] {strides = array<i32>} : memref<512xf32, #tpu.memory_space<vmem>>, vector<16xf32>,
          %min3A_474 = arith.minimumf %get3A_473, %gather3A_254 : vector<16xf32>
          %sub3A_475 = arith.subf %min3A_471, %max3A_465 : vector<16xf32>
          %max3A_476 = arith.constant 0.000000e+00 : f32
          %max3A_477 = vector.broadcast %max3A_476 : f32 to vector<16xf32>
          %max3A_478 = arith.maximumf %sub3A_475, %max3A_477 : vector<16xf32>
          %sub3A_479 = arith.subf %min3A_474, %max3A_468 : vector<16xf32>
          %max3A_480 = arith.constant 0.000000e+00 : f32
          %max3A_481 = vector.broadcast %max3A_480 : f32 to vector<16xf32>
          %max3A_482 = arith.maximumf %sub3A_479, %max3A_481 : vector<16xf32>
          %mul3A_483 = arith.mulf %max3A_478, %max3A_482 : vector<16xf32>
          %get3A_484 = arith.index_cast %add3A_462 : i32 to index
          %get3A_485 = tpu.vector_load %arg18[%get3A_484] {strides = array<i32>} : memref<512xf32, #tpu.memory_space<vmem>>, vector<16xf32>,
          %add3A_486 = arith.addf %get3A_485, %mul3A_262 : vector<16xf32>
          %sub3A_487 = arith.subf %add3A_486, %mul3A_483 : vector<16xf32>
          %max3A_488 = arith.constant 9.99999993E-9 : f32
          %max3A_489 = vector.broadcast %max3A_488 : f32 to vector<16xf32>
          %max3A_490 = arith.maximumf %sub3A_487, %max3A_489 : vector<16xf32>
          %div3A_491 = arith.divf %mul3A_483, %max3A_490 : vector<16xf32>
          %max3A_492 = arith.maximumf %while3A_458, %div3A_491 : vector<16xf32>
          %mul3A_493 = arith.constant 128 : i32
          %mul3A_494 = arith.muli %while3A_457, %mul3A_493 : i32
          %add3A_495 = arith.constant 16 : i32
          %add3A_496 = arith.addi %mul3A_494, %add3A_495 : i32
          %get3A_497 = arith.index_cast %add3A_496 : i32 to index
          %get3A_498 = tpu.vector_load %arg14[%get3A_497] {strides = array<i32>} : memref<512xf32, #tpu.memory_space<vmem>>, vector<16xf32>,
          %max3A_499 = arith.maximumf %get3A_498, %gather3A : vector<16xf32>
          %get3A_500 = arith.index_cast %add3A_496 : i32 to index
          %get3A_501 = tpu.vector_load %arg15[%get3A_500] {strides = array<i32>} : memref<512xf32, #tpu.memory_space<vmem>>, vector<16xf32>,
          %max3A_502 = arith.maximumf %get3A_501, %gather3A_252 : vector<16xf32>
          %get3A_503 = arith.index_cast %add3A_496 : i32 to index
          %get3A_504 = tpu.vector_load %arg16[%get3A_503] {strides = array<i32>} : memref<512xf32, #tpu.memory_space<vmem>>, vector<16xf32>,
          %min3A_505 = arith.minimumf %get3A_504, %gather3A_253 : vector<16xf32>
          %get3A_506 = arith.index_cast %add3A_496 : i32 to index
          %get3A_507 = tpu.vector_load %arg17[%get3A_506] {strides = array<i32>} : memref<512xf32, #tpu.memory_space<vmem>>, vector<16xf32>,
          %min3A_508 = arith.minimumf %get3A_507, %gather3A_254 : vector<16xf32>
          %sub3A_509 = arith.subf %min3A_505, %max3A_499 : vector<16xf32>
          %max3A_510 = arith.constant 0.000000e+00 : f32
          %max3A_511 = vector.broadcast %max3A_510 : f32 to vector<16xf32>
          %max3A_512 = arith.maximumf %sub3A_509, %max3A_511 : vector<16xf32>
          %sub3A_513 = arith.subf %min3A_508, %max3A_502 : vector<16xf32>
          %max3A_514 = arith.constant 0.000000e+00 : f32
          %max3A_515 = vector.broadcast %max3A_514 : f32 to vector<16xf32>
          %max3A_516 = arith.maximumf %sub3A_513, %max3A_515 : vector<16xf32>
          %mul3A_517 = arith.mulf %max3A_512, %max3A_516 : vector<16xf32>
          %get3A_518 = arith.index_cast %add3A_496 : i32 to index
          %get3A_519 = tpu.vector_load %arg18[%get3A_518] {strides = array<i32>} : memref<512xf32, #tpu.memory_space<vmem>>, vector<16xf32>,
          %add3A_520 = arith.addf %get3A_519, %mul3A_262 : vector<16xf32>
          %sub3A_521 = arith.subf %add3A_520, %mul3A_517 : vector<16xf32>
          %max3A_522 = arith.constant 9.99999993E-9 : f32
          %max3A_523 = vector.broadcast %max3A_522 : f32 to vector<16xf32>
          %max3A_524 = arith.maximumf %sub3A_521, %max3A_523 : vector<16xf32>
          %div3A_525 = arith.divf %mul3A_517, %max3A_524 : vector<16xf32>
          %max3A_526 = arith.maximumf %max3A_492, %div3A_525 : vector<16xf32>
          %mul3A_527 = arith.constant 128 : i32
          %mul3A_528 = arith.muli %while3A_457, %mul3A_527 : i32
          %add3A_529 = arith.constant 32 : i32
          %add3A_530 = arith.addi %mul3A_528, %add3A_529 : i32
          %get3A_531 = arith.index_cast %add3A_530 : i32 to index
          %get3A_532 = tpu.vector_load %arg14[%get3A_531] {strides = array<i32>} : memref<512xf32, #tpu.memory_space<vmem>>, vector<16xf32>,
          %max3A_533 = arith.maximumf %get3A_532, %gather3A : vector<16xf32>
          %get3A_534 = arith.index_cast %add3A_530 : i32 to index
          %get3A_535 = tpu.vector_load %arg15[%get3A_534] {strides = array<i32>} : memref<512xf32, #tpu.memory_space<vmem>>, vector<16xf32>,
          %max3A_536 = arith.maximumf %get3A_535, %gather3A_252 : vector<16xf32>
          %get3A_537 = arith.index_cast %add3A_530 : i32 to index
          %get3A_538 = tpu.vector_load %arg16[%get3A_537] {strides = array<i32>} : memref<512xf32, #tpu.memory_space<vmem>>, vector<16xf32>,
          %min3A_539 = arith.minimumf %get3A_538, %gather3A_253 : vector<16xf32>
          %get3A_540 = arith.index_cast %add3A_530 : i32 to index
          %get3A_541 = tpu.vector_load %arg17[%get3A_540] {strides = array<i32>} : memref<512xf32, #tpu.memory_space<vmem>>, vector<16xf32>,
          %min3A_542 = arith.minimumf %get3A_541, %gather3A_254 : vector<16xf32>
          %sub3A_543 = arith.subf %min3A_539, %max3A_533 : vector<16xf32>
          %max3A_544 = arith.constant 0.000000e+00 : f32
          %max3A_545 = vector.broadcast %max3A_544 : f32 to vector<16xf32>
          %max3A_546 = arith.maximumf %sub3A_543, %max3A_545 : vector<16xf32>
          %sub3A_547 = arith.subf %min3A_542, %max3A_536 : vector<16xf32>
          %max3A_548 = arith.constant 0.000000e+00 : f32
          %max3A_549 = vector.broadcast %max3A_548 : f32 to vector<16xf32>
          %max3A_550 = arith.maximumf %sub3A_547, %max3A_549 : vector<16xf32>
          %mul3A_551 = arith.mulf %max3A_546, %max3A_550 : vector<16xf32>
          %get3A_552 = arith.index_cast %add3A_530 : i32 to index
          %get3A_553 = tpu.vector_load %arg18[%get3A_552] {strides = array<i32>} : memref<512xf32, #tpu.memory_space<vmem>>, vector<16xf32>,
          %add3A_554 = arith.addf %get3A_553, %mul3A_262 : vector<16xf32>
          %sub3A_555 = arith.subf %add3A_554, %mul3A_551 : vector<16xf32>
          %max3A_556 = arith.constant 9.99999993E-9 : f32
          %max3A_557 = vector.broadcast %max3A_556 : f32 to vector<16xf32>
          %max3A_558 = arith.maximumf %sub3A_555, %max3A_557 : vector<16xf32>
          %div3A_559 = arith.divf %mul3A_551, %max3A_558 : vector<16xf32>
          %max3A_560 = arith.maximumf %max3A_526, %div3A_559 : vector<16xf32>
          %mul3A_561 = arith.constant 128 : i32
          %mul3A_562 = arith.muli %while3A_457, %mul3A_561 : i32
          %add3A_563 = arith.constant 48 : i32
          %add3A_564 = arith.addi %mul3A_562, %add3A_563 : i32
          %get3A_565 = arith.index_cast %add3A_564 : i32 to index
          %get3A_566 = tpu.vector_load %arg14[%get3A_565] {strides = array<i32>} : memref<512xf32, #tpu.memory_space<vmem>>, vector<16xf32>,
          %max3A_567 = arith.maximumf %get3A_566, %gather3A : vector<16xf32>
          %get3A_568 = arith.index_cast %add3A_564 : i32 to index
          %get3A_569 = tpu.vector_load %arg15[%get3A_568] {strides = array<i32>} : memref<512xf32, #tpu.memory_space<vmem>>, vector<16xf32>,
          %max3A_570 = arith.maximumf %get3A_569, %gather3A_252 : vector<16xf32>
          %get3A_571 = arith.index_cast %add3A_564 : i32 to index
          %get3A_572 = tpu.vector_load %arg16[%get3A_571] {strides = array<i32>} : memref<512xf32, #tpu.memory_space<vmem>>, vector<16xf32>,
          %min3A_573 = arith.minimumf %get3A_572, %gather3A_253 : vector<16xf32>
          %get3A_574 = arith.index_cast %add3A_564 : i32 to index
          %get3A_575 = tpu.vector_load %arg17[%get3A_574] {strides = array<i32>} : memref<512xf32, #tpu.memory_space<vmem>>, vector<16xf32>,
          %min3A_576 = arith.minimumf %get3A_575, %gather3A_254 : vector<16xf32>
          %sub3A_577 = arith.subf %min3A_573, %max3A_567 : vector<16xf32>
          %max3A_578 = arith.constant 0.000000e+00 : f32
          %max3A_579 = vector.broadcast %max3A_578 : f32 to vector<16xf32>
          %max3A_580 = arith.maximumf %sub3A_577, %max3A_579 : vector<16xf32>
          %sub3A_581 = arith.subf %min3A_576, %max3A_570 : vector<16xf32>
          %max3A_582 = arith.constant 0.000000e+00 : f32
          %max3A_583 = vector.broadcast %max3A_582 : f32 to vector<16xf32>
          %max3A_584 = arith.maximumf %sub3A_581, %max3A_583 : vector<16xf32>
          %mul3A_585 = arith.mulf %max3A_580, %max3A_584 : vector<16xf32>
          %get3A_586 = arith.index_cast %add3A_564 : i32 to index
          %get3A_587 = tpu.vector_load %arg18[%get3A_586] {strides = array<i32>} : memref<512xf32, #tpu.memory_space<vmem>>, vector<16xf32>,
          %add3A_588 = arith.addf %get3A_587, %mul3A_262 : vector<16xf32>
          %sub3A_589 = arith.subf %add3A_588, %mul3A_585 : vector<16xf32>
          %max3A_590 = arith.constant 9.99999993E-9 : f32
          %max3A_591 = vector.broadcast %max3A_590 : f32 to vector<16xf32>
          %max3A_592 = arith.maximumf %sub3A_589, %max3A_591 : vector<16xf32>
          %div3A_593 = arith.divf %mul3A_585, %max3A_592 : vector<16xf32>
          %max3A_594 = arith.maximumf %max3A_560, %div3A_593 : vector<16xf32>
          %mul3A_595 = arith.constant 128 : i32
          %mul3A_596 = arith.muli %while3A_457, %mul3A_595 : i32
          %add3A_597 = arith.constant 64 : i32
          %add3A_598 = arith.addi %mul3A_596, %add3A_597 : i32
          %get3A_599 = arith.index_cast %add3A_598 : i32 to index
          %get3A_600 = tpu.vector_load %arg14[%get3A_599] {strides = array<i32>} : memref<512xf32, #tpu.memory_space<vmem>>, vector<16xf32>,
          %max3A_601 = arith.maximumf %get3A_600, %gather3A : vector<16xf32>
          %get3A_602 = arith.index_cast %add3A_598 : i32 to index
          %get3A_603 = tpu.vector_load %arg15[%get3A_602] {strides = array<i32>} : memref<512xf32, #tpu.memory_space<vmem>>, vector<16xf32>,
          %max3A_604 = arith.maximumf %get3A_603, %gather3A_252 : vector<16xf32>
          %get3A_605 = arith.index_cast %add3A_598 : i32 to index
          %get3A_606 = tpu.vector_load %arg16[%get3A_605] {strides = array<i32>} : memref<512xf32, #tpu.memory_space<vmem>>, vector<16xf32>,
          %min3A_607 = arith.minimumf %get3A_606, %gather3A_253 : vector<16xf32>
          %get3A_608 = arith.index_cast %add3A_598 : i32 to index
          %get3A_609 = tpu.vector_load %arg17[%get3A_608] {strides = array<i32>} : memref<512xf32, #tpu.memory_space<vmem>>, vector<16xf32>,
          %min3A_610 = arith.minimumf %get3A_609, %gather3A_254 : vector<16xf32>
          %sub3A_611 = arith.subf %min3A_607, %max3A_601 : vector<16xf32>
          %max3A_612 = arith.constant 0.000000e+00 : f32
          %max3A_613 = vector.broadcast %max3A_612 : f32 to vector<16xf32>
          %max3A_614 = arith.maximumf %sub3A_611, %max3A_613 : vector<16xf32>
          %sub3A_615 = arith.subf %min3A_610, %max3A_604 : vector<16xf32>
          %max3A_616 = arith.constant 0.000000e+00 : f32
          %max3A_617 = vector.broadcast %max3A_616 : f32 to vector<16xf32>
          %max3A_618 = arith.maximumf %sub3A_615, %max3A_617 : vector<16xf32>
          %mul3A_619 = arith.mulf %max3A_614, %max3A_618 : vector<16xf32>
          %get3A_620 = arith.index_cast %add3A_598 : i32 to index
          %get3A_621 = tpu.vector_load %arg18[%get3A_620] {strides = array<i32>} : memref<512xf32, #tpu.memory_space<vmem>>, vector<16xf32>,
          %add3A_622 = arith.addf %get3A_621, %mul3A_262 : vector<16xf32>
          %sub3A_623 = arith.subf %add3A_622, %mul3A_619 : vector<16xf32>
          %max3A_624 = arith.constant 9.99999993E-9 : f32
          %max3A_625 = vector.broadcast %max3A_624 : f32 to vector<16xf32>
          %max3A_626 = arith.maximumf %sub3A_623, %max3A_625 : vector<16xf32>
          %div3A_627 = arith.divf %mul3A_619, %max3A_626 : vector<16xf32>
          %max3A_628 = arith.maximumf %max3A_594, %div3A_627 : vector<16xf32>
          %mul3A_629 = arith.constant 128 : i32
          %mul3A_630 = arith.muli %while3A_457, %mul3A_629 : i32
          %add3A_631 = arith.constant 80 : i32
          %add3A_632 = arith.addi %mul3A_630, %add3A_631 : i32
          %get3A_633 = arith.index_cast %add3A_632 : i32 to index
          %get3A_634 = tpu.vector_load %arg14[%get3A_633] {strides = array<i32>} : memref<512xf32, #tpu.memory_space<vmem>>, vector<16xf32>,
          %max3A_635 = arith.maximumf %get3A_634, %gather3A : vector<16xf32>
          %get3A_636 = arith.index_cast %add3A_632 : i32 to index
          %get3A_637 = tpu.vector_load %arg15[%get3A_636] {strides = array<i32>} : memref<512xf32, #tpu.memory_space<vmem>>, vector<16xf32>,
          %max3A_638 = arith.maximumf %get3A_637, %gather3A_252 : vector<16xf32>
          %get3A_639 = arith.index_cast %add3A_632 : i32 to index
          %get3A_640 = tpu.vector_load %arg16[%get3A_639] {strides = array<i32>} : memref<512xf32, #tpu.memory_space<vmem>>, vector<16xf32>,
          %min3A_641 = arith.minimumf %get3A_640, %gather3A_253 : vector<16xf32>
          %get3A_642 = arith.index_cast %add3A_632 : i32 to index
          %get3A_643 = tpu.vector_load %arg17[%get3A_642] {strides = array<i32>} : memref<512xf32, #tpu.memory_space<vmem>>, vector<16xf32>,
          %min3A_644 = arith.minimumf %get3A_643, %gather3A_254 : vector<16xf32>
          %sub3A_645 = arith.subf %min3A_641, %max3A_635 : vector<16xf32>
          %max3A_646 = arith.constant 0.000000e+00 : f32
          %max3A_647 = vector.broadcast %max3A_646 : f32 to vector<16xf32>
          %max3A_648 = arith.maximumf %sub3A_645, %max3A_647 : vector<16xf32>
          %sub3A_649 = arith.subf %min3A_644, %max3A_638 : vector<16xf32>
          %max3A_650 = arith.constant 0.000000e+00 : f32
          %max3A_651 = vector.broadcast %max3A_650 : f32 to vector<16xf32>
          %max3A_652 = arith.maximumf %sub3A_649, %max3A_651 : vector<16xf32>
          %mul3A_653 = arith.mulf %max3A_648, %max3A_652 : vector<16xf32>
          %get3A_654 = arith.index_cast %add3A_632 : i32 to index
          %get3A_655 = tpu.vector_load %arg18[%get3A_654] {strides = array<i32>} : memref<512xf32, #tpu.memory_space<vmem>>, vector<16xf32>,
          %add3A_656 = arith.addf %get3A_655, %mul3A_262 : vector<16xf32>
          %sub3A_657 = arith.subf %add3A_656, %mul3A_653 : vector<16xf32>
          %max3A_658 = arith.constant 9.99999993E-9 : f32
          %max3A_659 = vector.broadcast %max3A_658 : f32 to vector<16xf32>
          %max3A_660 = arith.maximumf %sub3A_657, %max3A_659 : vector<16xf32>
          %div3A_661 = arith.divf %mul3A_653, %max3A_660 : vector<16xf32>
          %max3A_662 = arith.maximumf %max3A_628, %div3A_661 : vector<16xf32>
          %mul3A_663 = arith.constant 128 : i32
          %mul3A_664 = arith.muli %while3A_457, %mul3A_663 : i32
          %add3A_665 = arith.constant 96 : i32
          %add3A_666 = arith.addi %mul3A_664, %add3A_665 : i32
          %get3A_667 = arith.index_cast %add3A_666 : i32 to index
          %get3A_668 = tpu.vector_load %arg14[%get3A_667] {strides = array<i32>} : memref<512xf32, #tpu.memory_space<vmem>>, vector<16xf32>,
          %max3A_669 = arith.maximumf %get3A_668, %gather3A : vector<16xf32>
          %get3A_670 = arith.index_cast %add3A_666 : i32 to index
          %get3A_671 = tpu.vector_load %arg15[%get3A_670] {strides = array<i32>} : memref<512xf32, #tpu.memory_space<vmem>>, vector<16xf32>,
          %max3A_672 = arith.maximumf %get3A_671, %gather3A_252 : vector<16xf32>
          %get3A_673 = arith.index_cast %add3A_666 : i32 to index
          %get3A_674 = tpu.vector_load %arg16[%get3A_673] {strides = array<i32>} : memref<512xf32, #tpu.memory_space<vmem>>, vector<16xf32>,
          %min3A_675 = arith.minimumf %get3A_674, %gather3A_253 : vector<16xf32>
          %get3A_676 = arith.index_cast %add3A_666 : i32 to index
          %get3A_677 = tpu.vector_load %arg17[%get3A_676] {strides = array<i32>} : memref<512xf32, #tpu.memory_space<vmem>>, vector<16xf32>,
          %min3A_678 = arith.minimumf %get3A_677, %gather3A_254 : vector<16xf32>
          %sub3A_679 = arith.subf %min3A_675, %max3A_669 : vector<16xf32>
          %max3A_680 = arith.constant 0.000000e+00 : f32
          %max3A_681 = vector.broadcast %max3A_680 : f32 to vector<16xf32>
          %max3A_682 = arith.maximumf %sub3A_679, %max3A_681 : vector<16xf32>
          %sub3A_683 = arith.subf %min3A_678, %max3A_672 : vector<16xf32>
          %max3A_684 = arith.constant 0.000000e+00 : f32
          %max3A_685 = vector.broadcast %max3A_684 : f32 to vector<16xf32>
          %max3A_686 = arith.maximumf %sub3A_683, %max3A_685 : vector<16xf32>
          %mul3A_687 = arith.mulf %max3A_682, %max3A_686 : vector<16xf32>
          %get3A_688 = arith.index_cast %add3A_666 : i32 to index
          %get3A_689 = tpu.vector_load %arg18[%get3A_688] {strides = array<i32>} : memref<512xf32, #tpu.memory_space<vmem>>, vector<16xf32>,
          %add3A_690 = arith.addf %get3A_689, %mul3A_262 : vector<16xf32>
          %sub3A_691 = arith.subf %add3A_690, %mul3A_687 : vector<16xf32>
          %max3A_692 = arith.constant 9.99999993E-9 : f32
          %max3A_693 = vector.broadcast %max3A_692 : f32 to vector<16xf32>
          %max3A_694 = arith.maximumf %sub3A_691, %max3A_693 : vector<16xf32>
          %div3A_695 = arith.divf %mul3A_687, %max3A_694 : vector<16xf32>
          %max3A_696 = arith.maximumf %max3A_662, %div3A_695 : vector<16xf32>
          %mul3A_697 = arith.constant 128 : i32
          %mul3A_698 = arith.muli %while3A_457, %mul3A_697 : i32
          %add3A_699 = arith.constant 112 : i32
          %add3A_700 = arith.addi %mul3A_698, %add3A_699 : i32
          %get3A_701 = arith.index_cast %add3A_700 : i32 to index
          %get3A_702 = tpu.vector_load %arg14[%get3A_701] {strides = array<i32>} : memref<512xf32, #tpu.memory_space<vmem>>, vector<16xf32>,
          %max3A_703 = arith.maximumf %get3A_702, %gather3A : vector<16xf32>
          %get3A_704 = arith.index_cast %add3A_700 : i32 to index
          %get3A_705 = tpu.vector_load %arg15[%get3A_704] {strides = array<i32>} : memref<512xf32, #tpu.memory_space<vmem>>, vector<16xf32>,
          %max3A_706 = arith.maximumf %get3A_705, %gather3A_252 : vector<16xf32>
          %get3A_707 = arith.index_cast %add3A_700 : i32 to index
          %get3A_708 = tpu.vector_load %arg16[%get3A_707] {strides = array<i32>} : memref<512xf32, #tpu.memory_space<vmem>>, vector<16xf32>,
          %min3A_709 = arith.minimumf %get3A_708, %gather3A_253 : vector<16xf32>
          %get3A_710 = arith.index_cast %add3A_700 : i32 to index
          %get3A_711 = tpu.vector_load %arg17[%get3A_710] {strides = array<i32>} : memref<512xf32, #tpu.memory_space<vmem>>, vector<16xf32>,
          %min3A_712 = arith.minimumf %get3A_711, %gather3A_254 : vector<16xf32>
          %sub3A_713 = arith.subf %min3A_709, %max3A_703 : vector<16xf32>
          %max3A_714 = arith.constant 0.000000e+00 : f32
          %max3A_715 = vector.broadcast %max3A_714 : f32 to vector<16xf32>
          %max3A_716 = arith.maximumf %sub3A_713, %max3A_715 : vector<16xf32>
          %sub3A_717 = arith.subf %min3A_712, %max3A_706 : vector<16xf32>
          %max3A_718 = arith.constant 0.000000e+00 : f32
          %max3A_719 = vector.broadcast %max3A_718 : f32 to vector<16xf32>
          %max3A_720 = arith.maximumf %sub3A_717, %max3A_719 : vector<16xf32>
          %mul3A_721 = arith.mulf %max3A_716, %max3A_720 : vector<16xf32>
          %get3A_722 = arith.index_cast %add3A_700 : i32 to index
          %get3A_723 = tpu.vector_load %arg18[%get3A_722] {strides = array<i32>} : memref<512xf32, #tpu.memory_space<vmem>>, vector<16xf32>,
          %add3A_724 = arith.addf %get3A_723, %mul3A_262 : vector<16xf32>
          %sub3A_725 = arith.subf %add3A_724, %mul3A_721 : vector<16xf32>
          %max3A_726 = arith.constant 9.99999993E-9 : f32
          %max3A_727 = vector.broadcast %max3A_726 : f32 to vector<16xf32>
          %max3A_728 = arith.maximumf %sub3A_725, %max3A_727 : vector<16xf32>
          %div3A_729 = arith.divf %mul3A_721, %max3A_728 : vector<16xf32>
          %max3A_730 = arith.maximumf %max3A_696, %div3A_729 : vector<16xf32>
          scf.yield %max3A_730 : vector<16xf32>
        }
        %reduce_max3A_442 = arith.constant true
        %reduce_max3A_443 = vector.broadcast %reduce_max3A_442 : i1 to vector<16xi1>
        %reduce_max3A_444 = tpu.scan <max>, %while3A_441 masked %reduce_max3A_443 : vector<16xf32>, vector<16xi1> -> vector<16xf32>
        %reduce_max3A_445 = vector.extract %reduce_max3A_444[15] : f32 from vector<16xf32>
        %gt3A = arith.constant 8.500000e-01 : f32
        %gt3A_446 = arith.cmpf ogt, %reduce_max3A_445, %gt3A : f32
        %gt3A_447 = arith.cmpf ogt, %reduce_max3A_73, %while3A_38 : f32
        %not3A = arith.constant true
        %not3A_448 = arith.xori %gt3A_446, %not3A : i1
        %and3A_449 = arith.andi %gt3A_447, %not3A_448 : i1
        %convert_element_type3A_450 = arith.extui %and3A_449 : i1 to i32
        %cond3A_451 = arith.constant 0 : i32
        %cond3A_452 = arith.cmpi ne, %convert_element_type3A_450, %cond3A_451 : i32
        scf.if %cond3A_452 {
          %jit3A_457 = arith.constant 16 : i32
          %div3A_458 = arith.divsi %while3A_55, %jit3A_457 : i32
          %sign3A_459 = arith.constant 0 : i32
          %sign3A_460 = arith.cmpi sgt, %while3A_55, %sign3A_459 : i32
          %sign3A_461 = arith.extui %sign3A_460 : i1 to i32
          %sign3A_462 = arith.constant 0 : i32
          %sign3A_463 = arith.cmpi slt, %while3A_55, %sign3A_462 : i32
          %sign3A_464 = arith.extui %sign3A_463 : i1 to i32
          %sign3A_465 = arith.subi %sign3A_461, %sign3A_464 : i32
          %sign3A_466 = arith.constant 0 : i32
          %sign3A_467 = arith.cmpi sgt, %jit3A_457, %sign3A_466 : i32
          %sign3A_468 = arith.extui %sign3A_467 : i1 to i32
          %sign3A_469 = arith.constant 0 : i32
          %sign3A_470 = arith.cmpi slt, %jit3A_457, %sign3A_469 : i32
          %sign3A_471 = arith.extui %sign3A_470 : i1 to i32
          %sign3A_472 = arith.subi %sign3A_468, %sign3A_471 : i32
          %ne3A_473 = arith.cmpi ne, %sign3A_465, %sign3A_472 : i32
          %rem3A_474 = arith.remsi %while3A_55, %jit3A_457 : i32
          %ne3A_475 = arith.constant 0 : i32
          %ne3A_476 = arith.cmpi ne, %rem3A_474, %ne3A_475 : i32
          %and3A_477 = arith.andi %ne3A_473, %ne3A_476 : i1
          %sub3A_478 = arith.constant 1 : i32
          %sub3A_479 = arith.subi %div3A_458, %sub3A_478 : i32
          %select_n3A_480 = arith.select %and3A_477, %sub3A_479, %div3A_458 : i32
          %mul3A_481 = arith.constant 16 : i32
          %mul3A_482 = arith.muli %select_n3A_480, %mul3A_481 : i32
          %get3A_483 = arith.index_cast %mul3A_482 : i32 to index
          %get3A_484 = tpu.vector_load %arg14[%get3A_483] {strides = array<i32>} : memref<512xf32, #tpu.memory_space<vmem>>, vector<16xf32>,
          %jit3A_485 = arith.constant 16 : i32
          %eq3A_486 = arith.constant 0 : i32
          %eq3A_487 = arith.cmpi eq, %jit3A_485, %eq3A_486 : i32
          %jit3A_488 = arith.constant 1 : i32
          %select_n3A_489 = arith.select %eq3A_487, %jit3A_488, %jit3A_485 : i32
          %rem3A_490 = arith.remsi %while3A_55, %select_n3A_489 : i32
          %ne3A_491 = arith.constant 0 : i32
          %ne3A_492 = arith.cmpi ne, %rem3A_490, %ne3A_491 : i32
          %lt3A_493 = arith.constant 0 : i32
          %lt3A_494 = arith.cmpi slt, %rem3A_490, %lt3A_493 : i32
          %lt3A_495 = arith.constant 0 : i32
          %lt3A_496 = arith.cmpi slt, %select_n3A_489, %lt3A_495 : i32
          %ne3A_497 = arith.xori %lt3A_494, %lt3A_496 : i1
          %and3A_498 = arith.andi %ne3A_497, %ne3A_492 : i1
          %add3A_499 = arith.addi %rem3A_490, %select_n3A_489 : i32
          %select_n3A_500 = arith.select %and3A_498, %add3A_499, %rem3A_490 : i32
          %eq3A_501 = vector.broadcast %select_n3A_500 : i32 to vector<16xi32>
          %eq3A_502 = arith.cmpi eq, %iota3A, %eq3A_501 : vector<16xi32>
          %select_n3A_503 = arith.select %eq3A_502, %gather3A, %get3A_484 : vector<16xi1>, vector<16xf32>
          %swap3A_504 = arith.index_cast %mul3A_482 : i32 to index
          %swap3A_505 = tpu.vector_load %arg14[%swap3A_504] {strides = array<i32>} : memref<512xf32, #tpu.memory_space<vmem>>, vector<16xf32>,
          tpu.vector_store %arg14[%swap3A_504], %select_n3A_503 {strides = array<i32>} : memref<512xf32, #tpu.memory_space<vmem>>, vector<16xf32>,
          %jit3A_506 = arith.constant 16 : i32
          %div3A_507 = arith.divsi %while3A_55, %jit3A_506 : i32
          %sign3A_508 = arith.constant 0 : i32
          %sign3A_509 = arith.cmpi sgt, %while3A_55, %sign3A_508 : i32
          %sign3A_510 = arith.extui %sign3A_509 : i1 to i32
          %sign3A_511 = arith.constant 0 : i32
          %sign3A_512 = arith.cmpi slt, %while3A_55, %sign3A_511 : i32
          %sign3A_513 = arith.extui %sign3A_512 : i1 to i32
          %sign3A_514 = arith.subi %sign3A_510, %sign3A_513 : i32
          %sign3A_515 = arith.constant 0 : i32
          %sign3A_516 = arith.cmpi sgt, %jit3A_506, %sign3A_515 : i32
          %sign3A_517 = arith.extui %sign3A_516 : i1 to i32
          %sign3A_518 = arith.constant 0 : i32
          %sign3A_519 = arith.cmpi slt, %jit3A_506, %sign3A_518 : i32
          %sign3A_520 = arith.extui %sign3A_519 : i1 to i32
          %sign3A_521 = arith.subi %sign3A_517, %sign3A_520 : i32
          %ne3A_522 = arith.cmpi ne, %sign3A_514, %sign3A_521 : i32
          %rem3A_523 = arith.remsi %while3A_55, %jit3A_506 : i32
          %ne3A_524 = arith.constant 0 : i32
          %ne3A_525 = arith.cmpi ne, %rem3A_523, %ne3A_524 : i32
          %and3A_526 = arith.andi %ne3A_522, %ne3A_525 : i1
          %sub3A_527 = arith.constant 1 : i32
          %sub3A_528 = arith.subi %div3A_507, %sub3A_527 : i32
          %select_n3A_529 = arith.select %and3A_526, %sub3A_528, %div3A_507 : i32
          %mul3A_530 = arith.constant 16 : i32
          %mul3A_531 = arith.muli %select_n3A_529, %mul3A_530 : i32
          %get3A_532 = arith.index_cast %mul3A_531 : i32 to index
          %get3A_533 = tpu.vector_load %arg15[%get3A_532] {strides = array<i32>} : memref<512xf32, #tpu.memory_space<vmem>>, vector<16xf32>,
          %jit3A_534 = arith.constant 16 : i32
          %eq3A_535 = arith.constant 0 : i32
          %eq3A_536 = arith.cmpi eq, %jit3A_534, %eq3A_535 : i32
          %jit3A_537 = arith.constant 1 : i32
          %select_n3A_538 = arith.select %eq3A_536, %jit3A_537, %jit3A_534 : i32
          %rem3A_539 = arith.remsi %while3A_55, %select_n3A_538 : i32
          %ne3A_540 = arith.constant 0 : i32
          %ne3A_541 = arith.cmpi ne, %rem3A_539, %ne3A_540 : i32
          %lt3A_542 = arith.constant 0 : i32
          %lt3A_543 = arith.cmpi slt, %rem3A_539, %lt3A_542 : i32
          %lt3A_544 = arith.constant 0 : i32
          %lt3A_545 = arith.cmpi slt, %select_n3A_538, %lt3A_544 : i32
          %ne3A_546 = arith.xori %lt3A_543, %lt3A_545 : i1
          %and3A_547 = arith.andi %ne3A_546, %ne3A_541 : i1
          %add3A_548 = arith.addi %rem3A_539, %select_n3A_538 : i32
          %select_n3A_549 = arith.select %and3A_547, %add3A_548, %rem3A_539 : i32
          %eq3A_550 = vector.broadcast %select_n3A_549 : i32 to vector<16xi32>
          %eq3A_551 = arith.cmpi eq, %iota3A, %eq3A_550 : vector<16xi32>
          %select_n3A_552 = arith.select %eq3A_551, %gather3A_252, %get3A_533 : vector<16xi1>, vector<16xf32>
          %swap3A_553 = arith.index_cast %mul3A_531 : i32 to index
          %swap3A_554 = tpu.vector_load %arg15[%swap3A_553] {strides = array<i32>} : memref<512xf32, #tpu.memory_space<vmem>>, vector<16xf32>,
          tpu.vector_store %arg15[%swap3A_553], %select_n3A_552 {strides = array<i32>} : memref<512xf32, #tpu.memory_space<vmem>>, vector<16xf32>,
          %jit3A_555 = arith.constant 16 : i32
          %div3A_556 = arith.divsi %while3A_55, %jit3A_555 : i32
          %sign3A_557 = arith.constant 0 : i32
          %sign3A_558 = arith.cmpi sgt, %while3A_55, %sign3A_557 : i32
          %sign3A_559 = arith.extui %sign3A_558 : i1 to i32
          %sign3A_560 = arith.constant 0 : i32
          %sign3A_561 = arith.cmpi slt, %while3A_55, %sign3A_560 : i32
          %sign3A_562 = arith.extui %sign3A_561 : i1 to i32
          %sign3A_563 = arith.subi %sign3A_559, %sign3A_562 : i32
          %sign3A_564 = arith.constant 0 : i32
          %sign3A_565 = arith.cmpi sgt, %jit3A_555, %sign3A_564 : i32
          %sign3A_566 = arith.extui %sign3A_565 : i1 to i32
          %sign3A_567 = arith.constant 0 : i32
          %sign3A_568 = arith.cmpi slt, %jit3A_555, %sign3A_567 : i32
          %sign3A_569 = arith.extui %sign3A_568 : i1 to i32
          %sign3A_570 = arith.subi %sign3A_566, %sign3A_569 : i32
          %ne3A_571 = arith.cmpi ne, %sign3A_563, %sign3A_570 : i32
          %rem3A_572 = arith.remsi %while3A_55, %jit3A_555 : i32
          %ne3A_573 = arith.constant 0 : i32
          %ne3A_574 = arith.cmpi ne, %rem3A_572, %ne3A_573 : i32
          %and3A_575 = arith.andi %ne3A_571, %ne3A_574 : i1
          %sub3A_576 = arith.constant 1 : i32
          %sub3A_577 = arith.subi %div3A_556, %sub3A_576 : i32
          %select_n3A_578 = arith.select %and3A_575, %sub3A_577, %div3A_556 : i32
          %mul3A_579 = arith.constant 16 : i32
          %mul3A_580 = arith.muli %select_n3A_578, %mul3A_579 : i32
          %get3A_581 = arith.index_cast %mul3A_580 : i32 to index
          %get3A_582 = tpu.vector_load %arg16[%get3A_581] {strides = array<i32>} : memref<512xf32, #tpu.memory_space<vmem>>, vector<16xf32>,
          %jit3A_583 = arith.constant 16 : i32
          %eq3A_584 = arith.constant 0 : i32
          %eq3A_585 = arith.cmpi eq, %jit3A_583, %eq3A_584 : i32
          %jit3A_586 = arith.constant 1 : i32
          %select_n3A_587 = arith.select %eq3A_585, %jit3A_586, %jit3A_583 : i32
          %rem3A_588 = arith.remsi %while3A_55, %select_n3A_587 : i32
          %ne3A_589 = arith.constant 0 : i32
          %ne3A_590 = arith.cmpi ne, %rem3A_588, %ne3A_589 : i32
          %lt3A_591 = arith.constant 0 : i32
          %lt3A_592 = arith.cmpi slt, %rem3A_588, %lt3A_591 : i32
          %lt3A_593 = arith.constant 0 : i32
          %lt3A_594 = arith.cmpi slt, %select_n3A_587, %lt3A_593 : i32
          %ne3A_595 = arith.xori %lt3A_592, %lt3A_594 : i1
          %and3A_596 = arith.andi %ne3A_595, %ne3A_590 : i1
          %add3A_597 = arith.addi %rem3A_588, %select_n3A_587 : i32
          %select_n3A_598 = arith.select %and3A_596, %add3A_597, %rem3A_588 : i32
          %eq3A_599 = vector.broadcast %select_n3A_598 : i32 to vector<16xi32>
          %eq3A_600 = arith.cmpi eq, %iota3A, %eq3A_599 : vector<16xi32>
          %select_n3A_601 = arith.select %eq3A_600, %gather3A_253, %get3A_582 : vector<16xi1>, vector<16xf32>
          %swap3A_602 = arith.index_cast %mul3A_580 : i32 to index
          %swap3A_603 = tpu.vector_load %arg16[%swap3A_602] {strides = array<i32>} : memref<512xf32, #tpu.memory_space<vmem>>, vector<16xf32>,
          tpu.vector_store %arg16[%swap3A_602], %select_n3A_601 {strides = array<i32>} : memref<512xf32, #tpu.memory_space<vmem>>, vector<16xf32>,
          %jit3A_604 = arith.constant 16 : i32
          %div3A_605 = arith.divsi %while3A_55, %jit3A_604 : i32
          %sign3A_606 = arith.constant 0 : i32
          %sign3A_607 = arith.cmpi sgt, %while3A_55, %sign3A_606 : i32
          %sign3A_608 = arith.extui %sign3A_607 : i1 to i32
          %sign3A_609 = arith.constant 0 : i32
          %sign3A_610 = arith.cmpi slt, %while3A_55, %sign3A_609 : i32
          %sign3A_611 = arith.extui %sign3A_610 : i1 to i32
          %sign3A_612 = arith.subi %sign3A_608, %sign3A_611 : i32
          %sign3A_613 = arith.constant 0 : i32
          %sign3A_614 = arith.cmpi sgt, %jit3A_604, %sign3A_613 : i32
          %sign3A_615 = arith.extui %sign3A_614 : i1 to i32
          %sign3A_616 = arith.constant 0 : i32
          %sign3A_617 = arith.cmpi slt, %jit3A_604, %sign3A_616 : i32
          %sign3A_618 = arith.extui %sign3A_617 : i1 to i32
          %sign3A_619 = arith.subi %sign3A_615, %sign3A_618 : i32
          %ne3A_620 = arith.cmpi ne, %sign3A_612, %sign3A_619 : i32
          %rem3A_621 = arith.remsi %while3A_55, %jit3A_604 : i32
          %ne3A_622 = arith.constant 0 : i32
          %ne3A_623 = arith.cmpi ne, %rem3A_621, %ne3A_622 : i32
          %and3A_624 = arith.andi %ne3A_620, %ne3A_623 : i1
          %sub3A_625 = arith.constant 1 : i32
          %sub3A_626 = arith.subi %div3A_605, %sub3A_625 : i32
          %select_n3A_627 = arith.select %and3A_624, %sub3A_626, %div3A_605 : i32
          %mul3A_628 = arith.constant 16 : i32
          %mul3A_629 = arith.muli %select_n3A_627, %mul3A_628 : i32
          %get3A_630 = arith.index_cast %mul3A_629 : i32 to index
          %get3A_631 = tpu.vector_load %arg17[%get3A_630] {strides = array<i32>} : memref<512xf32, #tpu.memory_space<vmem>>, vector<16xf32>,
          %jit3A_632 = arith.constant 16 : i32
          %eq3A_633 = arith.constant 0 : i32
          %eq3A_634 = arith.cmpi eq, %jit3A_632, %eq3A_633 : i32
          %jit3A_635 = arith.constant 1 : i32
          %select_n3A_636 = arith.select %eq3A_634, %jit3A_635, %jit3A_632 : i32
          %rem3A_637 = arith.remsi %while3A_55, %select_n3A_636 : i32
          %ne3A_638 = arith.constant 0 : i32
          %ne3A_639 = arith.cmpi ne, %rem3A_637, %ne3A_638 : i32
          %lt3A_640 = arith.constant 0 : i32
          %lt3A_641 = arith.cmpi slt, %rem3A_637, %lt3A_640 : i32
          %lt3A_642 = arith.constant 0 : i32
          %lt3A_643 = arith.cmpi slt, %select_n3A_636, %lt3A_642 : i32
          %ne3A_644 = arith.xori %lt3A_641, %lt3A_643 : i1
          %and3A_645 = arith.andi %ne3A_644, %ne3A_639 : i1
          %add3A_646 = arith.addi %rem3A_637, %select_n3A_636 : i32
          %select_n3A_647 = arith.select %and3A_645, %add3A_646, %rem3A_637 : i32
          %eq3A_648 = vector.broadcast %select_n3A_647 : i32 to vector<16xi32>
          %eq3A_649 = arith.cmpi eq, %iota3A, %eq3A_648 : vector<16xi32>
          %select_n3A_650 = arith.select %eq3A_649, %gather3A_254, %get3A_631 : vector<16xi1>, vector<16xf32>
          %swap3A_651 = arith.index_cast %mul3A_629 : i32 to index
          %swap3A_652 = tpu.vector_load %arg17[%swap3A_651] {strides = array<i32>} : memref<512xf32, #tpu.memory_space<vmem>>, vector<16xf32>,
          tpu.vector_store %arg17[%swap3A_651], %select_n3A_650 {strides = array<i32>} : memref<512xf32, #tpu.memory_space<vmem>>, vector<16xf32>,
          %jit3A_653 = arith.constant 16 : i32
          %div3A_654 = arith.divsi %while3A_55, %jit3A_653 : i32
          %sign3A_655 = arith.constant 0 : i32
          %sign3A_656 = arith.cmpi sgt, %while3A_55, %sign3A_655 : i32
          %sign3A_657 = arith.extui %sign3A_656 : i1 to i32
          %sign3A_658 = arith.constant 0 : i32
          %sign3A_659 = arith.cmpi slt, %while3A_55, %sign3A_658 : i32
          %sign3A_660 = arith.extui %sign3A_659 : i1 to i32
          %sign3A_661 = arith.subi %sign3A_657, %sign3A_660 : i32
          %sign3A_662 = arith.constant 0 : i32
          %sign3A_663 = arith.cmpi sgt, %jit3A_653, %sign3A_662 : i32
          %sign3A_664 = arith.extui %sign3A_663 : i1 to i32
          %sign3A_665 = arith.constant 0 : i32
          %sign3A_666 = arith.cmpi slt, %jit3A_653, %sign3A_665 : i32
          %sign3A_667 = arith.extui %sign3A_666 : i1 to i32
          %sign3A_668 = arith.subi %sign3A_664, %sign3A_667 : i32
          %ne3A_669 = arith.cmpi ne, %sign3A_661, %sign3A_668 : i32
          %rem3A_670 = arith.remsi %while3A_55, %jit3A_653 : i32
          %ne3A_671 = arith.constant 0 : i32
          %ne3A_672 = arith.cmpi ne, %rem3A_670, %ne3A_671 : i32
          %and3A_673 = arith.andi %ne3A_669, %ne3A_672 : i1
          %sub3A_674 = arith.constant 1 : i32
          %sub3A_675 = arith.subi %div3A_654, %sub3A_674 : i32
          %select_n3A_676 = arith.select %and3A_673, %sub3A_675, %div3A_654 : i32
          %mul3A_677 = arith.constant 16 : i32
          %mul3A_678 = arith.muli %select_n3A_676, %mul3A_677 : i32
          %get3A_679 = arith.index_cast %mul3A_678 : i32 to index
          %get3A_680 = tpu.vector_load %arg18[%get3A_679] {strides = array<i32>} : memref<512xf32, #tpu.memory_space<vmem>>, vector<16xf32>,
          %jit3A_681 = arith.constant 16 : i32
          %eq3A_682 = arith.constant 0 : i32
          %eq3A_683 = arith.cmpi eq, %jit3A_681, %eq3A_682 : i32
          %jit3A_684 = arith.constant 1 : i32
          %select_n3A_685 = arith.select %eq3A_683, %jit3A_684, %jit3A_681 : i32
          %rem3A_686 = arith.remsi %while3A_55, %select_n3A_685 : i32
          %ne3A_687 = arith.constant 0 : i32
          %ne3A_688 = arith.cmpi ne, %rem3A_686, %ne3A_687 : i32
          %lt3A_689 = arith.constant 0 : i32
          %lt3A_690 = arith.cmpi slt, %rem3A_686, %lt3A_689 : i32
          %lt3A_691 = arith.constant 0 : i32
          %lt3A_692 = arith.cmpi slt, %select_n3A_685, %lt3A_691 : i32
          %ne3A_693 = arith.xori %lt3A_690, %lt3A_692 : i1
          %and3A_694 = arith.andi %ne3A_693, %ne3A_688 : i1
          %add3A_695 = arith.addi %rem3A_686, %select_n3A_685 : i32
          %select_n3A_696 = arith.select %and3A_694, %add3A_695, %rem3A_686 : i32
          %eq3A_697 = vector.broadcast %select_n3A_696 : i32 to vector<16xi32>
          %eq3A_698 = arith.cmpi eq, %iota3A, %eq3A_697 : vector<16xi32>
          %select_n3A_699 = arith.select %eq3A_698, %mul3A_262, %get3A_680 : vector<16xi1>, vector<16xf32>
          %swap3A_700 = arith.index_cast %mul3A_678 : i32 to index
          %swap3A_701 = tpu.vector_load %arg18[%swap3A_700] {strides = array<i32>} : memref<512xf32, #tpu.memory_space<vmem>>, vector<16xf32>,
          tpu.vector_store %arg18[%swap3A_700], %select_n3A_699 {strides = array<i32>} : memref<512xf32, #tpu.memory_space<vmem>>, vector<16xf32>,
          %jit3A_702 = arith.constant 16 : i32
          %div3A_703 = arith.divsi %while3A_55, %jit3A_702 : i32
          %sign3A_704 = arith.constant 0 : i32
          %sign3A_705 = arith.cmpi sgt, %while3A_55, %sign3A_704 : i32
          %sign3A_706 = arith.extui %sign3A_705 : i1 to i32
          %sign3A_707 = arith.constant 0 : i32
          %sign3A_708 = arith.cmpi slt, %while3A_55, %sign3A_707 : i32
          %sign3A_709 = arith.extui %sign3A_708 : i1 to i32
          %sign3A_710 = arith.subi %sign3A_706, %sign3A_709 : i32
          %sign3A_711 = arith.constant 0 : i32
          %sign3A_712 = arith.cmpi sgt, %jit3A_702, %sign3A_711 : i32
          %sign3A_713 = arith.extui %sign3A_712 : i1 to i32
          %sign3A_714 = arith.constant 0 : i32
          %sign3A_715 = arith.cmpi slt, %jit3A_702, %sign3A_714 : i32
          %sign3A_716 = arith.extui %sign3A_715 : i1 to i32
          %sign3A_717 = arith.subi %sign3A_713, %sign3A_716 : i32
          %ne3A_718 = arith.cmpi ne, %sign3A_710, %sign3A_717 : i32
          %rem3A_719 = arith.remsi %while3A_55, %jit3A_702 : i32
          %ne3A_720 = arith.constant 0 : i32
          %ne3A_721 = arith.cmpi ne, %rem3A_719, %ne3A_720 : i32
          %and3A_722 = arith.andi %ne3A_718, %ne3A_721 : i1
          %sub3A_723 = arith.constant 1 : i32
          %sub3A_724 = arith.subi %div3A_703, %sub3A_723 : i32
          %select_n3A_725 = arith.select %and3A_722, %sub3A_724, %div3A_703 : i32
          %mul3A_726 = arith.constant 16 : i32
          %mul3A_727 = arith.muli %select_n3A_725, %mul3A_726 : i32
          %get3A_728 = arith.index_cast %mul3A_727 : i32 to index
          %get3A_729 = tpu.vector_load %arg19[%get3A_728] {strides = array<i32>} : memref<512xf32, #tpu.memory_space<vmem>>, vector<16xf32>,
          %jit3A_730 = arith.constant 16 : i32
          %eq3A_731 = arith.constant 0 : i32
          %eq3A_732 = arith.cmpi eq, %jit3A_730, %eq3A_731 : i32
          %jit3A_733 = arith.constant 1 : i32
          %select_n3A_734 = arith.select %eq3A_732, %jit3A_733, %jit3A_730 : i32
          %rem3A_735 = arith.remsi %while3A_55, %select_n3A_734 : i32
          %ne3A_736 = arith.constant 0 : i32
          %ne3A_737 = arith.cmpi ne, %rem3A_735, %ne3A_736 : i32
          %lt3A_738 = arith.constant 0 : i32
          %lt3A_739 = arith.cmpi slt, %rem3A_735, %lt3A_738 : i32
          %lt3A_740 = arith.constant 0 : i32
          %lt3A_741 = arith.cmpi slt, %select_n3A_734, %lt3A_740 : i32
          %ne3A_742 = arith.xori %lt3A_739, %lt3A_741 : i1
          %and3A_743 = arith.andi %ne3A_742, %ne3A_737 : i1
          %add3A_744 = arith.addi %rem3A_735, %select_n3A_734 : i32
          %select_n3A_745 = arith.select %and3A_743, %add3A_744, %rem3A_735 : i32
          %eq3A_746 = vector.broadcast %select_n3A_745 : i32 to vector<16xi32>
          %eq3A_747 = arith.cmpi eq, %iota3A, %eq3A_746 : vector<16xi32>
          %broadcast_in_dim3A_748 = vector.broadcast %reduce_max3A_73 : f32 to vector<16xf32>
          %select_n3A_749 = arith.select %eq3A_747, %broadcast_in_dim3A_748, %get3A_729 : vector<16xi1>, vector<16xf32>
          %swap3A_750 = arith.index_cast %mul3A_727 : i32 to index
          %swap3A_751 = tpu.vector_load %arg19[%swap3A_750] {strides = array<i32>} : memref<512xf32, #tpu.memory_space<vmem>>, vector<16xf32>,
          tpu.vector_store %arg19[%swap3A_750], %select_n3A_749 {strides = array<i32>} : memref<512xf32, #tpu.memory_space<vmem>>, vector<16xf32>,
          %jit3A_752 = arith.constant 16 : i32
          %div3A_753 = arith.divsi %while3A_55, %jit3A_752 : i32
          %sign3A_754 = arith.constant 0 : i32
          %sign3A_755 = arith.cmpi sgt, %while3A_55, %sign3A_754 : i32
          %sign3A_756 = arith.extui %sign3A_755 : i1 to i32
          %sign3A_757 = arith.constant 0 : i32
          %sign3A_758 = arith.cmpi slt, %while3A_55, %sign3A_757 : i32
          %sign3A_759 = arith.extui %sign3A_758 : i1 to i32
          %sign3A_760 = arith.subi %sign3A_756, %sign3A_759 : i32
          %sign3A_761 = arith.constant 0 : i32
          %sign3A_762 = arith.cmpi sgt, %jit3A_752, %sign3A_761 : i32
          %sign3A_763 = arith.extui %sign3A_762 : i1 to i32
          %sign3A_764 = arith.constant 0 : i32
          %sign3A_765 = arith.cmpi slt, %jit3A_752, %sign3A_764 : i32
          %sign3A_766 = arith.extui %sign3A_765 : i1 to i32
          %sign3A_767 = arith.subi %sign3A_763, %sign3A_766 : i32
          %ne3A_768 = arith.cmpi ne, %sign3A_760, %sign3A_767 : i32
          %rem3A_769 = arith.remsi %while3A_55, %jit3A_752 : i32
          %ne3A_770 = arith.constant 0 : i32
          %ne3A_771 = arith.cmpi ne, %rem3A_769, %ne3A_770 : i32
          %and3A_772 = arith.andi %ne3A_768, %ne3A_771 : i1
          %sub3A_773 = arith.constant 1 : i32
          %sub3A_774 = arith.subi %div3A_753, %sub3A_773 : i32
          %select_n3A_775 = arith.select %and3A_772, %sub3A_774, %div3A_753 : i32
          %mul3A_776 = arith.constant 16 : i32
          %mul3A_777 = arith.muli %select_n3A_775, %mul3A_776 : i32
          %get3A_778 = arith.index_cast %mul3A_777 : i32 to index
          %get3A_779 = tpu.vector_load %arg20[%get3A_778] {strides = array<i32>} : memref<512xi32, #tpu.memory_space<vmem>>, vector<16xi32>,
          %jit3A_780 = arith.constant 16 : i32
          %eq3A_781 = arith.constant 0 : i32
          %eq3A_782 = arith.cmpi eq, %jit3A_780, %eq3A_781 : i32
          %jit3A_783 = arith.constant 1 : i32
          %select_n3A_784 = arith.select %eq3A_782, %jit3A_783, %jit3A_780 : i32
          %rem3A_785 = arith.remsi %while3A_55, %select_n3A_784 : i32
          %ne3A_786 = arith.constant 0 : i32
          %ne3A_787 = arith.cmpi ne, %rem3A_785, %ne3A_786 : i32
          %lt3A_788 = arith.constant 0 : i32
          %lt3A_789 = arith.cmpi slt, %rem3A_785, %lt3A_788 : i32
          %lt3A_790 = arith.constant 0 : i32
          %lt3A_791 = arith.cmpi slt, %select_n3A_784, %lt3A_790 : i32
          %ne3A_792 = arith.xori %lt3A_789, %lt3A_791 : i1
          %and3A_793 = arith.andi %ne3A_792, %ne3A_787 : i1
          %add3A_794 = arith.addi %rem3A_785, %select_n3A_784 : i32
          %select_n3A_795 = arith.select %and3A_793, %add3A_794, %rem3A_785 : i32
          %eq3A_796 = vector.broadcast %select_n3A_795 : i32 to vector<16xi32>
          %eq3A_797 = arith.cmpi eq, %iota3A, %eq3A_796 : vector<16xi32>
          %broadcast_in_dim3A_798 = vector.broadcast %add3A_247 : i32 to vector<16xi32>
          %select_n3A_799 = arith.select %eq3A_797, %broadcast_in_dim3A_798, %get3A_779 : vector<16xi1>, vector<16xi32>
          %swap3A_800 = arith.index_cast %mul3A_777 : i32 to index
          %swap3A_801 = tpu.vector_load %arg20[%swap3A_800] {strides = array<i32>} : memref<512xi32, #tpu.memory_space<vmem>>, vector<16xi32>,
          tpu.vector_store %arg20[%swap3A_800], %select_n3A_799 {strides = array<i32>} : memref<512xi32, #tpu.memory_space<vmem>>, vector<16xi32>,
          %jit3A_802 = arith.constant 16 : i32
          %div3A_803 = arith.divsi %while3A_55, %jit3A_802 : i32
          %sign3A_804 = arith.constant 0 : i32
          %sign3A_805 = arith.cmpi sgt, %while3A_55, %sign3A_804 : i32
          %sign3A_806 = arith.extui %sign3A_805 : i1 to i32
          %sign3A_807 = arith.constant 0 : i32
          %sign3A_808 = arith.cmpi slt, %while3A_55, %sign3A_807 : i32
          %sign3A_809 = arith.extui %sign3A_808 : i1 to i32
          %sign3A_810 = arith.subi %sign3A_806, %sign3A_809 : i32
          %sign3A_811 = arith.constant 0 : i32
          %sign3A_812 = arith.cmpi sgt, %jit3A_802, %sign3A_811 : i32
          %sign3A_813 = arith.extui %sign3A_812 : i1 to i32
          %sign3A_814 = arith.constant 0 : i32
          %sign3A_815 = arith.cmpi slt, %jit3A_802, %sign3A_814 : i32
          %sign3A_816 = arith.extui %sign3A_815 : i1 to i32
          %sign3A_817 = arith.subi %sign3A_813, %sign3A_816 : i32
          %ne3A_818 = arith.cmpi ne, %sign3A_810, %sign3A_817 : i32
          %rem3A_819 = arith.remsi %while3A_55, %jit3A_802 : i32
          %ne3A_820 = arith.constant 0 : i32
          %ne3A_821 = arith.cmpi ne, %rem3A_819, %ne3A_820 : i32
          %and3A_822 = arith.andi %ne3A_818, %ne3A_821 : i1
          %sub3A_823 = arith.constant 1 : i32
          %sub3A_824 = arith.subi %div3A_803, %sub3A_823 : i32
          %select_n3A_825 = arith.select %and3A_822, %sub3A_824, %div3A_803 : i32
          %mul3A_826 = arith.constant 16 : i32
          %mul3A_827 = arith.muli %select_n3A_825, %mul3A_826 : i32
          %get3A_828 = arith.index_cast %mul3A_827 : i32 to index
          %get3A_829 = tpu.vector_load %arg21[%get3A_828] {strides = array<i32>} : memref<512xf32, #tpu.memory_space<vmem>>, vector<16xf32>,
          %jit3A_830 = arith.constant 16 : i32
          %eq3A_831 = arith.constant 0 : i32
          %eq3A_832 = arith.cmpi eq, %jit3A_830, %eq3A_831 : i32
          %jit3A_833 = arith.constant 1 : i32
          %select_n3A_834 = arith.select %eq3A_832, %jit3A_833, %jit3A_830 : i32
          %rem3A_835 = arith.remsi %while3A_55, %select_n3A_834 : i32
          %ne3A_836 = arith.constant 0 : i32
          %ne3A_837 = arith.cmpi ne, %rem3A_835, %ne3A_836 : i32
          %lt3A_838 = arith.constant 0 : i32
          %lt3A_839 = arith.cmpi slt, %rem3A_835, %lt3A_838 : i32
          %lt3A_840 = arith.constant 0 : i32
          %lt3A_841 = arith.cmpi slt, %select_n3A_834, %lt3A_840 : i32
          %ne3A_842 = arith.xori %lt3A_839, %lt3A_841 : i1
          %and3A_843 = arith.andi %ne3A_842, %ne3A_837 : i1
          %add3A_844 = arith.addi %rem3A_835, %select_n3A_834 : i32
          %select_n3A_845 = arith.select %and3A_843, %add3A_844, %rem3A_835 : i32
          %eq3A_846 = vector.broadcast %select_n3A_845 : i32 to vector<16xi32>
          %eq3A_847 = arith.cmpi eq, %iota3A, %eq3A_846 : vector<16xi32>
          %jit3A_848 = arith.constant 1.000000e+00 : f32
          %broadcast_in_dim3A_849 = vector.broadcast %jit3A_848 : f32 to vector<16xf32>
          %select_n3A_850 = arith.select %eq3A_847, %broadcast_in_dim3A_849, %get3A_829 : vector<16xi1>, vector<16xf32>
          %swap3A_851 = arith.index_cast %mul3A_827 : i32 to index
          %swap3A_852 = tpu.vector_load %arg21[%swap3A_851] {strides = array<i32>} : memref<512xf32, #tpu.memory_space<vmem>>, vector<16xf32>,
          tpu.vector_store %arg21[%swap3A_851], %select_n3A_850 {strides = array<i32>} : memref<512xf32, #tpu.memory_space<vmem>>, vector<16xf32>,
        } else {
        }
        %jit3A_453 = arith.constant 1 : i32
        %jit3A_454 = arith.constant 0 : i32
        %select_n3A_455 = arith.select %and3A_449, %jit3A_453, %jit3A_454 : i32
        %add3A_456 = arith.addi %while3A_55, %select_n3A_455 : i32
        scf.yield %add3A_456, %gt3A_447, %select_n3A_353, %select_n3A_360, %select_n3A_367, %select_n3A_374, %select_n3A_381, %select_n3A_388, %select_n3A_395, %select_n3A_402 : i32, i1, vector<16xf32>, vector<16xf32>, vector<16xf32>, vector<16xf32>, vector<16xf32>, vector<16xf32>, vector<16xf32>, vector<16xf32>
      }
      "tpu.region"() ({
        %run_scoped3A_55 = tpu.sem_alloc : memref<!tpu.dma_semaphore, #tpu.memory_space<semaphore_mem>>
        %dma_start3A = arith.constant 0 : i32
        %dma_start3A_56 = tpu.memref_slice %arg5[%arg1, %dma_start3A] : memref<4x512xf32, #tpu.memory_space<hbm>> -> memref<1x512xf32, #tpu.memory_space<hbm>>
        %dma_start3A_57 = tpu.memref_squeeze %dma_start3A_56 : memref<1x512xf32, #tpu.memory_space<hbm>> -> memref<512xf32, #tpu.memory_space<hbm>>
        %dma_start3A_58 = arith.constant 0 : i32
        %dma_start3A_59 = tpu.memref_slice %arg5[%arg1, %dma_start3A_58] : memref<4x512xf32, #tpu.memory_space<hbm>> -> memref<1x512xf32, #tpu.memory_space<hbm>>
        %dma_start3A_60 = tpu.memref_squeeze %dma_start3A_59 : memref<1x512xf32, #tpu.memory_space<hbm>> -> memref<512xf32, #tpu.memory_space<hbm>>
        tpu.enqueue_dma source(%arg19 : memref<512xf32, #tpu.memory_space<vmem>>) target(%dma_start3A_60 : memref<512xf32, #tpu.memory_space<hbm>>) target_semaphore(%run_scoped3A_55 : memref<!tpu.dma_semaphore, #tpu.memory_space<semaphore_mem>>)
        %dma_wait3A = arith.constant 0 : i32
        %dma_wait3A_61 = tpu.memref_slice %arg5[%arg1, %dma_wait3A] : memref<4x512xf32, #tpu.memory_space<hbm>> -> memref<1x512xf32, #tpu.memory_space<hbm>>
        %dma_wait3A_62 = tpu.memref_squeeze %dma_wait3A_61 : memref<1x512xf32, #tpu.memory_space<hbm>> -> memref<512xf32, #tpu.memory_space<hbm>>
        %dma_wait3A_63 = arith.constant 0 : i32
        %dma_wait3A_64 = tpu.memref_slice %arg5[%arg1, %dma_wait3A_63] : memref<4x512xf32, #tpu.memory_space<hbm>> -> memref<1x512xf32, #tpu.memory_space<hbm>>
        %dma_wait3A_65 = tpu.memref_squeeze %dma_wait3A_64 : memref<1x512xf32, #tpu.memory_space<hbm>> -> memref<512xf32, #tpu.memory_space<hbm>>
        tpu.wait_dma2 semaphore(%run_scoped3A_55 : memref<!tpu.dma_semaphore, #tpu.memory_space<semaphore_mem>>) src(%arg19 : memref<512xf32, #tpu.memory_space<vmem>>) dst(%dma_wait3A_65 : memref<512xf32, #tpu.memory_space<hbm>>)
        tpu.yield
      }) : () -> ()
      %run_scoped3A_42 = arith.constant 0 : i32
      "tpu.region"() ({
        %run_scoped3A_55 = tpu.sem_alloc : memref<!tpu.dma_semaphore, #tpu.memory_space<semaphore_mem>>
        %dma_start3A = arith.constant 0 : i32
        %dma_start3A_56 = tpu.memref_slice %arg2[%run_scoped3A_42, %arg1, %dma_start3A] : memref<12x4x16384xf32, #tpu.memory_space<hbm>> -> memref<1x1x16384xf32, #tpu.memory_space<hbm>>
        %dma_start3A_57 = tpu.memref_squeeze %dma_start3A_56 : memref<1x1x16384xf32, #tpu.memory_space<hbm>> -> memref<16384xf32, #tpu.memory_space<hbm>>
        %dma_start3A_58 = arith.constant 0 : i32
        %dma_start3A_59 = tpu.memref_slice %arg2[%run_scoped3A_42, %arg1, %dma_start3A_58] : memref<12x4x16384xf32, #tpu.memory_space<hbm>> -> memref<1x1x16384xf32, #tpu.memory_space<hbm>>
        %dma_start3A_60 = tpu.memref_squeeze %dma_start3A_59 : memref<1x1x16384xf32, #tpu.memory_space<hbm>> -> memref<16384xf32, #tpu.memory_space<hbm>>
        tpu.enqueue_dma source(%dma_start3A_60 : memref<16384xf32, #tpu.memory_space<hbm>>) target(%arg6 : memref<16384xf32, #tpu.memory_space<vmem>>) target_semaphore(%run_scoped3A_55 : memref<!tpu.dma_semaphore, #tpu.memory_space<semaphore_mem>>)
        %dma_wait3A = arith.constant 0 : i32
        %dma_wait3A_61 = tpu.memref_slice %arg2[%run_scoped3A_42, %arg1, %dma_wait3A] : memref<12x4x16384xf32, #tpu.memory_space<hbm>> -> memref<1x1x16384xf32, #tpu.memory_space<hbm>>
        %dma_wait3A_62 = tpu.memref_squeeze %dma_wait3A_61 : memref<1x1x16384xf32, #tpu.memory_space<hbm>> -> memref<16384xf32, #tpu.memory_space<hbm>>
        %dma_wait3A_63 = arith.constant 0 : i32
        %dma_wait3A_64 = tpu.memref_slice %arg2[%run_scoped3A_42, %arg1, %dma_wait3A_63] : memref<12x4x16384xf32, #tpu.memory_space<hbm>> -> memref<1x1x16384xf32, #tpu.memory_space<hbm>>
        %dma_wait3A_65 = tpu.memref_squeeze %dma_wait3A_64 : memref<1x1x16384xf32, #tpu.memory_space<hbm>> -> memref<16384xf32, #tpu.memory_space<hbm>>
        tpu.wait_dma2 semaphore(%run_scoped3A_55 : memref<!tpu.dma_semaphore, #tpu.memory_space<semaphore_mem>>) src(%dma_wait3A_65 : memref<16384xf32, #tpu.memory_space<hbm>>) dst(%arg6 : memref<16384xf32, #tpu.memory_space<vmem>>)
        tpu.yield
      }) : () -> ()
      %run_scoped3A_43 = arith.constant 1 : i32
      "tpu.region"() ({
        %run_scoped3A_55 = tpu.sem_alloc : memref<!tpu.dma_semaphore, #tpu.memory_space<semaphore_mem>>
        %dma_start3A = arith.constant 0 : i32
        %dma_start3A_56 = tpu.memref_slice %arg2[%run_scoped3A_43, %arg1, %dma_start3A] : memref<12x4x16384xf32, #tpu.memory_space<hbm>> -> memref<1x1x16384xf32, #tpu.memory_space<hbm>>
        %dma_start3A_57 = tpu.memref_squeeze %dma_start3A_56 : memref<1x1x16384xf32, #tpu.memory_space<hbm>> -> memref<16384xf32, #tpu.memory_space<hbm>>
        %dma_start3A_58 = arith.constant 0 : i32
        %dma_start3A_59 = tpu.memref_slice %arg2[%run_scoped3A_43, %arg1, %dma_start3A_58] : memref<12x4x16384xf32, #tpu.memory_space<hbm>> -> memref<1x1x16384xf32, #tpu.memory_space<hbm>>
        %dma_start3A_60 = tpu.memref_squeeze %dma_start3A_59 : memref<1x1x16384xf32, #tpu.memory_space<hbm>> -> memref<16384xf32, #tpu.memory_space<hbm>>
        tpu.enqueue_dma source(%dma_start3A_60 : memref<16384xf32, #tpu.memory_space<hbm>>) target(%arg7 : memref<16384xf32, #tpu.memory_space<vmem>>) target_semaphore(%run_scoped3A_55 : memref<!tpu.dma_semaphore, #tpu.memory_space<semaphore_mem>>)
        %dma_wait3A = arith.constant 0 : i32
        %dma_wait3A_61 = tpu.memref_slice %arg2[%run_scoped3A_43, %arg1, %dma_wait3A] : memref<12x4x16384xf32, #tpu.memory_space<hbm>> -> memref<1x1x16384xf32, #tpu.memory_space<hbm>>
        %dma_wait3A_62 = tpu.memref_squeeze %dma_wait3A_61 : memref<1x1x16384xf32, #tpu.memory_space<hbm>> -> memref<16384xf32, #tpu.memory_space<hbm>>
        %dma_wait3A_63 = arith.constant 0 : i32
        %dma_wait3A_64 = tpu.memref_slice %arg2[%run_scoped3A_43, %arg1, %dma_wait3A_63] : memref<12x4x16384xf32, #tpu.memory_space<hbm>> -> memref<1x1x16384xf32, #tpu.memory_space<hbm>>
        %dma_wait3A_65 = tpu.memref_squeeze %dma_wait3A_64 : memref<1x1x16384xf32, #tpu.memory_space<hbm>> -> memref<16384xf32, #tpu.memory_space<hbm>>
        tpu.wait_dma2 semaphore(%run_scoped3A_55 : memref<!tpu.dma_semaphore, #tpu.memory_space<semaphore_mem>>) src(%dma_wait3A_65 : memref<16384xf32, #tpu.memory_space<hbm>>) dst(%arg7 : memref<16384xf32, #tpu.memory_space<vmem>>)
        tpu.yield
      }) : () -> ()
      %run_scoped3A_44 = arith.constant 2 : i32
      "tpu.region"() ({
        %run_scoped3A_55 = tpu.sem_alloc : memref<!tpu.dma_semaphore, #tpu.memory_space<semaphore_mem>>
        %dma_start3A = arith.constant 0 : i32
        %dma_start3A_56 = tpu.memref_slice %arg2[%run_scoped3A_44, %arg1, %dma_start3A] : memref<12x4x16384xf32, #tpu.memory_space<hbm>> -> memref<1x1x16384xf32, #tpu.memory_space<hbm>>
        %dma_start3A_57 = tpu.memref_squeeze %dma_start3A_56 : memref<1x1x16384xf32, #tpu.memory_space<hbm>> -> memref<16384xf32, #tpu.memory_space<hbm>>
        %dma_start3A_58 = arith.constant 0 : i32
        %dma_start3A_59 = tpu.memref_slice %arg2[%run_scoped3A_44, %arg1, %dma_start3A_58] : memref<12x4x16384xf32, #tpu.memory_space<hbm>> -> memref<1x1x16384xf32, #tpu.memory_space<hbm>>
        %dma_start3A_60 = tpu.memref_squeeze %dma_start3A_59 : memref<1x1x16384xf32, #tpu.memory_space<hbm>> -> memref<16384xf32, #tpu.memory_space<hbm>>
        tpu.enqueue_dma source(%dma_start3A_60 : memref<16384xf32, #tpu.memory_space<hbm>>) target(%arg8 : memref<16384xf32, #tpu.memory_space<vmem>>) target_semaphore(%run_scoped3A_55 : memref<!tpu.dma_semaphore, #tpu.memory_space<semaphore_mem>>)
        %dma_wait3A = arith.constant 0 : i32
        %dma_wait3A_61 = tpu.memref_slice %arg2[%run_scoped3A_44, %arg1, %dma_wait3A] : memref<12x4x16384xf32, #tpu.memory_space<hbm>> -> memref<1x1x16384xf32, #tpu.memory_space<hbm>>
        %dma_wait3A_62 = tpu.memref_squeeze %dma_wait3A_61 : memref<1x1x16384xf32, #tpu.memory_space<hbm>> -> memref<16384xf32, #tpu.memory_space<hbm>>
        %dma_wait3A_63 = arith.constant 0 : i32
        %dma_wait3A_64 = tpu.memref_slice %arg2[%run_scoped3A_44, %arg1, %dma_wait3A_63] : memref<12x4x16384xf32, #tpu.memory_space<hbm>> -> memref<1x1x16384xf32, #tpu.memory_space<hbm>>
        %dma_wait3A_65 = tpu.memref_squeeze %dma_wait3A_64 : memref<1x1x16384xf32, #tpu.memory_space<hbm>> -> memref<16384xf32, #tpu.memory_space<hbm>>
        tpu.wait_dma2 semaphore(%run_scoped3A_55 : memref<!tpu.dma_semaphore, #tpu.memory_space<semaphore_mem>>) src(%dma_wait3A_65 : memref<16384xf32, #tpu.memory_space<hbm>>) dst(%arg8 : memref<16384xf32, #tpu.memory_space<vmem>>)
        tpu.yield
      }) : () -> ()
      %run_scoped3A_45 = arith.constant 3 : i32
      "tpu.region"() ({
        %run_scoped3A_55 = tpu.sem_alloc : memref<!tpu.dma_semaphore, #tpu.memory_space<semaphore_mem>>
        %dma_start3A = arith.constant 0 : i32
        %dma_start3A_56 = tpu.memref_slice %arg2[%run_scoped3A_45, %arg1, %dma_start3A] : memref<12x4x16384xf32, #tpu.memory_space<hbm>> -> memref<1x1x16384xf32, #tpu.memory_space<hbm>>
        %dma_start3A_57 = tpu.memref_squeeze %dma_start3A_56 : memref<1x1x16384xf32, #tpu.memory_space<hbm>> -> memref<16384xf32, #tpu.memory_space<hbm>>
        %dma_start3A_58 = arith.constant 0 : i32
        %dma_start3A_59 = tpu.memref_slice %arg2[%run_scoped3A_45, %arg1, %dma_start3A_58] : memref<12x4x16384xf32, #tpu.memory_space<hbm>> -> memref<1x1x16384xf32, #tpu.memory_space<hbm>>
        %dma_start3A_60 = tpu.memref_squeeze %dma_start3A_59 : memref<1x1x16384xf32, #tpu.memory_space<hbm>> -> memref<16384xf32, #tpu.memory_space<hbm>>
        tpu.enqueue_dma source(%dma_start3A_60 : memref<16384xf32, #tpu.memory_space<hbm>>) target(%arg9 : memref<16384xf32, #tpu.memory_space<vmem>>) target_semaphore(%run_scoped3A_55 : memref<!tpu.dma_semaphore, #tpu.memory_space<semaphore_mem>>)
        %dma_wait3A = arith.constant 0 : i32
        %dma_wait3A_61 = tpu.memref_slice %arg2[%run_scoped3A_45, %arg1, %dma_wait3A] : memref<12x4x16384xf32, #tpu.memory_space<hbm>> -> memref<1x1x16384xf32, #tpu.memory_space<hbm>>
        %dma_wait3A_62 = tpu.memref_squeeze %dma_wait3A_61 : memref<1x1x16384xf32, #tpu.memory_space<hbm>> -> memref<16384xf32, #tpu.memory_space<hbm>>
        %dma_wait3A_63 = arith.constant 0 : i32
        %dma_wait3A_64 = tpu.memref_slice %arg2[%run_scoped3A_45, %arg1, %dma_wait3A_63] : memref<12x4x16384xf32, #tpu.memory_space<hbm>> -> memref<1x1x16384xf32, #tpu.memory_space<hbm>>
        %dma_wait3A_65 = tpu.memref_squeeze %dma_wait3A_64 : memref<1x1x16384xf32, #tpu.memory_space<hbm>> -> memref<16384xf32, #tpu.memory_space<hbm>>
        tpu.wait_dma2 semaphore(%run_scoped3A_55 : memref<!tpu.dma_semaphore, #tpu.memory_space<semaphore_mem>>) src(%dma_wait3A_65 : memref<16384xf32, #tpu.memory_space<hbm>>) dst(%arg9 : memref<16384xf32, #tpu.memory_space<vmem>>)
        tpu.yield
      }) : () -> ()
      %run_scoped3A_46 = arith.constant 4 : i32
      "tpu.region"() ({
        %run_scoped3A_55 = tpu.sem_alloc : memref<!tpu.dma_semaphore, #tpu.memory_space<semaphore_mem>>
        %dma_start3A = arith.constant 0 : i32
        %dma_start3A_56 = tpu.memref_slice %arg2[%run_scoped3A_46, %arg1, %dma_start3A] : memref<12x4x16384xf32, #tpu.memory_space<hbm>> -> memref<1x1x16384xf32, #tpu.memory_space<hbm>>
        %dma_start3A_57 = tpu.memref_squeeze %dma_start3A_56 : memref<1x1x16384xf32, #tpu.memory_space<hbm>> -> memref<16384xf32, #tpu.memory_space<hbm>>
        %dma_start3A_58 = arith.constant 0 : i32
        %dma_start3A_59 = tpu.memref_slice %arg2[%run_scoped3A_46, %arg1, %dma_start3A_58] : memref<12x4x16384xf32, #tpu.memory_space<hbm>> -> memref<1x1x16384xf32, #tpu.memory_space<hbm>>
        %dma_start3A_60 = tpu.memref_squeeze %dma_start3A_59 : memref<1x1x16384xf32, #tpu.memory_space<hbm>> -> memref<16384xf32, #tpu.memory_space<hbm>>
        tpu.enqueue_dma source(%dma_start3A_60 : memref<16384xf32, #tpu.memory_space<hbm>>) target(%arg10 : memref<16384xf32, #tpu.memory_space<vmem>>) target_semaphore(%run_scoped3A_55 : memref<!tpu.dma_semaphore, #tpu.memory_space<semaphore_mem>>)
        %dma_wait3A = arith.constant 0 : i32
        %dma_wait3A_61 = tpu.memref_slice %arg2[%run_scoped3A_46, %arg1, %dma_wait3A] : memref<12x4x16384xf32, #tpu.memory_space<hbm>> -> memref<1x1x16384xf32, #tpu.memory_space<hbm>>
        %dma_wait3A_62 = tpu.memref_squeeze %dma_wait3A_61 : memref<1x1x16384xf32, #tpu.memory_space<hbm>> -> memref<16384xf32, #tpu.memory_space<hbm>>
        %dma_wait3A_63 = arith.constant 0 : i32
        %dma_wait3A_64 = tpu.memref_slice %arg2[%run_scoped3A_46, %arg1, %dma_wait3A_63] : memref<12x4x16384xf32, #tpu.memory_space<hbm>> -> memref<1x1x16384xf32, #tpu.memory_space<hbm>>
        %dma_wait3A_65 = tpu.memref_squeeze %dma_wait3A_64 : memref<1x1x16384xf32, #tpu.memory_space<hbm>> -> memref<16384xf32, #tpu.memory_space<hbm>>
        tpu.wait_dma2 semaphore(%run_scoped3A_55 : memref<!tpu.dma_semaphore, #tpu.memory_space<semaphore_mem>>) src(%dma_wait3A_65 : memref<16384xf32, #tpu.memory_space<hbm>>) dst(%arg10 : memref<16384xf32, #tpu.memory_space<vmem>>)
        tpu.yield
      }) : () -> ()
      %run_scoped3A_47 = arith.constant 5 : i32
      "tpu.region"() ({
        %run_scoped3A_55 = tpu.sem_alloc : memref<!tpu.dma_semaphore, #tpu.memory_space<semaphore_mem>>
        %dma_start3A = arith.constant 0 : i32
        %dma_start3A_56 = tpu.memref_slice %arg2[%run_scoped3A_47, %arg1, %dma_start3A] : memref<12x4x16384xf32, #tpu.memory_space<hbm>> -> memref<1x1x16384xf32, #tpu.memory_space<hbm>>
        %dma_start3A_57 = tpu.memref_squeeze %dma_start3A_56 : memref<1x1x16384xf32, #tpu.memory_space<hbm>> -> memref<16384xf32, #tpu.memory_space<hbm>>
        %dma_start3A_58 = arith.constant 0 : i32
        %dma_start3A_59 = tpu.memref_slice %arg2[%run_scoped3A_47, %arg1, %dma_start3A_58] : memref<12x4x16384xf32, #tpu.memory_space<hbm>> -> memref<1x1x16384xf32, #tpu.memory_space<hbm>>
        %dma_start3A_60 = tpu.memref_squeeze %dma_start3A_59 : memref<1x1x16384xf32, #tpu.memory_space<hbm>> -> memref<16384xf32, #tpu.memory_space<hbm>>
        tpu.enqueue_dma source(%dma_start3A_60 : memref<16384xf32, #tpu.memory_space<hbm>>) target(%arg11 : memref<16384xf32, #tpu.memory_space<vmem>>) target_semaphore(%run_scoped3A_55 : memref<!tpu.dma_semaphore, #tpu.memory_space<semaphore_mem>>)
        %dma_wait3A = arith.constant 0 : i32
        %dma_wait3A_61 = tpu.memref_slice %arg2[%run_scoped3A_47, %arg1, %dma_wait3A] : memref<12x4x16384xf32, #tpu.memory_space<hbm>> -> memref<1x1x16384xf32, #tpu.memory_space<hbm>>
        %dma_wait3A_62 = tpu.memref_squeeze %dma_wait3A_61 : memref<1x1x16384xf32, #tpu.memory_space<hbm>> -> memref<16384xf32, #tpu.memory_space<hbm>>
        %dma_wait3A_63 = arith.constant 0 : i32
        %dma_wait3A_64 = tpu.memref_slice %arg2[%run_scoped3A_47, %arg1, %dma_wait3A_63] : memref<12x4x16384xf32, #tpu.memory_space<hbm>> -> memref<1x1x16384xf32, #tpu.memory_space<hbm>>
        %dma_wait3A_65 = tpu.memref_squeeze %dma_wait3A_64 : memref<1x1x16384xf32, #tpu.memory_space<hbm>> -> memref<16384xf32, #tpu.memory_space<hbm>>
        tpu.wait_dma2 semaphore(%run_scoped3A_55 : memref<!tpu.dma_semaphore, #tpu.memory_space<semaphore_mem>>) src(%dma_wait3A_65 : memref<16384xf32, #tpu.memory_space<hbm>>) dst(%arg11 : memref<16384xf32, #tpu.memory_space<vmem>>)
        tpu.yield
      }) : () -> ()
      %run_scoped3A_48 = arith.constant 6 : i32
      "tpu.region"() ({
        %run_scoped3A_55 = tpu.sem_alloc : memref<!tpu.dma_semaphore, #tpu.memory_space<semaphore_mem>>
        %dma_start3A = arith.constant 0 : i32
        %dma_start3A_56 = tpu.memref_slice %arg2[%run_scoped3A_48, %arg1, %dma_start3A] : memref<12x4x16384xf32, #tpu.memory_space<hbm>> -> memref<1x1x16384xf32, #tpu.memory_space<hbm>>
        %dma_start3A_57 = tpu.memref_squeeze %dma_start3A_56 : memref<1x1x16384xf32, #tpu.memory_space<hbm>> -> memref<16384xf32, #tpu.memory_space<hbm>>
        %dma_start3A_58 = arith.constant 0 : i32
        %dma_start3A_59 = tpu.memref_slice %arg2[%run_scoped3A_48, %arg1, %dma_start3A_58] : memref<12x4x16384xf32, #tpu.memory_space<hbm>> -> memref<1x1x16384xf32, #tpu.memory_space<hbm>>
        %dma_start3A_60 = tpu.memref_squeeze %dma_start3A_59 : memref<1x1x16384xf32, #tpu.memory_space<hbm>> -> memref<16384xf32, #tpu.memory_space<hbm>>
        tpu.enqueue_dma source(%dma_start3A_60 : memref<16384xf32, #tpu.memory_space<hbm>>) target(%arg12 : memref<16384xf32, #tpu.memory_space<vmem>>) target_semaphore(%run_scoped3A_55 : memref<!tpu.dma_semaphore, #tpu.memory_space<semaphore_mem>>)
        %dma_wait3A = arith.constant 0 : i32
        %dma_wait3A_61 = tpu.memref_slice %arg2[%run_scoped3A_48, %arg1, %dma_wait3A] : memref<12x4x16384xf32, #tpu.memory_space<hbm>> -> memref<1x1x16384xf32, #tpu.memory_space<hbm>>
        %dma_wait3A_62 = tpu.memref_squeeze %dma_wait3A_61 : memref<1x1x16384xf32, #tpu.memory_space<hbm>> -> memref<16384xf32, #tpu.memory_space<hbm>>
        %dma_wait3A_63 = arith.constant 0 : i32
        %dma_wait3A_64 = tpu.memref_slice %arg2[%run_scoped3A_48, %arg1, %dma_wait3A_63] : memref<12x4x16384xf32, #tpu.memory_space<hbm>> -> memref<1x1x16384xf32, #tpu.memory_space<hbm>>
        %dma_wait3A_65 = tpu.memref_squeeze %dma_wait3A_64 : memref<1x1x16384xf32, #tpu.memory_space<hbm>> -> memref<16384xf32, #tpu.memory_space<hbm>>
        tpu.wait_dma2 semaphore(%run_scoped3A_55 : memref<!tpu.dma_semaphore, #tpu.memory_space<semaphore_mem>>) src(%dma_wait3A_65 : memref<16384xf32, #tpu.memory_space<hbm>>) dst(%arg12 : memref<16384xf32, #tpu.memory_space<vmem>>)
        tpu.yield
      }) : () -> ()
      %scan3A_49 = arith.constant 0 : i32
      %scan3A_50 = arith.constant 0 : i32
      %scan3A_51 = arith.constant 32 : i32
      %scan3A_52 = arith.addi %scan3A_50, %scan3A_51 : i32
      %scan3A_53 = arith.constant 1 : i32
      scf.for %scan3A_55 = %scan3A_50 to %scan3A_52 step %scan3A_53  : i32 {
        %mul3A = arith.constant 16 : i32
        %mul3A_56 = arith.muli %scan3A_55, %mul3A : i32
        %get3A_57 = arith.index_cast %mul3A_56 : i32 to index
        %get3A_58 = tpu.vector_load %arg20[%get3A_57] {strides = array<i32>} : memref<512xi32, #tpu.memory_space<vmem>>, vector<16xi32>,
        %mul3A_59 = arith.constant 16 : i32
        %mul3A_60 = arith.muli %scan3A_55, %mul3A_59 : i32
        %get3A_61 = arith.index_cast %mul3A_60 : i32 to index
        %get3A_62 = tpu.vector_load %arg21[%get3A_61] {strides = array<i32>} : memref<512xf32, #tpu.memory_space<vmem>>, vector<16xf32>,
        %mul3A_63 = arith.constant 16 : i32
        %mul3A_64 = arith.muli %scan3A_55, %mul3A_63 : i32
        %add3A = vector.broadcast %mul3A_64 : i32 to vector<16xi32>
        %add3A_65 = arith.addi %add3A, %iota3A : vector<16xi32>
        %gather3A = tpu.vector_load_idx %arg6[%get3A_58] : memref<16384xf32, #tpu.memory_space<vmem>>[vector<16xi32>], vector<16xf32>,
        %mul3A_66 = arith.mulf %gather3A, %get3A_62 : vector<16xf32>
        %broadcast_in_dim3A = arith.constant 0 : i32
        %broadcast_in_dim3A_67 = vector.broadcast %broadcast_in_dim3A : i32 to vector<16xi32>
        tpu.vector_store_idx %arg22[%add3A_65, %broadcast_in_dim3A_67], %mul3A_66 : memref<512x7xf32, #tpu.memory_space<vmem>>[vector<16xi32>, vector<16xi32>], vector<16xf32>,
        %gather3A_68 = tpu.vector_load_idx %arg7[%get3A_58] : memref<16384xf32, #tpu.memory_space<vmem>>[vector<16xi32>], vector<16xf32>,
        %mul3A_69 = arith.mulf %gather3A_68, %get3A_62 : vector<16xf32>
        %broadcast_in_dim3A_70 = arith.constant 1 : i32
        %broadcast_in_dim3A_71 = vector.broadcast %broadcast_in_dim3A_70 : i32 to vector<16xi32>
        tpu.vector_store_idx %arg22[%add3A_65, %broadcast_in_dim3A_71], %mul3A_69 : memref<512x7xf32, #tpu.memory_space<vmem>>[vector<16xi32>, vector<16xi32>], vector<16xf32>,
        %gather3A_72 = tpu.vector_load_idx %arg8[%get3A_58] : memref<16384xf32, #tpu.memory_space<vmem>>[vector<16xi32>], vector<16xf32>,
        %mul3A_73 = arith.mulf %gather3A_72, %get3A_62 : vector<16xf32>
        %broadcast_in_dim3A_74 = arith.constant 2 : i32
        %broadcast_in_dim3A_75 = vector.broadcast %broadcast_in_dim3A_74 : i32 to vector<16xi32>
        tpu.vector_store_idx %arg22[%add3A_65, %broadcast_in_dim3A_75], %mul3A_73 : memref<512x7xf32, #tpu.memory_space<vmem>>[vector<16xi32>, vector<16xi32>], vector<16xf32>,
        %gather3A_76 = tpu.vector_load_idx %arg9[%get3A_58] : memref<16384xf32, #tpu.memory_space<vmem>>[vector<16xi32>], vector<16xf32>,
        %mul3A_77 = arith.mulf %gather3A_76, %get3A_62 : vector<16xf32>
        %broadcast_in_dim3A_78 = arith.constant 3 : i32
        %broadcast_in_dim3A_79 = vector.broadcast %broadcast_in_dim3A_78 : i32 to vector<16xi32>
        tpu.vector_store_idx %arg22[%add3A_65, %broadcast_in_dim3A_79], %mul3A_77 : memref<512x7xf32, #tpu.memory_space<vmem>>[vector<16xi32>, vector<16xi32>], vector<16xf32>,
        %gather3A_80 = tpu.vector_load_idx %arg10[%get3A_58] : memref<16384xf32, #tpu.memory_space<vmem>>[vector<16xi32>], vector<16xf32>,
        %mul3A_81 = arith.mulf %gather3A_80, %get3A_62 : vector<16xf32>
        %broadcast_in_dim3A_82 = arith.constant 4 : i32
        %broadcast_in_dim3A_83 = vector.broadcast %broadcast_in_dim3A_82 : i32 to vector<16xi32>
        tpu.vector_store_idx %arg22[%add3A_65, %broadcast_in_dim3A_83], %mul3A_81 : memref<512x7xf32, #tpu.memory_space<vmem>>[vector<16xi32>, vector<16xi32>], vector<16xf32>,
        %gather3A_84 = tpu.vector_load_idx %arg11[%get3A_58] : memref<16384xf32, #tpu.memory_space<vmem>>[vector<16xi32>], vector<16xf32>,
        %mul3A_85 = arith.mulf %gather3A_84, %get3A_62 : vector<16xf32>
        %broadcast_in_dim3A_86 = arith.constant 5 : i32
        %broadcast_in_dim3A_87 = vector.broadcast %broadcast_in_dim3A_86 : i32 to vector<16xi32>
        tpu.vector_store_idx %arg22[%add3A_65, %broadcast_in_dim3A_87], %mul3A_85 : memref<512x7xf32, #tpu.memory_space<vmem>>[vector<16xi32>, vector<16xi32>], vector<16xf32>,
        %gather3A_88 = tpu.vector_load_idx %arg12[%get3A_58] : memref<16384xf32, #tpu.memory_space<vmem>>[vector<16xi32>], vector<16xf32>,
        %mul3A_89 = arith.mulf %gather3A_88, %get3A_62 : vector<16xf32>
        %broadcast_in_dim3A_90 = arith.constant 6 : i32
        %broadcast_in_dim3A_91 = vector.broadcast %broadcast_in_dim3A_90 : i32 to vector<16xi32>
        tpu.vector_store_idx %arg22[%add3A_65, %broadcast_in_dim3A_91], %mul3A_89 : memref<512x7xf32, #tpu.memory_space<vmem>>[vector<16xi32>, vector<16xi32>], vector<16xf32>,
      }
      %scan3A_54 = arith.constant 32 : i32
      "tpu.region"() ({
        %run_scoped3A_55 = tpu.sem_alloc : memref<!tpu.dma_semaphore, #tpu.memory_space<semaphore_mem>>
        %dma_start3A = arith.constant 0 : i32
        %dma_start3A_56 = arith.constant 0 : i32
        %dma_start3A_57 = tpu.memref_slice %arg4[%arg1, %dma_start3A, %dma_start3A_56] : memref<4x512x7xf32, #tpu.memory_space<hbm>> -> memref<1x512x7xf32, #tpu.memory_space<hbm>>
        %dma_start3A_58 = tpu.memref_squeeze %dma_start3A_57 : memref<1x512x7xf32, #tpu.memory_space<hbm>> -> memref<512x7xf32, #tpu.memory_space<hbm>>
        %dma_start3A_59 = arith.constant 0 : i32
        %dma_start3A_60 = arith.constant 0 : i32
        %dma_start3A_61 = tpu.memref_slice %arg4[%arg1, %dma_start3A_59, %dma_start3A_60] : memref<4x512x7xf32, #tpu.memory_space<hbm>> -> memref<1x512x7xf32, #tpu.memory_space<hbm>>
        %dma_start3A_62 = tpu.memref_squeeze %dma_start3A_61 : memref<1x512x7xf32, #tpu.memory_space<hbm>> -> memref<512x7xf32, #tpu.memory_space<hbm>>
        tpu.enqueue_dma source(%arg22 : memref<512x7xf32, #tpu.memory_space<vmem>>) target(%dma_start3A_62 : memref<512x7xf32, #tpu.memory_space<hbm>>) target_semaphore(%run_scoped3A_55 : memref<!tpu.dma_semaphore, #tpu.memory_space<semaphore_mem>>)
        %dma_wait3A = arith.constant 0 : i32
        %dma_wait3A_63 = arith.constant 0 : i32
        %dma_wait3A_64 = tpu.memref_slice %arg4[%arg1, %dma_wait3A, %dma_wait3A_63] : memref<4x512x7xf32, #tpu.memory_space<hbm>> -> memref<1x512x7xf32, #tpu.memory_space<hbm>>
        %dma_wait3A_65 = tpu.memref_squeeze %dma_wait3A_64 : memref<1x512x7xf32, #tpu.memory_space<hbm>> -> memref<512x7xf32, #tpu.memory_space<hbm>>
        %dma_wait3A_66 = arith.constant 0 : i32
        %dma_wait3A_67 = arith.constant 0 : i32
        %dma_wait3A_68 = tpu.memref_slice %arg4[%arg1, %dma_wait3A_66, %dma_wait3A_67] : memref<4x512x7xf32, #tpu.memory_space<hbm>> -> memref<1x512x7xf32, #tpu.memory_space<hbm>>
        %dma_wait3A_69 = tpu.memref_squeeze %dma_wait3A_68 : memref<1x512x7xf32, #tpu.memory_space<hbm>> -> memref<512x7xf32, #tpu.memory_space<hbm>>
        tpu.wait_dma2 semaphore(%run_scoped3A_55 : memref<!tpu.dma_semaphore, #tpu.memory_space<semaphore_mem>>) src(%arg22 : memref<512x7xf32, #tpu.memory_space<vmem>>) dst(%dma_wait3A_69 : memref<512x7xf32, #tpu.memory_space<hbm>>)
        tpu.yield
      }) : () -> ()
    } else {
    }
    return
  }
}

module attributes {stable_mosaic.version = 14 : i64} {
  func.func @_decode_kernel(%arg0: i32, %arg1: memref<76x8x2048xf32, #tpu.memory_space<vmem>>, %arg2: memref<3x8x2048xf32, #tpu.memory_space<vmem>>, %arg3: memref<12x8x2048xf32, #tpu.memory_space<vmem>>) attributes {dimension_semantics = [#tpu.dimension_semantics<arbitrary>], iteration_bounds = array<i64: 4>, scalar_prefetch = 0 : i64, scratch_operands = 0 : i64, tpu.core_type = #tpu.core_type<tc>, window_params = [{transform_indices = @transform_0, window_bounds = array<i64: 76, 8, 2048>}, {transform_indices = @transform_1, window_bounds = array<i64: 3, 8, 2048>}, {transform_indices = @transform_2, window_bounds = array<i64: 12, 8, 2048>}]} {
    %get3A = arith.constant 0 : index
    %get3A_0 = arith.constant 0 : index
    %get3A_1 = arith.constant 0 : index
    %get3A_2 = vector.load %arg1[%get3A, %get3A_0, %get3A_1] : memref<76x8x2048xf32, #tpu.memory_space<vmem>>, vector<1x8x2048xf32>
    %get3A_3 = vector.shape_cast %get3A_2 : vector<1x8x2048xf32> to vector<8x2048xf32>
    %broadcast_in_dim3A = arith.constant 0.000000e+00 : f32
    %broadcast_in_dim3A_4 = vector.broadcast %broadcast_in_dim3A : f32 to vector<8x2048xf32>
    %get3A_5 = arith.constant 1 : index
    %get3A_6 = arith.constant 0 : index
    %get3A_7 = arith.constant 0 : index
    %get3A_8 = vector.load %arg1[%get3A_5, %get3A_6, %get3A_7] : memref<76x8x2048xf32, #tpu.memory_space<vmem>>, vector<1x8x2048xf32>
    %get3A_9 = vector.shape_cast %get3A_8 : vector<1x8x2048xf32> to vector<8x2048xf32>
    %gt3A = arith.cmpf ogt, %get3A_9, %get3A_3 : vector<8x2048xf32>
    %select_n3A = arith.select %gt3A, %get3A_9, %get3A_3 : vector<8x2048xi1>, vector<8x2048xf32>
    %jit3A = arith.constant 1.000000e+00 : f32
    %broadcast_in_dim3A_10 = vector.broadcast %jit3A : f32 to vector<8x2048xf32>
    %select_n3A_11 = arith.select %gt3A, %broadcast_in_dim3A_10, %broadcast_in_dim3A_4 : vector<8x2048xi1>, vector<8x2048xf32>
    %get3A_12 = arith.constant 2 : index
    %get3A_13 = arith.constant 0 : index
    %get3A_14 = arith.constant 0 : index
    %get3A_15 = vector.load %arg1[%get3A_12, %get3A_13, %get3A_14] : memref<76x8x2048xf32, #tpu.memory_space<vmem>>, vector<1x8x2048xf32>
    %get3A_16 = vector.shape_cast %get3A_15 : vector<1x8x2048xf32> to vector<8x2048xf32>
    %gt3A_17 = arith.cmpf ogt, %get3A_16, %select_n3A : vector<8x2048xf32>
    %select_n3A_18 = arith.select %gt3A_17, %get3A_16, %select_n3A : vector<8x2048xi1>, vector<8x2048xf32>
    %jit3A_19 = arith.constant 2.000000e+00 : f32
    %broadcast_in_dim3A_20 = vector.broadcast %jit3A_19 : f32 to vector<8x2048xf32>
    %select_n3A_21 = arith.select %gt3A_17, %broadcast_in_dim3A_20, %select_n3A_11 : vector<8x2048xi1>, vector<8x2048xf32>
    %get3A_22 = arith.constant 3 : index
    %get3A_23 = arith.constant 0 : index
    %get3A_24 = arith.constant 0 : index
    %get3A_25 = vector.load %arg1[%get3A_22, %get3A_23, %get3A_24] : memref<76x8x2048xf32, #tpu.memory_space<vmem>>, vector<1x8x2048xf32>
    %get3A_26 = vector.shape_cast %get3A_25 : vector<1x8x2048xf32> to vector<8x2048xf32>
    %gt3A_27 = arith.cmpf ogt, %get3A_26, %select_n3A_18 : vector<8x2048xf32>
    %select_n3A_28 = arith.select %gt3A_27, %get3A_26, %select_n3A_18 : vector<8x2048xi1>, vector<8x2048xf32>
    %jit3A_29 = arith.constant 3.000000e+00 : f32
    %broadcast_in_dim3A_30 = vector.broadcast %jit3A_29 : f32 to vector<8x2048xf32>
    %select_n3A_31 = arith.select %gt3A_27, %broadcast_in_dim3A_30, %select_n3A_21 : vector<8x2048xi1>, vector<8x2048xf32>
    %get3A_32 = arith.constant 4 : index
    %get3A_33 = arith.constant 0 : index
    %get3A_34 = arith.constant 0 : index
    %get3A_35 = vector.load %arg1[%get3A_32, %get3A_33, %get3A_34] : memref<76x8x2048xf32, #tpu.memory_space<vmem>>, vector<1x8x2048xf32>
    %get3A_36 = vector.shape_cast %get3A_35 : vector<1x8x2048xf32> to vector<8x2048xf32>
    %gt3A_37 = arith.cmpf ogt, %get3A_36, %select_n3A_28 : vector<8x2048xf32>
    %select_n3A_38 = arith.select %gt3A_37, %get3A_36, %select_n3A_28 : vector<8x2048xi1>, vector<8x2048xf32>
    %jit3A_39 = arith.constant 4.000000e+00 : f32
    %broadcast_in_dim3A_40 = vector.broadcast %jit3A_39 : f32 to vector<8x2048xf32>
    %select_n3A_41 = arith.select %gt3A_37, %broadcast_in_dim3A_40, %select_n3A_31 : vector<8x2048xi1>, vector<8x2048xf32>
    %get3A_42 = arith.constant 5 : index
    %get3A_43 = arith.constant 0 : index
    %get3A_44 = arith.constant 0 : index
    %get3A_45 = vector.load %arg1[%get3A_42, %get3A_43, %get3A_44] : memref<76x8x2048xf32, #tpu.memory_space<vmem>>, vector<1x8x2048xf32>
    %get3A_46 = vector.shape_cast %get3A_45 : vector<1x8x2048xf32> to vector<8x2048xf32>
    %gt3A_47 = arith.cmpf ogt, %get3A_46, %select_n3A_38 : vector<8x2048xf32>
    %select_n3A_48 = arith.select %gt3A_47, %get3A_46, %select_n3A_38 : vector<8x2048xi1>, vector<8x2048xf32>
    %jit3A_49 = arith.constant 5.000000e+00 : f32
    %broadcast_in_dim3A_50 = vector.broadcast %jit3A_49 : f32 to vector<8x2048xf32>
    %select_n3A_51 = arith.select %gt3A_47, %broadcast_in_dim3A_50, %select_n3A_41 : vector<8x2048xi1>, vector<8x2048xf32>
    %get3A_52 = arith.constant 6 : index
    %get3A_53 = arith.constant 0 : index
    %get3A_54 = arith.constant 0 : index
    %get3A_55 = vector.load %arg1[%get3A_52, %get3A_53, %get3A_54] : memref<76x8x2048xf32, #tpu.memory_space<vmem>>, vector<1x8x2048xf32>
    %get3A_56 = vector.shape_cast %get3A_55 : vector<1x8x2048xf32> to vector<8x2048xf32>
    %gt3A_57 = arith.cmpf ogt, %get3A_56, %select_n3A_48 : vector<8x2048xf32>
    %select_n3A_58 = arith.select %gt3A_57, %get3A_56, %select_n3A_48 : vector<8x2048xi1>, vector<8x2048xf32>
    %jit3A_59 = arith.constant 6.000000e+00 : f32
    %broadcast_in_dim3A_60 = vector.broadcast %jit3A_59 : f32 to vector<8x2048xf32>
    %select_n3A_61 = arith.select %gt3A_57, %broadcast_in_dim3A_60, %select_n3A_51 : vector<8x2048xi1>, vector<8x2048xf32>
    %get3A_62 = arith.constant 7 : index
    %get3A_63 = arith.constant 0 : index
    %get3A_64 = arith.constant 0 : index
    %get3A_65 = vector.load %arg1[%get3A_62, %get3A_63, %get3A_64] : memref<76x8x2048xf32, #tpu.memory_space<vmem>>, vector<1x8x2048xf32>
    %get3A_66 = vector.shape_cast %get3A_65 : vector<1x8x2048xf32> to vector<8x2048xf32>
    %gt3A_67 = arith.cmpf ogt, %get3A_66, %select_n3A_58 : vector<8x2048xf32>
    %select_n3A_68 = arith.select %gt3A_67, %get3A_66, %select_n3A_58 : vector<8x2048xi1>, vector<8x2048xf32>
    %jit3A_69 = arith.constant 7.000000e+00 : f32
    %broadcast_in_dim3A_70 = vector.broadcast %jit3A_69 : f32 to vector<8x2048xf32>
    %select_n3A_71 = arith.select %gt3A_67, %broadcast_in_dim3A_70, %select_n3A_61 : vector<8x2048xi1>, vector<8x2048xf32>
    %get3A_72 = arith.constant 8 : index
    %get3A_73 = arith.constant 0 : index
    %get3A_74 = arith.constant 0 : index
    %get3A_75 = vector.load %arg1[%get3A_72, %get3A_73, %get3A_74] : memref<76x8x2048xf32, #tpu.memory_space<vmem>>, vector<1x8x2048xf32>
    %get3A_76 = vector.shape_cast %get3A_75 : vector<1x8x2048xf32> to vector<8x2048xf32>
    %gt3A_77 = arith.cmpf ogt, %get3A_76, %select_n3A_68 : vector<8x2048xf32>
    %select_n3A_78 = arith.select %gt3A_77, %get3A_76, %select_n3A_68 : vector<8x2048xi1>, vector<8x2048xf32>
    %jit3A_79 = arith.constant 8.000000e+00 : f32
    %broadcast_in_dim3A_80 = vector.broadcast %jit3A_79 : f32 to vector<8x2048xf32>
    %select_n3A_81 = arith.select %gt3A_77, %broadcast_in_dim3A_80, %select_n3A_71 : vector<8x2048xi1>, vector<8x2048xf32>
    %get3A_82 = arith.constant 9 : index
    %get3A_83 = arith.constant 0 : index
    %get3A_84 = arith.constant 0 : index
    %get3A_85 = vector.load %arg1[%get3A_82, %get3A_83, %get3A_84] : memref<76x8x2048xf32, #tpu.memory_space<vmem>>, vector<1x8x2048xf32>
    %get3A_86 = vector.shape_cast %get3A_85 : vector<1x8x2048xf32> to vector<8x2048xf32>
    %gt3A_87 = arith.cmpf ogt, %get3A_86, %select_n3A_78 : vector<8x2048xf32>
    %select_n3A_88 = arith.select %gt3A_87, %get3A_86, %select_n3A_78 : vector<8x2048xi1>, vector<8x2048xf32>
    %jit3A_89 = arith.constant 9.000000e+00 : f32
    %broadcast_in_dim3A_90 = vector.broadcast %jit3A_89 : f32 to vector<8x2048xf32>
    %select_n3A_91 = arith.select %gt3A_87, %broadcast_in_dim3A_90, %select_n3A_81 : vector<8x2048xi1>, vector<8x2048xf32>
    %get3A_92 = arith.constant 10 : index
    %get3A_93 = arith.constant 0 : index
    %get3A_94 = arith.constant 0 : index
    %get3A_95 = vector.load %arg1[%get3A_92, %get3A_93, %get3A_94] : memref<76x8x2048xf32, #tpu.memory_space<vmem>>, vector<1x8x2048xf32>
    %get3A_96 = vector.shape_cast %get3A_95 : vector<1x8x2048xf32> to vector<8x2048xf32>
    %gt3A_97 = arith.cmpf ogt, %get3A_96, %select_n3A_88 : vector<8x2048xf32>
    %select_n3A_98 = arith.select %gt3A_97, %get3A_96, %select_n3A_88 : vector<8x2048xi1>, vector<8x2048xf32>
    %jit3A_99 = arith.constant 1.000000e+01 : f32
    %broadcast_in_dim3A_100 = vector.broadcast %jit3A_99 : f32 to vector<8x2048xf32>
    %select_n3A_101 = arith.select %gt3A_97, %broadcast_in_dim3A_100, %select_n3A_91 : vector<8x2048xi1>, vector<8x2048xf32>
    %get3A_102 = arith.constant 11 : index
    %get3A_103 = arith.constant 0 : index
    %get3A_104 = arith.constant 0 : index
    %get3A_105 = vector.load %arg1[%get3A_102, %get3A_103, %get3A_104] : memref<76x8x2048xf32, #tpu.memory_space<vmem>>, vector<1x8x2048xf32>
    %get3A_106 = vector.shape_cast %get3A_105 : vector<1x8x2048xf32> to vector<8x2048xf32>
    %gt3A_107 = arith.cmpf ogt, %get3A_106, %select_n3A_98 : vector<8x2048xf32>
    %jit3A_108 = arith.constant 1.100000e+01 : f32
    %broadcast_in_dim3A_109 = vector.broadcast %jit3A_108 : f32 to vector<8x2048xf32>
    %select_n3A_110 = arith.select %gt3A_107, %broadcast_in_dim3A_109, %select_n3A_101 : vector<8x2048xi1>, vector<8x2048xf32>
    %get3A_111 = arith.constant 12 : index
    %get3A_112 = arith.constant 0 : index
    %get3A_113 = arith.constant 0 : index
    %get3A_114 = vector.load %arg1[%get3A_111, %get3A_112, %get3A_113] : memref<76x8x2048xf32, #tpu.memory_space<vmem>>, vector<1x8x2048xf32>
    %get3A_115 = vector.shape_cast %get3A_114 : vector<1x8x2048xf32> to vector<8x2048xf32>
    %broadcast_in_dim3A_116 = arith.constant 0.000000e+00 : f32
    %broadcast_in_dim3A_117 = vector.broadcast %broadcast_in_dim3A_116 : f32 to vector<8x2048xf32>
    %get3A_118 = arith.constant 13 : index
    %get3A_119 = arith.constant 0 : index
    %get3A_120 = arith.constant 0 : index
    %get3A_121 = vector.load %arg1[%get3A_118, %get3A_119, %get3A_120] : memref<76x8x2048xf32, #tpu.memory_space<vmem>>, vector<1x8x2048xf32>
    %get3A_122 = vector.shape_cast %get3A_121 : vector<1x8x2048xf32> to vector<8x2048xf32>
    %gt3A_123 = arith.cmpf ogt, %get3A_122, %get3A_115 : vector<8x2048xf32>
    %select_n3A_124 = arith.select %gt3A_123, %get3A_122, %get3A_115 : vector<8x2048xi1>, vector<8x2048xf32>
    %jit3A_125 = arith.constant 1.000000e+00 : f32
    %broadcast_in_dim3A_126 = vector.broadcast %jit3A_125 : f32 to vector<8x2048xf32>
    %select_n3A_127 = arith.select %gt3A_123, %broadcast_in_dim3A_126, %broadcast_in_dim3A_117 : vector<8x2048xi1>, vector<8x2048xf32>
    %get3A_128 = arith.constant 14 : index
    %get3A_129 = arith.constant 0 : index
    %get3A_130 = arith.constant 0 : index
    %get3A_131 = vector.load %arg1[%get3A_128, %get3A_129, %get3A_130] : memref<76x8x2048xf32, #tpu.memory_space<vmem>>, vector<1x8x2048xf32>
    %get3A_132 = vector.shape_cast %get3A_131 : vector<1x8x2048xf32> to vector<8x2048xf32>
    %gt3A_133 = arith.cmpf ogt, %get3A_132, %select_n3A_124 : vector<8x2048xf32>
    %select_n3A_134 = arith.select %gt3A_133, %get3A_132, %select_n3A_124 : vector<8x2048xi1>, vector<8x2048xf32>
    %jit3A_135 = arith.constant 2.000000e+00 : f32
    %broadcast_in_dim3A_136 = vector.broadcast %jit3A_135 : f32 to vector<8x2048xf32>
    %select_n3A_137 = arith.select %gt3A_133, %broadcast_in_dim3A_136, %select_n3A_127 : vector<8x2048xi1>, vector<8x2048xf32>
    %get3A_138 = arith.constant 15 : index
    %get3A_139 = arith.constant 0 : index
    %get3A_140 = arith.constant 0 : index
    %get3A_141 = vector.load %arg1[%get3A_138, %get3A_139, %get3A_140] : memref<76x8x2048xf32, #tpu.memory_space<vmem>>, vector<1x8x2048xf32>
    %get3A_142 = vector.shape_cast %get3A_141 : vector<1x8x2048xf32> to vector<8x2048xf32>
    %gt3A_143 = arith.cmpf ogt, %get3A_142, %select_n3A_134 : vector<8x2048xf32>
    %select_n3A_144 = arith.select %gt3A_143, %get3A_142, %select_n3A_134 : vector<8x2048xi1>, vector<8x2048xf32>
    %jit3A_145 = arith.constant 3.000000e+00 : f32
    %broadcast_in_dim3A_146 = vector.broadcast %jit3A_145 : f32 to vector<8x2048xf32>
    %select_n3A_147 = arith.select %gt3A_143, %broadcast_in_dim3A_146, %select_n3A_137 : vector<8x2048xi1>, vector<8x2048xf32>
    %get3A_148 = arith.constant 16 : index
    %get3A_149 = arith.constant 0 : index
    %get3A_150 = arith.constant 0 : index
    %get3A_151 = vector.load %arg1[%get3A_148, %get3A_149, %get3A_150] : memref<76x8x2048xf32, #tpu.memory_space<vmem>>, vector<1x8x2048xf32>
    %get3A_152 = vector.shape_cast %get3A_151 : vector<1x8x2048xf32> to vector<8x2048xf32>
    %gt3A_153 = arith.cmpf ogt, %get3A_152, %select_n3A_144 : vector<8x2048xf32>
    %select_n3A_154 = arith.select %gt3A_153, %get3A_152, %select_n3A_144 : vector<8x2048xi1>, vector<8x2048xf32>
    %jit3A_155 = arith.constant 4.000000e+00 : f32
    %broadcast_in_dim3A_156 = vector.broadcast %jit3A_155 : f32 to vector<8x2048xf32>
    %select_n3A_157 = arith.select %gt3A_153, %broadcast_in_dim3A_156, %select_n3A_147 : vector<8x2048xi1>, vector<8x2048xf32>
    %get3A_158 = arith.constant 17 : index
    %get3A_159 = arith.constant 0 : index
    %get3A_160 = arith.constant 0 : index
    %get3A_161 = vector.load %arg1[%get3A_158, %get3A_159, %get3A_160] : memref<76x8x2048xf32, #tpu.memory_space<vmem>>, vector<1x8x2048xf32>
    %get3A_162 = vector.shape_cast %get3A_161 : vector<1x8x2048xf32> to vector<8x2048xf32>
    %gt3A_163 = arith.cmpf ogt, %get3A_162, %select_n3A_154 : vector<8x2048xf32>
    %select_n3A_164 = arith.select %gt3A_163, %get3A_162, %select_n3A_154 : vector<8x2048xi1>, vector<8x2048xf32>
    %jit3A_165 = arith.constant 5.000000e+00 : f32
    %broadcast_in_dim3A_166 = vector.broadcast %jit3A_165 : f32 to vector<8x2048xf32>
    %select_n3A_167 = arith.select %gt3A_163, %broadcast_in_dim3A_166, %select_n3A_157 : vector<8x2048xi1>, vector<8x2048xf32>
    %get3A_168 = arith.constant 18 : index
    %get3A_169 = arith.constant 0 : index
    %get3A_170 = arith.constant 0 : index
    %get3A_171 = vector.load %arg1[%get3A_168, %get3A_169, %get3A_170] : memref<76x8x2048xf32, #tpu.memory_space<vmem>>, vector<1x8x2048xf32>
    %get3A_172 = vector.shape_cast %get3A_171 : vector<1x8x2048xf32> to vector<8x2048xf32>
    %gt3A_173 = arith.cmpf ogt, %get3A_172, %select_n3A_164 : vector<8x2048xf32>
    %select_n3A_174 = arith.select %gt3A_173, %get3A_172, %select_n3A_164 : vector<8x2048xi1>, vector<8x2048xf32>
    %jit3A_175 = arith.constant 6.000000e+00 : f32
    %broadcast_in_dim3A_176 = vector.broadcast %jit3A_175 : f32 to vector<8x2048xf32>
    %select_n3A_177 = arith.select %gt3A_173, %broadcast_in_dim3A_176, %select_n3A_167 : vector<8x2048xi1>, vector<8x2048xf32>
    %get3A_178 = arith.constant 19 : index
    %get3A_179 = arith.constant 0 : index
    %get3A_180 = arith.constant 0 : index
    %get3A_181 = vector.load %arg1[%get3A_178, %get3A_179, %get3A_180] : memref<76x8x2048xf32, #tpu.memory_space<vmem>>, vector<1x8x2048xf32>
    %get3A_182 = vector.shape_cast %get3A_181 : vector<1x8x2048xf32> to vector<8x2048xf32>
    %gt3A_183 = arith.cmpf ogt, %get3A_182, %select_n3A_174 : vector<8x2048xf32>
    %select_n3A_184 = arith.select %gt3A_183, %get3A_182, %select_n3A_174 : vector<8x2048xi1>, vector<8x2048xf32>
    %jit3A_185 = arith.constant 7.000000e+00 : f32
    %broadcast_in_dim3A_186 = vector.broadcast %jit3A_185 : f32 to vector<8x2048xf32>
    %select_n3A_187 = arith.select %gt3A_183, %broadcast_in_dim3A_186, %select_n3A_177 : vector<8x2048xi1>, vector<8x2048xf32>
    %get3A_188 = arith.constant 20 : index
    %get3A_189 = arith.constant 0 : index
    %get3A_190 = arith.constant 0 : index
    %get3A_191 = vector.load %arg1[%get3A_188, %get3A_189, %get3A_190] : memref<76x8x2048xf32, #tpu.memory_space<vmem>>, vector<1x8x2048xf32>
    %get3A_192 = vector.shape_cast %get3A_191 : vector<1x8x2048xf32> to vector<8x2048xf32>
    %gt3A_193 = arith.cmpf ogt, %get3A_192, %select_n3A_184 : vector<8x2048xf32>
    %select_n3A_194 = arith.select %gt3A_193, %get3A_192, %select_n3A_184 : vector<8x2048xi1>, vector<8x2048xf32>
    %jit3A_195 = arith.constant 8.000000e+00 : f32
    %broadcast_in_dim3A_196 = vector.broadcast %jit3A_195 : f32 to vector<8x2048xf32>
    %select_n3A_197 = arith.select %gt3A_193, %broadcast_in_dim3A_196, %select_n3A_187 : vector<8x2048xi1>, vector<8x2048xf32>
    %get3A_198 = arith.constant 21 : index
    %get3A_199 = arith.constant 0 : index
    %get3A_200 = arith.constant 0 : index
    %get3A_201 = vector.load %arg1[%get3A_198, %get3A_199, %get3A_200] : memref<76x8x2048xf32, #tpu.memory_space<vmem>>, vector<1x8x2048xf32>
    %get3A_202 = vector.shape_cast %get3A_201 : vector<1x8x2048xf32> to vector<8x2048xf32>
    %gt3A_203 = arith.cmpf ogt, %get3A_202, %select_n3A_194 : vector<8x2048xf32>
    %select_n3A_204 = arith.select %gt3A_203, %get3A_202, %select_n3A_194 : vector<8x2048xi1>, vector<8x2048xf32>
    %jit3A_205 = arith.constant 9.000000e+00 : f32
    %broadcast_in_dim3A_206 = vector.broadcast %jit3A_205 : f32 to vector<8x2048xf32>
    %select_n3A_207 = arith.select %gt3A_203, %broadcast_in_dim3A_206, %select_n3A_197 : vector<8x2048xi1>, vector<8x2048xf32>
    %get3A_208 = arith.constant 22 : index
    %get3A_209 = arith.constant 0 : index
    %get3A_210 = arith.constant 0 : index
    %get3A_211 = vector.load %arg1[%get3A_208, %get3A_209, %get3A_210] : memref<76x8x2048xf32, #tpu.memory_space<vmem>>, vector<1x8x2048xf32>
    %get3A_212 = vector.shape_cast %get3A_211 : vector<1x8x2048xf32> to vector<8x2048xf32>
    %gt3A_213 = arith.cmpf ogt, %get3A_212, %select_n3A_204 : vector<8x2048xf32>
    %select_n3A_214 = arith.select %gt3A_213, %get3A_212, %select_n3A_204 : vector<8x2048xi1>, vector<8x2048xf32>
    %jit3A_215 = arith.constant 1.000000e+01 : f32
    %broadcast_in_dim3A_216 = vector.broadcast %jit3A_215 : f32 to vector<8x2048xf32>
    %select_n3A_217 = arith.select %gt3A_213, %broadcast_in_dim3A_216, %select_n3A_207 : vector<8x2048xi1>, vector<8x2048xf32>
    %get3A_218 = arith.constant 23 : index
    %get3A_219 = arith.constant 0 : index
    %get3A_220 = arith.constant 0 : index
    %get3A_221 = vector.load %arg1[%get3A_218, %get3A_219, %get3A_220] : memref<76x8x2048xf32, #tpu.memory_space<vmem>>, vector<1x8x2048xf32>
    %get3A_222 = vector.shape_cast %get3A_221 : vector<1x8x2048xf32> to vector<8x2048xf32>
    %gt3A_223 = arith.cmpf ogt, %get3A_222, %select_n3A_214 : vector<8x2048xf32>
    %jit3A_224 = arith.constant 1.100000e+01 : f32
    %broadcast_in_dim3A_225 = vector.broadcast %jit3A_224 : f32 to vector<8x2048xf32>
    %select_n3A_226 = arith.select %gt3A_223, %broadcast_in_dim3A_225, %select_n3A_217 : vector<8x2048xi1>, vector<8x2048xf32>
    %broadcast_in_dim3A_227 = arith.constant 0.000000e+00 : f32
    %broadcast_in_dim3A_228 = vector.broadcast %broadcast_in_dim3A_227 : f32 to vector<8x2048xf32>
    %eq3A = arith.constant 0.000000e+00 : f32
    %eq3A_229 = vector.broadcast %eq3A : f32 to vector<8x2048xf32>
    %eq3A_230 = arith.cmpf oeq, %select_n3A_110, %eq3A_229 : vector<8x2048xf32>
    %get3A_231 = arith.constant 24 : index
    %get3A_232 = arith.constant 0 : index
    %get3A_233 = arith.constant 0 : index
    %get3A_234 = vector.load %arg1[%get3A_231, %get3A_232, %get3A_233] : memref<76x8x2048xf32, #tpu.memory_space<vmem>>, vector<1x8x2048xf32>
    %get3A_235 = vector.shape_cast %get3A_234 : vector<1x8x2048xf32> to vector<8x2048xf32>
    %jit3A_236 = arith.constant 0.000000e+00 : f32
    %broadcast_in_dim3A_237 = vector.broadcast %jit3A_236 : f32 to vector<8x2048xf32>
    %select_n3A_238 = arith.select %eq3A_230, %get3A_235, %broadcast_in_dim3A_237 : vector<8x2048xi1>, vector<8x2048xf32>
    %add3A = arith.addf %broadcast_in_dim3A_228, %select_n3A_238 : vector<8x2048xf32>
    %eq3A_239 = arith.constant 1.000000e+00 : f32
    %eq3A_240 = vector.broadcast %eq3A_239 : f32 to vector<8x2048xf32>
    %eq3A_241 = arith.cmpf oeq, %select_n3A_110, %eq3A_240 : vector<8x2048xf32>
    %get3A_242 = arith.constant 25 : index
    %get3A_243 = arith.constant 0 : index
    %get3A_244 = arith.constant 0 : index
    %get3A_245 = vector.load %arg1[%get3A_242, %get3A_243, %get3A_244] : memref<76x8x2048xf32, #tpu.memory_space<vmem>>, vector<1x8x2048xf32>
    %get3A_246 = vector.shape_cast %get3A_245 : vector<1x8x2048xf32> to vector<8x2048xf32>
    %jit3A_247 = arith.constant 0.000000e+00 : f32
    %broadcast_in_dim3A_248 = vector.broadcast %jit3A_247 : f32 to vector<8x2048xf32>
    %select_n3A_249 = arith.select %eq3A_241, %get3A_246, %broadcast_in_dim3A_248 : vector<8x2048xi1>, vector<8x2048xf32>
    %add3A_250 = arith.addf %add3A, %select_n3A_249 : vector<8x2048xf32>
    %eq3A_251 = arith.constant 2.000000e+00 : f32
    %eq3A_252 = vector.broadcast %eq3A_251 : f32 to vector<8x2048xf32>
    %eq3A_253 = arith.cmpf oeq, %select_n3A_110, %eq3A_252 : vector<8x2048xf32>
    %get3A_254 = arith.constant 26 : index
    %get3A_255 = arith.constant 0 : index
    %get3A_256 = arith.constant 0 : index
    %get3A_257 = vector.load %arg1[%get3A_254, %get3A_255, %get3A_256] : memref<76x8x2048xf32, #tpu.memory_space<vmem>>, vector<1x8x2048xf32>
    %get3A_258 = vector.shape_cast %get3A_257 : vector<1x8x2048xf32> to vector<8x2048xf32>
    %jit3A_259 = arith.constant 0.000000e+00 : f32
    %broadcast_in_dim3A_260 = vector.broadcast %jit3A_259 : f32 to vector<8x2048xf32>
    %select_n3A_261 = arith.select %eq3A_253, %get3A_258, %broadcast_in_dim3A_260 : vector<8x2048xi1>, vector<8x2048xf32>
    %add3A_262 = arith.addf %add3A_250, %select_n3A_261 : vector<8x2048xf32>
    %eq3A_263 = arith.constant 3.000000e+00 : f32
    %eq3A_264 = vector.broadcast %eq3A_263 : f32 to vector<8x2048xf32>
    %eq3A_265 = arith.cmpf oeq, %select_n3A_110, %eq3A_264 : vector<8x2048xf32>
    %get3A_266 = arith.constant 27 : index
    %get3A_267 = arith.constant 0 : index
    %get3A_268 = arith.constant 0 : index
    %get3A_269 = vector.load %arg1[%get3A_266, %get3A_267, %get3A_268] : memref<76x8x2048xf32, #tpu.memory_space<vmem>>, vector<1x8x2048xf32>
    %get3A_270 = vector.shape_cast %get3A_269 : vector<1x8x2048xf32> to vector<8x2048xf32>
    %jit3A_271 = arith.constant 0.000000e+00 : f32
    %broadcast_in_dim3A_272 = vector.broadcast %jit3A_271 : f32 to vector<8x2048xf32>
    %select_n3A_273 = arith.select %eq3A_265, %get3A_270, %broadcast_in_dim3A_272 : vector<8x2048xi1>, vector<8x2048xf32>
    %add3A_274 = arith.addf %add3A_262, %select_n3A_273 : vector<8x2048xf32>
    %eq3A_275 = arith.constant 4.000000e+00 : f32
    %eq3A_276 = vector.broadcast %eq3A_275 : f32 to vector<8x2048xf32>
    %eq3A_277 = arith.cmpf oeq, %select_n3A_110, %eq3A_276 : vector<8x2048xf32>
    %get3A_278 = arith.constant 28 : index
    %get3A_279 = arith.constant 0 : index
    %get3A_280 = arith.constant 0 : index
    %get3A_281 = vector.load %arg1[%get3A_278, %get3A_279, %get3A_280] : memref<76x8x2048xf32, #tpu.memory_space<vmem>>, vector<1x8x2048xf32>
    %get3A_282 = vector.shape_cast %get3A_281 : vector<1x8x2048xf32> to vector<8x2048xf32>
    %jit3A_283 = arith.constant 0.000000e+00 : f32
    %broadcast_in_dim3A_284 = vector.broadcast %jit3A_283 : f32 to vector<8x2048xf32>
    %select_n3A_285 = arith.select %eq3A_277, %get3A_282, %broadcast_in_dim3A_284 : vector<8x2048xi1>, vector<8x2048xf32>
    %add3A_286 = arith.addf %add3A_274, %select_n3A_285 : vector<8x2048xf32>
    %eq3A_287 = arith.constant 5.000000e+00 : f32
    %eq3A_288 = vector.broadcast %eq3A_287 : f32 to vector<8x2048xf32>
    %eq3A_289 = arith.cmpf oeq, %select_n3A_110, %eq3A_288 : vector<8x2048xf32>
    %get3A_290 = arith.constant 29 : index
    %get3A_291 = arith.constant 0 : index
    %get3A_292 = arith.constant 0 : index
    %get3A_293 = vector.load %arg1[%get3A_290, %get3A_291, %get3A_292] : memref<76x8x2048xf32, #tpu.memory_space<vmem>>, vector<1x8x2048xf32>
    %get3A_294 = vector.shape_cast %get3A_293 : vector<1x8x2048xf32> to vector<8x2048xf32>
    %jit3A_295 = arith.constant 0.000000e+00 : f32
    %broadcast_in_dim3A_296 = vector.broadcast %jit3A_295 : f32 to vector<8x2048xf32>
    %select_n3A_297 = arith.select %eq3A_289, %get3A_294, %broadcast_in_dim3A_296 : vector<8x2048xi1>, vector<8x2048xf32>
    %add3A_298 = arith.addf %add3A_286, %select_n3A_297 : vector<8x2048xf32>
    %eq3A_299 = arith.constant 6.000000e+00 : f32
    %eq3A_300 = vector.broadcast %eq3A_299 : f32 to vector<8x2048xf32>
    %eq3A_301 = arith.cmpf oeq, %select_n3A_110, %eq3A_300 : vector<8x2048xf32>
    %get3A_302 = arith.constant 30 : index
    %get3A_303 = arith.constant 0 : index
    %get3A_304 = arith.constant 0 : index
    %get3A_305 = vector.load %arg1[%get3A_302, %get3A_303, %get3A_304] : memref<76x8x2048xf32, #tpu.memory_space<vmem>>, vector<1x8x2048xf32>
    %get3A_306 = vector.shape_cast %get3A_305 : vector<1x8x2048xf32> to vector<8x2048xf32>
    %jit3A_307 = arith.constant 0.000000e+00 : f32
    %broadcast_in_dim3A_308 = vector.broadcast %jit3A_307 : f32 to vector<8x2048xf32>
    %select_n3A_309 = arith.select %eq3A_301, %get3A_306, %broadcast_in_dim3A_308 : vector<8x2048xi1>, vector<8x2048xf32>
    %add3A_310 = arith.addf %add3A_298, %select_n3A_309 : vector<8x2048xf32>
    %eq3A_311 = arith.constant 7.000000e+00 : f32
    %eq3A_312 = vector.broadcast %eq3A_311 : f32 to vector<8x2048xf32>
    %eq3A_313 = arith.cmpf oeq, %select_n3A_110, %eq3A_312 : vector<8x2048xf32>
    %get3A_314 = arith.constant 31 : index
    %get3A_315 = arith.constant 0 : index
    %get3A_316 = arith.constant 0 : index
    %get3A_317 = vector.load %arg1[%get3A_314, %get3A_315, %get3A_316] : memref<76x8x2048xf32, #tpu.memory_space<vmem>>, vector<1x8x2048xf32>
    %get3A_318 = vector.shape_cast %get3A_317 : vector<1x8x2048xf32> to vector<8x2048xf32>
    %jit3A_319 = arith.constant 0.000000e+00 : f32
    %broadcast_in_dim3A_320 = vector.broadcast %jit3A_319 : f32 to vector<8x2048xf32>
    %select_n3A_321 = arith.select %eq3A_313, %get3A_318, %broadcast_in_dim3A_320 : vector<8x2048xi1>, vector<8x2048xf32>
    %add3A_322 = arith.addf %add3A_310, %select_n3A_321 : vector<8x2048xf32>
    %eq3A_323 = arith.constant 8.000000e+00 : f32
    %eq3A_324 = vector.broadcast %eq3A_323 : f32 to vector<8x2048xf32>
    %eq3A_325 = arith.cmpf oeq, %select_n3A_110, %eq3A_324 : vector<8x2048xf32>
    %get3A_326 = arith.constant 32 : index
    %get3A_327 = arith.constant 0 : index
    %get3A_328 = arith.constant 0 : index
    %get3A_329 = vector.load %arg1[%get3A_326, %get3A_327, %get3A_328] : memref<76x8x2048xf32, #tpu.memory_space<vmem>>, vector<1x8x2048xf32>
    %get3A_330 = vector.shape_cast %get3A_329 : vector<1x8x2048xf32> to vector<8x2048xf32>
    %jit3A_331 = arith.constant 0.000000e+00 : f32
    %broadcast_in_dim3A_332 = vector.broadcast %jit3A_331 : f32 to vector<8x2048xf32>
    %select_n3A_333 = arith.select %eq3A_325, %get3A_330, %broadcast_in_dim3A_332 : vector<8x2048xi1>, vector<8x2048xf32>
    %add3A_334 = arith.addf %add3A_322, %select_n3A_333 : vector<8x2048xf32>
    %eq3A_335 = arith.constant 9.000000e+00 : f32
    %eq3A_336 = vector.broadcast %eq3A_335 : f32 to vector<8x2048xf32>
    %eq3A_337 = arith.cmpf oeq, %select_n3A_110, %eq3A_336 : vector<8x2048xf32>
    %get3A_338 = arith.constant 33 : index
    %get3A_339 = arith.constant 0 : index
    %get3A_340 = arith.constant 0 : index
    %get3A_341 = vector.load %arg1[%get3A_338, %get3A_339, %get3A_340] : memref<76x8x2048xf32, #tpu.memory_space<vmem>>, vector<1x8x2048xf32>
    %get3A_342 = vector.shape_cast %get3A_341 : vector<1x8x2048xf32> to vector<8x2048xf32>
    %jit3A_343 = arith.constant 0.000000e+00 : f32
    %broadcast_in_dim3A_344 = vector.broadcast %jit3A_343 : f32 to vector<8x2048xf32>
    %select_n3A_345 = arith.select %eq3A_337, %get3A_342, %broadcast_in_dim3A_344 : vector<8x2048xi1>, vector<8x2048xf32>
    %add3A_346 = arith.addf %add3A_334, %select_n3A_345 : vector<8x2048xf32>
    %eq3A_347 = arith.constant 1.000000e+01 : f32
    %eq3A_348 = vector.broadcast %eq3A_347 : f32 to vector<8x2048xf32>
    %eq3A_349 = arith.cmpf oeq, %select_n3A_110, %eq3A_348 : vector<8x2048xf32>
    %get3A_350 = arith.constant 34 : index
    %get3A_351 = arith.constant 0 : index
    %get3A_352 = arith.constant 0 : index
    %get3A_353 = vector.load %arg1[%get3A_350, %get3A_351, %get3A_352] : memref<76x8x2048xf32, #tpu.memory_space<vmem>>, vector<1x8x2048xf32>
    %get3A_354 = vector.shape_cast %get3A_353 : vector<1x8x2048xf32> to vector<8x2048xf32>
    %jit3A_355 = arith.constant 0.000000e+00 : f32
    %broadcast_in_dim3A_356 = vector.broadcast %jit3A_355 : f32 to vector<8x2048xf32>
    %select_n3A_357 = arith.select %eq3A_349, %get3A_354, %broadcast_in_dim3A_356 : vector<8x2048xi1>, vector<8x2048xf32>
    %add3A_358 = arith.addf %add3A_346, %select_n3A_357 : vector<8x2048xf32>
    %eq3A_359 = arith.constant 1.100000e+01 : f32
    %eq3A_360 = vector.broadcast %eq3A_359 : f32 to vector<8x2048xf32>
    %eq3A_361 = arith.cmpf oeq, %select_n3A_110, %eq3A_360 : vector<8x2048xf32>
    %get3A_362 = arith.constant 35 : index
    %get3A_363 = arith.constant 0 : index
    %get3A_364 = arith.constant 0 : index
    %get3A_365 = vector.load %arg1[%get3A_362, %get3A_363, %get3A_364] : memref<76x8x2048xf32, #tpu.memory_space<vmem>>, vector<1x8x2048xf32>
    %get3A_366 = vector.shape_cast %get3A_365 : vector<1x8x2048xf32> to vector<8x2048xf32>
    %jit3A_367 = arith.constant 0.000000e+00 : f32
    %broadcast_in_dim3A_368 = vector.broadcast %jit3A_367 : f32 to vector<8x2048xf32>
    %select_n3A_369 = arith.select %eq3A_361, %get3A_366, %broadcast_in_dim3A_368 : vector<8x2048xi1>, vector<8x2048xf32>
    %add3A_370 = arith.addf %add3A_358, %select_n3A_369 : vector<8x2048xf32>
    %broadcast_in_dim3A_371 = arith.constant 0.000000e+00 : f32
    %broadcast_in_dim3A_372 = vector.broadcast %broadcast_in_dim3A_371 : f32 to vector<8x2048xf32>
    %eq3A_373 = arith.constant 0.000000e+00 : f32
    %eq3A_374 = vector.broadcast %eq3A_373 : f32 to vector<8x2048xf32>
    %eq3A_375 = arith.cmpf oeq, %select_n3A_226, %eq3A_374 : vector<8x2048xf32>
    %get3A_376 = arith.constant 36 : index
    %get3A_377 = arith.constant 0 : index
    %get3A_378 = arith.constant 0 : index
    %get3A_379 = vector.load %arg1[%get3A_376, %get3A_377, %get3A_378] : memref<76x8x2048xf32, #tpu.memory_space<vmem>>, vector<1x8x2048xf32>
    %get3A_380 = vector.shape_cast %get3A_379 : vector<1x8x2048xf32> to vector<8x2048xf32>
    %jit3A_381 = arith.constant 0.000000e+00 : f32
    %broadcast_in_dim3A_382 = vector.broadcast %jit3A_381 : f32 to vector<8x2048xf32>
    %select_n3A_383 = arith.select %eq3A_375, %get3A_380, %broadcast_in_dim3A_382 : vector<8x2048xi1>, vector<8x2048xf32>
    %add3A_384 = arith.addf %broadcast_in_dim3A_372, %select_n3A_383 : vector<8x2048xf32>
    %eq3A_385 = arith.constant 1.000000e+00 : f32
    %eq3A_386 = vector.broadcast %eq3A_385 : f32 to vector<8x2048xf32>
    %eq3A_387 = arith.cmpf oeq, %select_n3A_226, %eq3A_386 : vector<8x2048xf32>
    %get3A_388 = arith.constant 37 : index
    %get3A_389 = arith.constant 0 : index
    %get3A_390 = arith.constant 0 : index
    %get3A_391 = vector.load %arg1[%get3A_388, %get3A_389, %get3A_390] : memref<76x8x2048xf32, #tpu.memory_space<vmem>>, vector<1x8x2048xf32>
    %get3A_392 = vector.shape_cast %get3A_391 : vector<1x8x2048xf32> to vector<8x2048xf32>
    %jit3A_393 = arith.constant 0.000000e+00 : f32
    %broadcast_in_dim3A_394 = vector.broadcast %jit3A_393 : f32 to vector<8x2048xf32>
    %select_n3A_395 = arith.select %eq3A_387, %get3A_392, %broadcast_in_dim3A_394 : vector<8x2048xi1>, vector<8x2048xf32>
    %add3A_396 = arith.addf %add3A_384, %select_n3A_395 : vector<8x2048xf32>
    %eq3A_397 = arith.constant 2.000000e+00 : f32
    %eq3A_398 = vector.broadcast %eq3A_397 : f32 to vector<8x2048xf32>
    %eq3A_399 = arith.cmpf oeq, %select_n3A_226, %eq3A_398 : vector<8x2048xf32>
    %get3A_400 = arith.constant 38 : index
    %get3A_401 = arith.constant 0 : index
    %get3A_402 = arith.constant 0 : index
    %get3A_403 = vector.load %arg1[%get3A_400, %get3A_401, %get3A_402] : memref<76x8x2048xf32, #tpu.memory_space<vmem>>, vector<1x8x2048xf32>
    %get3A_404 = vector.shape_cast %get3A_403 : vector<1x8x2048xf32> to vector<8x2048xf32>
    %jit3A_405 = arith.constant 0.000000e+00 : f32
    %broadcast_in_dim3A_406 = vector.broadcast %jit3A_405 : f32 to vector<8x2048xf32>
    %select_n3A_407 = arith.select %eq3A_399, %get3A_404, %broadcast_in_dim3A_406 : vector<8x2048xi1>, vector<8x2048xf32>
    %add3A_408 = arith.addf %add3A_396, %select_n3A_407 : vector<8x2048xf32>
    %eq3A_409 = arith.constant 3.000000e+00 : f32
    %eq3A_410 = vector.broadcast %eq3A_409 : f32 to vector<8x2048xf32>
    %eq3A_411 = arith.cmpf oeq, %select_n3A_226, %eq3A_410 : vector<8x2048xf32>
    %get3A_412 = arith.constant 39 : index
    %get3A_413 = arith.constant 0 : index
    %get3A_414 = arith.constant 0 : index
    %get3A_415 = vector.load %arg1[%get3A_412, %get3A_413, %get3A_414] : memref<76x8x2048xf32, #tpu.memory_space<vmem>>, vector<1x8x2048xf32>
    %get3A_416 = vector.shape_cast %get3A_415 : vector<1x8x2048xf32> to vector<8x2048xf32>
    %jit3A_417 = arith.constant 0.000000e+00 : f32
    %broadcast_in_dim3A_418 = vector.broadcast %jit3A_417 : f32 to vector<8x2048xf32>
    %select_n3A_419 = arith.select %eq3A_411, %get3A_416, %broadcast_in_dim3A_418 : vector<8x2048xi1>, vector<8x2048xf32>
    %add3A_420 = arith.addf %add3A_408, %select_n3A_419 : vector<8x2048xf32>
    %eq3A_421 = arith.constant 4.000000e+00 : f32
    %eq3A_422 = vector.broadcast %eq3A_421 : f32 to vector<8x2048xf32>
    %eq3A_423 = arith.cmpf oeq, %select_n3A_226, %eq3A_422 : vector<8x2048xf32>
    %get3A_424 = arith.constant 40 : index
    %get3A_425 = arith.constant 0 : index
    %get3A_426 = arith.constant 0 : index
    %get3A_427 = vector.load %arg1[%get3A_424, %get3A_425, %get3A_426] : memref<76x8x2048xf32, #tpu.memory_space<vmem>>, vector<1x8x2048xf32>
    %get3A_428 = vector.shape_cast %get3A_427 : vector<1x8x2048xf32> to vector<8x2048xf32>
    %jit3A_429 = arith.constant 0.000000e+00 : f32
    %broadcast_in_dim3A_430 = vector.broadcast %jit3A_429 : f32 to vector<8x2048xf32>
    %select_n3A_431 = arith.select %eq3A_423, %get3A_428, %broadcast_in_dim3A_430 : vector<8x2048xi1>, vector<8x2048xf32>
    %add3A_432 = arith.addf %add3A_420, %select_n3A_431 : vector<8x2048xf32>
    %eq3A_433 = arith.constant 5.000000e+00 : f32
    %eq3A_434 = vector.broadcast %eq3A_433 : f32 to vector<8x2048xf32>
    %eq3A_435 = arith.cmpf oeq, %select_n3A_226, %eq3A_434 : vector<8x2048xf32>
    %get3A_436 = arith.constant 41 : index
    %get3A_437 = arith.constant 0 : index
    %get3A_438 = arith.constant 0 : index
    %get3A_439 = vector.load %arg1[%get3A_436, %get3A_437, %get3A_438] : memref<76x8x2048xf32, #tpu.memory_space<vmem>>, vector<1x8x2048xf32>
    %get3A_440 = vector.shape_cast %get3A_439 : vector<1x8x2048xf32> to vector<8x2048xf32>
    %jit3A_441 = arith.constant 0.000000e+00 : f32
    %broadcast_in_dim3A_442 = vector.broadcast %jit3A_441 : f32 to vector<8x2048xf32>
    %select_n3A_443 = arith.select %eq3A_435, %get3A_440, %broadcast_in_dim3A_442 : vector<8x2048xi1>, vector<8x2048xf32>
    %add3A_444 = arith.addf %add3A_432, %select_n3A_443 : vector<8x2048xf32>
    %eq3A_445 = arith.constant 6.000000e+00 : f32
    %eq3A_446 = vector.broadcast %eq3A_445 : f32 to vector<8x2048xf32>
    %eq3A_447 = arith.cmpf oeq, %select_n3A_226, %eq3A_446 : vector<8x2048xf32>
    %get3A_448 = arith.constant 42 : index
    %get3A_449 = arith.constant 0 : index
    %get3A_450 = arith.constant 0 : index
    %get3A_451 = vector.load %arg1[%get3A_448, %get3A_449, %get3A_450] : memref<76x8x2048xf32, #tpu.memory_space<vmem>>, vector<1x8x2048xf32>
    %get3A_452 = vector.shape_cast %get3A_451 : vector<1x8x2048xf32> to vector<8x2048xf32>
    %jit3A_453 = arith.constant 0.000000e+00 : f32
    %broadcast_in_dim3A_454 = vector.broadcast %jit3A_453 : f32 to vector<8x2048xf32>
    %select_n3A_455 = arith.select %eq3A_447, %get3A_452, %broadcast_in_dim3A_454 : vector<8x2048xi1>, vector<8x2048xf32>
    %add3A_456 = arith.addf %add3A_444, %select_n3A_455 : vector<8x2048xf32>
    %eq3A_457 = arith.constant 7.000000e+00 : f32
    %eq3A_458 = vector.broadcast %eq3A_457 : f32 to vector<8x2048xf32>
    %eq3A_459 = arith.cmpf oeq, %select_n3A_226, %eq3A_458 : vector<8x2048xf32>
    %get3A_460 = arith.constant 43 : index
    %get3A_461 = arith.constant 0 : index
    %get3A_462 = arith.constant 0 : index
    %get3A_463 = vector.load %arg1[%get3A_460, %get3A_461, %get3A_462] : memref<76x8x2048xf32, #tpu.memory_space<vmem>>, vector<1x8x2048xf32>
    %get3A_464 = vector.shape_cast %get3A_463 : vector<1x8x2048xf32> to vector<8x2048xf32>
    %jit3A_465 = arith.constant 0.000000e+00 : f32
    %broadcast_in_dim3A_466 = vector.broadcast %jit3A_465 : f32 to vector<8x2048xf32>
    %select_n3A_467 = arith.select %eq3A_459, %get3A_464, %broadcast_in_dim3A_466 : vector<8x2048xi1>, vector<8x2048xf32>
    %add3A_468 = arith.addf %add3A_456, %select_n3A_467 : vector<8x2048xf32>
    %eq3A_469 = arith.constant 8.000000e+00 : f32
    %eq3A_470 = vector.broadcast %eq3A_469 : f32 to vector<8x2048xf32>
    %eq3A_471 = arith.cmpf oeq, %select_n3A_226, %eq3A_470 : vector<8x2048xf32>
    %get3A_472 = arith.constant 44 : index
    %get3A_473 = arith.constant 0 : index
    %get3A_474 = arith.constant 0 : index
    %get3A_475 = vector.load %arg1[%get3A_472, %get3A_473, %get3A_474] : memref<76x8x2048xf32, #tpu.memory_space<vmem>>, vector<1x8x2048xf32>
    %get3A_476 = vector.shape_cast %get3A_475 : vector<1x8x2048xf32> to vector<8x2048xf32>
    %jit3A_477 = arith.constant 0.000000e+00 : f32
    %broadcast_in_dim3A_478 = vector.broadcast %jit3A_477 : f32 to vector<8x2048xf32>
    %select_n3A_479 = arith.select %eq3A_471, %get3A_476, %broadcast_in_dim3A_478 : vector<8x2048xi1>, vector<8x2048xf32>
    %add3A_480 = arith.addf %add3A_468, %select_n3A_479 : vector<8x2048xf32>
    %eq3A_481 = arith.constant 9.000000e+00 : f32
    %eq3A_482 = vector.broadcast %eq3A_481 : f32 to vector<8x2048xf32>
    %eq3A_483 = arith.cmpf oeq, %select_n3A_226, %eq3A_482 : vector<8x2048xf32>
    %get3A_484 = arith.constant 45 : index
    %get3A_485 = arith.constant 0 : index
    %get3A_486 = arith.constant 0 : index
    %get3A_487 = vector.load %arg1[%get3A_484, %get3A_485, %get3A_486] : memref<76x8x2048xf32, #tpu.memory_space<vmem>>, vector<1x8x2048xf32>
    %get3A_488 = vector.shape_cast %get3A_487 : vector<1x8x2048xf32> to vector<8x2048xf32>
    %jit3A_489 = arith.constant 0.000000e+00 : f32
    %broadcast_in_dim3A_490 = vector.broadcast %jit3A_489 : f32 to vector<8x2048xf32>
    %select_n3A_491 = arith.select %eq3A_483, %get3A_488, %broadcast_in_dim3A_490 : vector<8x2048xi1>, vector<8x2048xf32>
    %add3A_492 = arith.addf %add3A_480, %select_n3A_491 : vector<8x2048xf32>
    %eq3A_493 = arith.constant 1.000000e+01 : f32
    %eq3A_494 = vector.broadcast %eq3A_493 : f32 to vector<8x2048xf32>
    %eq3A_495 = arith.cmpf oeq, %select_n3A_226, %eq3A_494 : vector<8x2048xf32>
    %get3A_496 = arith.constant 46 : index
    %get3A_497 = arith.constant 0 : index
    %get3A_498 = arith.constant 0 : index
    %get3A_499 = vector.load %arg1[%get3A_496, %get3A_497, %get3A_498] : memref<76x8x2048xf32, #tpu.memory_space<vmem>>, vector<1x8x2048xf32>
    %get3A_500 = vector.shape_cast %get3A_499 : vector<1x8x2048xf32> to vector<8x2048xf32>
    %jit3A_501 = arith.constant 0.000000e+00 : f32
    %broadcast_in_dim3A_502 = vector.broadcast %jit3A_501 : f32 to vector<8x2048xf32>
    %select_n3A_503 = arith.select %eq3A_495, %get3A_500, %broadcast_in_dim3A_502 : vector<8x2048xi1>, vector<8x2048xf32>
    %add3A_504 = arith.addf %add3A_492, %select_n3A_503 : vector<8x2048xf32>
    %eq3A_505 = arith.constant 1.100000e+01 : f32
    %eq3A_506 = vector.broadcast %eq3A_505 : f32 to vector<8x2048xf32>
    %eq3A_507 = arith.cmpf oeq, %select_n3A_226, %eq3A_506 : vector<8x2048xf32>
    %get3A_508 = arith.constant 47 : index
    %get3A_509 = arith.constant 0 : index
    %get3A_510 = arith.constant 0 : index
    %get3A_511 = vector.load %arg1[%get3A_508, %get3A_509, %get3A_510] : memref<76x8x2048xf32, #tpu.memory_space<vmem>>, vector<1x8x2048xf32>
    %get3A_512 = vector.shape_cast %get3A_511 : vector<1x8x2048xf32> to vector<8x2048xf32>
    %jit3A_513 = arith.constant 0.000000e+00 : f32
    %broadcast_in_dim3A_514 = vector.broadcast %jit3A_513 : f32 to vector<8x2048xf32>
    %select_n3A_515 = arith.select %eq3A_507, %get3A_512, %broadcast_in_dim3A_514 : vector<8x2048xi1>, vector<8x2048xf32>
    %add3A_516 = arith.addf %add3A_504, %select_n3A_515 : vector<8x2048xf32>
    %mul3A = arith.constant 5.000000e-01 : f32
    %mul3A_517 = vector.broadcast %mul3A : f32 to vector<8x2048xf32>
    %mul3A_518 = arith.mulf %select_n3A_110, %mul3A_517 : vector<8x2048xf32>
    %add3A_519 = arith.constant -2.750000e+00 : f32
    %add3A_520 = vector.broadcast %add3A_519 : f32 to vector<8x2048xf32>
    %add3A_521 = arith.addf %mul3A_518, %add3A_520 : vector<8x2048xf32>
    %mul3A_522 = arith.constant 5.000000e-01 : f32
    %mul3A_523 = vector.broadcast %mul3A_522 : f32 to vector<8x2048xf32>
    %mul3A_524 = arith.mulf %add3A_370, %mul3A_523 : vector<8x2048xf32>
    %add3A_525 = arith.addf %add3A_521, %mul3A_524 : vector<8x2048xf32>
    %get3A_526 = arith.constant 0 : index
    %get3A_527 = arith.constant 0 : index
    %get3A_528 = arith.constant 0 : index
    %get3A_529 = vector.load %arg2[%get3A_526, %get3A_527, %get3A_528] : memref<3x8x2048xf32, #tpu.memory_space<vmem>>, vector<1x8x2048xf32>
    %get3A_530 = vector.shape_cast %get3A_529 : vector<1x8x2048xf32> to vector<8x2048xf32>
    %add3A_531 = arith.addf %add3A_525, %get3A_530 : vector<8x2048xf32>
    %mul3A_532 = arith.constant 5.000000e-01 : f32
    %mul3A_533 = vector.broadcast %mul3A_532 : f32 to vector<8x2048xf32>
    %mul3A_534 = arith.mulf %select_n3A_226, %mul3A_533 : vector<8x2048xf32>
    %add3A_535 = arith.constant -2.750000e+00 : f32
    %add3A_536 = vector.broadcast %add3A_535 : f32 to vector<8x2048xf32>
    %add3A_537 = arith.addf %mul3A_534, %add3A_536 : vector<8x2048xf32>
    %mul3A_538 = arith.constant 5.000000e-01 : f32
    %mul3A_539 = vector.broadcast %mul3A_538 : f32 to vector<8x2048xf32>
    %mul3A_540 = arith.mulf %add3A_516, %mul3A_539 : vector<8x2048xf32>
    %add3A_541 = arith.addf %add3A_537, %mul3A_540 : vector<8x2048xf32>
    %get3A_542 = arith.constant 2 : index
    %get3A_543 = arith.constant 0 : index
    %get3A_544 = arith.constant 0 : index
    %get3A_545 = vector.load %arg2[%get3A_542, %get3A_543, %get3A_544] : memref<3x8x2048xf32, #tpu.memory_space<vmem>>, vector<1x8x2048xf32>
    %get3A_546 = vector.shape_cast %get3A_545 : vector<1x8x2048xf32> to vector<8x2048xf32>
    %add3A_547 = arith.addf %add3A_541, %get3A_546 : vector<8x2048xf32>
    %get3A_548 = arith.constant 1 : index
    %get3A_549 = arith.constant 0 : index
    %get3A_550 = arith.constant 0 : index
    %get3A_551 = vector.load %arg2[%get3A_548, %get3A_549, %get3A_550] : memref<3x8x2048xf32, #tpu.memory_space<vmem>>, vector<1x8x2048xf32>
    %get3A_552 = vector.shape_cast %get3A_551 : vector<1x8x2048xf32> to vector<8x2048xf32>
    %get3A_553 = arith.constant 48 : index
    %get3A_554 = arith.constant 0 : index
    %get3A_555 = arith.constant 0 : index
    %get3A_556 = vector.load %arg1[%get3A_553, %get3A_554, %get3A_555] : memref<76x8x2048xf32, #tpu.memory_space<vmem>>, vector<1x8x2048xf32>
    %get3A_557 = vector.shape_cast %get3A_556 : vector<1x8x2048xf32> to vector<8x2048xf32>
    %add3A_558 = arith.addf %get3A_552, %get3A_557 : vector<8x2048xf32>
    %get3A_559 = arith.constant 49 : index
    %get3A_560 = arith.constant 0 : index
    %get3A_561 = arith.constant 0 : index
    %get3A_562 = vector.load %arg1[%get3A_559, %get3A_560, %get3A_561] : memref<76x8x2048xf32, #tpu.memory_space<vmem>>, vector<1x8x2048xf32>
    %get3A_563 = vector.shape_cast %get3A_562 : vector<1x8x2048xf32> to vector<8x2048xf32>
    %broadcast_in_dim3A_564 = arith.constant 0.000000e+00 : f32
    %broadcast_in_dim3A_565 = vector.broadcast %broadcast_in_dim3A_564 : f32 to vector<8x2048xf32>
    %get3A_566 = arith.constant 50 : index
    %get3A_567 = arith.constant 0 : index
    %get3A_568 = arith.constant 0 : index
    %get3A_569 = vector.load %arg1[%get3A_566, %get3A_567, %get3A_568] : memref<76x8x2048xf32, #tpu.memory_space<vmem>>, vector<1x8x2048xf32>
    %get3A_570 = vector.shape_cast %get3A_569 : vector<1x8x2048xf32> to vector<8x2048xf32>
    %gt3A_571 = arith.cmpf ogt, %get3A_570, %get3A_563 : vector<8x2048xf32>
    %select_n3A_572 = arith.select %gt3A_571, %get3A_570, %get3A_563 : vector<8x2048xi1>, vector<8x2048xf32>
    %jit3A_573 = arith.constant 1.000000e+00 : f32
    %broadcast_in_dim3A_574 = vector.broadcast %jit3A_573 : f32 to vector<8x2048xf32>
    %select_n3A_575 = arith.select %gt3A_571, %broadcast_in_dim3A_574, %broadcast_in_dim3A_565 : vector<8x2048xi1>, vector<8x2048xf32>
    %get3A_576 = arith.constant 51 : index
    %get3A_577 = arith.constant 0 : index
    %get3A_578 = arith.constant 0 : index
    %get3A_579 = vector.load %arg1[%get3A_576, %get3A_577, %get3A_578] : memref<76x8x2048xf32, #tpu.memory_space<vmem>>, vector<1x8x2048xf32>
    %get3A_580 = vector.shape_cast %get3A_579 : vector<1x8x2048xf32> to vector<8x2048xf32>
    %gt3A_581 = arith.cmpf ogt, %get3A_580, %select_n3A_572 : vector<8x2048xf32>
    %select_n3A_582 = arith.select %gt3A_581, %get3A_580, %select_n3A_572 : vector<8x2048xi1>, vector<8x2048xf32>
    %jit3A_583 = arith.constant 2.000000e+00 : f32
    %broadcast_in_dim3A_584 = vector.broadcast %jit3A_583 : f32 to vector<8x2048xf32>
    %select_n3A_585 = arith.select %gt3A_581, %broadcast_in_dim3A_584, %select_n3A_575 : vector<8x2048xi1>, vector<8x2048xf32>
    %get3A_586 = arith.constant 52 : index
    %get3A_587 = arith.constant 0 : index
    %get3A_588 = arith.constant 0 : index
    %get3A_589 = vector.load %arg1[%get3A_586, %get3A_587, %get3A_588] : memref<76x8x2048xf32, #tpu.memory_space<vmem>>, vector<1x8x2048xf32>
    %get3A_590 = vector.shape_cast %get3A_589 : vector<1x8x2048xf32> to vector<8x2048xf32>
    %gt3A_591 = arith.cmpf ogt, %get3A_590, %select_n3A_582 : vector<8x2048xf32>
    %select_n3A_592 = arith.select %gt3A_591, %get3A_590, %select_n3A_582 : vector<8x2048xi1>, vector<8x2048xf32>
    %jit3A_593 = arith.constant 3.000000e+00 : f32
    %broadcast_in_dim3A_594 = vector.broadcast %jit3A_593 : f32 to vector<8x2048xf32>
    %select_n3A_595 = arith.select %gt3A_591, %broadcast_in_dim3A_594, %select_n3A_585 : vector<8x2048xi1>, vector<8x2048xf32>
    %get3A_596 = arith.constant 53 : index
    %get3A_597 = arith.constant 0 : index
    %get3A_598 = arith.constant 0 : index
    %get3A_599 = vector.load %arg1[%get3A_596, %get3A_597, %get3A_598] : memref<76x8x2048xf32, #tpu.memory_space<vmem>>, vector<1x8x2048xf32>
    %get3A_600 = vector.shape_cast %get3A_599 : vector<1x8x2048xf32> to vector<8x2048xf32>
    %gt3A_601 = arith.cmpf ogt, %get3A_600, %select_n3A_592 : vector<8x2048xf32>
    %select_n3A_602 = arith.select %gt3A_601, %get3A_600, %select_n3A_592 : vector<8x2048xi1>, vector<8x2048xf32>
    %jit3A_603 = arith.constant 4.000000e+00 : f32
    %broadcast_in_dim3A_604 = vector.broadcast %jit3A_603 : f32 to vector<8x2048xf32>
    %select_n3A_605 = arith.select %gt3A_601, %broadcast_in_dim3A_604, %select_n3A_595 : vector<8x2048xi1>, vector<8x2048xf32>
    %get3A_606 = arith.constant 54 : index
    %get3A_607 = arith.constant 0 : index
    %get3A_608 = arith.constant 0 : index
    %get3A_609 = vector.load %arg1[%get3A_606, %get3A_607, %get3A_608] : memref<76x8x2048xf32, #tpu.memory_space<vmem>>, vector<1x8x2048xf32>
    %get3A_610 = vector.shape_cast %get3A_609 : vector<1x8x2048xf32> to vector<8x2048xf32>
    %gt3A_611 = arith.cmpf ogt, %get3A_610, %select_n3A_602 : vector<8x2048xf32>
    %select_n3A_612 = arith.select %gt3A_611, %get3A_610, %select_n3A_602 : vector<8x2048xi1>, vector<8x2048xf32>
    %jit3A_613 = arith.constant 5.000000e+00 : f32
    %broadcast_in_dim3A_614 = vector.broadcast %jit3A_613 : f32 to vector<8x2048xf32>
    %select_n3A_615 = arith.select %gt3A_611, %broadcast_in_dim3A_614, %select_n3A_605 : vector<8x2048xi1>, vector<8x2048xf32>
    %get3A_616 = arith.constant 55 : index
    %get3A_617 = arith.constant 0 : index
    %get3A_618 = arith.constant 0 : index
    %get3A_619 = vector.load %arg1[%get3A_616, %get3A_617, %get3A_618] : memref<76x8x2048xf32, #tpu.memory_space<vmem>>, vector<1x8x2048xf32>
    %get3A_620 = vector.shape_cast %get3A_619 : vector<1x8x2048xf32> to vector<8x2048xf32>
    %gt3A_621 = arith.cmpf ogt, %get3A_620, %select_n3A_612 : vector<8x2048xf32>
    %select_n3A_622 = arith.select %gt3A_621, %get3A_620, %select_n3A_612 : vector<8x2048xi1>, vector<8x2048xf32>
    %jit3A_623 = arith.constant 6.000000e+00 : f32
    %broadcast_in_dim3A_624 = vector.broadcast %jit3A_623 : f32 to vector<8x2048xf32>
    %select_n3A_625 = arith.select %gt3A_621, %broadcast_in_dim3A_624, %select_n3A_615 : vector<8x2048xi1>, vector<8x2048xf32>
    %get3A_626 = arith.constant 56 : index
    %get3A_627 = arith.constant 0 : index
    %get3A_628 = arith.constant 0 : index
    %get3A_629 = vector.load %arg1[%get3A_626, %get3A_627, %get3A_628] : memref<76x8x2048xf32, #tpu.memory_space<vmem>>, vector<1x8x2048xf32>
    %get3A_630 = vector.shape_cast %get3A_629 : vector<1x8x2048xf32> to vector<8x2048xf32>
    %gt3A_631 = arith.cmpf ogt, %get3A_630, %select_n3A_622 : vector<8x2048xf32>
    %select_n3A_632 = arith.select %gt3A_631, %get3A_630, %select_n3A_622 : vector<8x2048xi1>, vector<8x2048xf32>
    %jit3A_633 = arith.constant 7.000000e+00 : f32
    %broadcast_in_dim3A_634 = vector.broadcast %jit3A_633 : f32 to vector<8x2048xf32>
    %select_n3A_635 = arith.select %gt3A_631, %broadcast_in_dim3A_634, %select_n3A_625 : vector<8x2048xi1>, vector<8x2048xf32>
    %get3A_636 = arith.constant 57 : index
    %get3A_637 = arith.constant 0 : index
    %get3A_638 = arith.constant 0 : index
    %get3A_639 = vector.load %arg1[%get3A_636, %get3A_637, %get3A_638] : memref<76x8x2048xf32, #tpu.memory_space<vmem>>, vector<1x8x2048xf32>
    %get3A_640 = vector.shape_cast %get3A_639 : vector<1x8x2048xf32> to vector<8x2048xf32>
    %gt3A_641 = arith.cmpf ogt, %get3A_640, %select_n3A_632 : vector<8x2048xf32>
    %select_n3A_642 = arith.select %gt3A_641, %get3A_640, %select_n3A_632 : vector<8x2048xi1>, vector<8x2048xf32>
    %jit3A_643 = arith.constant 8.000000e+00 : f32
    %broadcast_in_dim3A_644 = vector.broadcast %jit3A_643 : f32 to vector<8x2048xf32>
    %select_n3A_645 = arith.select %gt3A_641, %broadcast_in_dim3A_644, %select_n3A_635 : vector<8x2048xi1>, vector<8x2048xf32>
    %get3A_646 = arith.constant 58 : index
    %get3A_647 = arith.constant 0 : index
    %get3A_648 = arith.constant 0 : index
    %get3A_649 = vector.load %arg1[%get3A_646, %get3A_647, %get3A_648] : memref<76x8x2048xf32, #tpu.memory_space<vmem>>, vector<1x8x2048xf32>
    %get3A_650 = vector.shape_cast %get3A_649 : vector<1x8x2048xf32> to vector<8x2048xf32>
    %gt3A_651 = arith.cmpf ogt, %get3A_650, %select_n3A_642 : vector<8x2048xf32>
    %select_n3A_652 = arith.select %gt3A_651, %get3A_650, %select_n3A_642 : vector<8x2048xi1>, vector<8x2048xf32>
    %jit3A_653 = arith.constant 9.000000e+00 : f32
    %broadcast_in_dim3A_654 = vector.broadcast %jit3A_653 : f32 to vector<8x2048xf32>
    %select_n3A_655 = arith.select %gt3A_651, %broadcast_in_dim3A_654, %select_n3A_645 : vector<8x2048xi1>, vector<8x2048xf32>
    %get3A_656 = arith.constant 59 : index
    %get3A_657 = arith.constant 0 : index
    %get3A_658 = arith.constant 0 : index
    %get3A_659 = vector.load %arg1[%get3A_656, %get3A_657, %get3A_658] : memref<76x8x2048xf32, #tpu.memory_space<vmem>>, vector<1x8x2048xf32>
    %get3A_660 = vector.shape_cast %get3A_659 : vector<1x8x2048xf32> to vector<8x2048xf32>
    %gt3A_661 = arith.cmpf ogt, %get3A_660, %select_n3A_652 : vector<8x2048xf32>
    %select_n3A_662 = arith.select %gt3A_661, %get3A_660, %select_n3A_652 : vector<8x2048xi1>, vector<8x2048xf32>
    %jit3A_663 = arith.constant 1.000000e+01 : f32
    %broadcast_in_dim3A_664 = vector.broadcast %jit3A_663 : f32 to vector<8x2048xf32>
    %select_n3A_665 = arith.select %gt3A_661, %broadcast_in_dim3A_664, %select_n3A_655 : vector<8x2048xi1>, vector<8x2048xf32>
    %get3A_666 = arith.constant 60 : index
    %get3A_667 = arith.constant 0 : index
    %get3A_668 = arith.constant 0 : index
    %get3A_669 = vector.load %arg1[%get3A_666, %get3A_667, %get3A_668] : memref<76x8x2048xf32, #tpu.memory_space<vmem>>, vector<1x8x2048xf32>
    %get3A_670 = vector.shape_cast %get3A_669 : vector<1x8x2048xf32> to vector<8x2048xf32>
    %gt3A_671 = arith.cmpf ogt, %get3A_670, %select_n3A_662 : vector<8x2048xf32>
    %jit3A_672 = arith.constant 1.100000e+01 : f32
    %broadcast_in_dim3A_673 = vector.broadcast %jit3A_672 : f32 to vector<8x2048xf32>
    %select_n3A_674 = arith.select %gt3A_671, %broadcast_in_dim3A_673, %select_n3A_665 : vector<8x2048xi1>, vector<8x2048xf32>
    %broadcast_in_dim3A_675 = arith.constant 0.000000e+00 : f32
    %broadcast_in_dim3A_676 = vector.broadcast %broadcast_in_dim3A_675 : f32 to vector<8x2048xf32>
    %eq3A_677 = arith.constant 0.000000e+00 : f32
    %eq3A_678 = vector.broadcast %eq3A_677 : f32 to vector<8x2048xf32>
    %eq3A_679 = arith.cmpf oeq, %select_n3A_674, %eq3A_678 : vector<8x2048xf32>
    %get3A_680 = arith.constant 61 : index
    %get3A_681 = arith.constant 0 : index
    %get3A_682 = arith.constant 0 : index
    %get3A_683 = vector.load %arg1[%get3A_680, %get3A_681, %get3A_682] : memref<76x8x2048xf32, #tpu.memory_space<vmem>>, vector<1x8x2048xf32>
    %get3A_684 = vector.shape_cast %get3A_683 : vector<1x8x2048xf32> to vector<8x2048xf32>
    %jit3A_685 = arith.constant 0.000000e+00 : f32
    %broadcast_in_dim3A_686 = vector.broadcast %jit3A_685 : f32 to vector<8x2048xf32>
    %select_n3A_687 = arith.select %eq3A_679, %get3A_684, %broadcast_in_dim3A_686 : vector<8x2048xi1>, vector<8x2048xf32>
    %add3A_688 = arith.addf %broadcast_in_dim3A_676, %select_n3A_687 : vector<8x2048xf32>
    %eq3A_689 = arith.constant 1.000000e+00 : f32
    %eq3A_690 = vector.broadcast %eq3A_689 : f32 to vector<8x2048xf32>
    %eq3A_691 = arith.cmpf oeq, %select_n3A_674, %eq3A_690 : vector<8x2048xf32>
    %get3A_692 = arith.constant 62 : index
    %get3A_693 = arith.constant 0 : index
    %get3A_694 = arith.constant 0 : index
    %get3A_695 = vector.load %arg1[%get3A_692, %get3A_693, %get3A_694] : memref<76x8x2048xf32, #tpu.memory_space<vmem>>, vector<1x8x2048xf32>
    %get3A_696 = vector.shape_cast %get3A_695 : vector<1x8x2048xf32> to vector<8x2048xf32>
    %jit3A_697 = arith.constant 0.000000e+00 : f32
    %broadcast_in_dim3A_698 = vector.broadcast %jit3A_697 : f32 to vector<8x2048xf32>
    %select_n3A_699 = arith.select %eq3A_691, %get3A_696, %broadcast_in_dim3A_698 : vector<8x2048xi1>, vector<8x2048xf32>
    %add3A_700 = arith.addf %add3A_688, %select_n3A_699 : vector<8x2048xf32>
    %eq3A_701 = arith.constant 2.000000e+00 : f32
    %eq3A_702 = vector.broadcast %eq3A_701 : f32 to vector<8x2048xf32>
    %eq3A_703 = arith.cmpf oeq, %select_n3A_674, %eq3A_702 : vector<8x2048xf32>
    %get3A_704 = arith.constant 63 : index
    %get3A_705 = arith.constant 0 : index
    %get3A_706 = arith.constant 0 : index
    %get3A_707 = vector.load %arg1[%get3A_704, %get3A_705, %get3A_706] : memref<76x8x2048xf32, #tpu.memory_space<vmem>>, vector<1x8x2048xf32>
    %get3A_708 = vector.shape_cast %get3A_707 : vector<1x8x2048xf32> to vector<8x2048xf32>
    %jit3A_709 = arith.constant 0.000000e+00 : f32
    %broadcast_in_dim3A_710 = vector.broadcast %jit3A_709 : f32 to vector<8x2048xf32>
    %select_n3A_711 = arith.select %eq3A_703, %get3A_708, %broadcast_in_dim3A_710 : vector<8x2048xi1>, vector<8x2048xf32>
    %add3A_712 = arith.addf %add3A_700, %select_n3A_711 : vector<8x2048xf32>
    %eq3A_713 = arith.constant 3.000000e+00 : f32
    %eq3A_714 = vector.broadcast %eq3A_713 : f32 to vector<8x2048xf32>
    %eq3A_715 = arith.cmpf oeq, %select_n3A_674, %eq3A_714 : vector<8x2048xf32>
    %get3A_716 = arith.constant 64 : index
    %get3A_717 = arith.constant 0 : index
    %get3A_718 = arith.constant 0 : index
    %get3A_719 = vector.load %arg1[%get3A_716, %get3A_717, %get3A_718] : memref<76x8x2048xf32, #tpu.memory_space<vmem>>, vector<1x8x2048xf32>
    %get3A_720 = vector.shape_cast %get3A_719 : vector<1x8x2048xf32> to vector<8x2048xf32>
    %jit3A_721 = arith.constant 0.000000e+00 : f32
    %broadcast_in_dim3A_722 = vector.broadcast %jit3A_721 : f32 to vector<8x2048xf32>
    %select_n3A_723 = arith.select %eq3A_715, %get3A_720, %broadcast_in_dim3A_722 : vector<8x2048xi1>, vector<8x2048xf32>
    %add3A_724 = arith.addf %add3A_712, %select_n3A_723 : vector<8x2048xf32>
    %eq3A_725 = arith.constant 4.000000e+00 : f32
    %eq3A_726 = vector.broadcast %eq3A_725 : f32 to vector<8x2048xf32>
    %eq3A_727 = arith.cmpf oeq, %select_n3A_674, %eq3A_726 : vector<8x2048xf32>
    %get3A_728 = arith.constant 65 : index
    %get3A_729 = arith.constant 0 : index
    %get3A_730 = arith.constant 0 : index
    %get3A_731 = vector.load %arg1[%get3A_728, %get3A_729, %get3A_730] : memref<76x8x2048xf32, #tpu.memory_space<vmem>>, vector<1x8x2048xf32>
    %get3A_732 = vector.shape_cast %get3A_731 : vector<1x8x2048xf32> to vector<8x2048xf32>
    %jit3A_733 = arith.constant 0.000000e+00 : f32
    %broadcast_in_dim3A_734 = vector.broadcast %jit3A_733 : f32 to vector<8x2048xf32>
    %select_n3A_735 = arith.select %eq3A_727, %get3A_732, %broadcast_in_dim3A_734 : vector<8x2048xi1>, vector<8x2048xf32>
    %add3A_736 = arith.addf %add3A_724, %select_n3A_735 : vector<8x2048xf32>
    %eq3A_737 = arith.constant 5.000000e+00 : f32
    %eq3A_738 = vector.broadcast %eq3A_737 : f32 to vector<8x2048xf32>
    %eq3A_739 = arith.cmpf oeq, %select_n3A_674, %eq3A_738 : vector<8x2048xf32>
    %get3A_740 = arith.constant 66 : index
    %get3A_741 = arith.constant 0 : index
    %get3A_742 = arith.constant 0 : index
    %get3A_743 = vector.load %arg1[%get3A_740, %get3A_741, %get3A_742] : memref<76x8x2048xf32, #tpu.memory_space<vmem>>, vector<1x8x2048xf32>
    %get3A_744 = vector.shape_cast %get3A_743 : vector<1x8x2048xf32> to vector<8x2048xf32>
    %jit3A_745 = arith.constant 0.000000e+00 : f32
    %broadcast_in_dim3A_746 = vector.broadcast %jit3A_745 : f32 to vector<8x2048xf32>
    %select_n3A_747 = arith.select %eq3A_739, %get3A_744, %broadcast_in_dim3A_746 : vector<8x2048xi1>, vector<8x2048xf32>
    %add3A_748 = arith.addf %add3A_736, %select_n3A_747 : vector<8x2048xf32>
    %eq3A_749 = arith.constant 6.000000e+00 : f32
    %eq3A_750 = vector.broadcast %eq3A_749 : f32 to vector<8x2048xf32>
    %eq3A_751 = arith.cmpf oeq, %select_n3A_674, %eq3A_750 : vector<8x2048xf32>
    %get3A_752 = arith.constant 67 : index
    %get3A_753 = arith.constant 0 : index
    %get3A_754 = arith.constant 0 : index
    %get3A_755 = vector.load %arg1[%get3A_752, %get3A_753, %get3A_754] : memref<76x8x2048xf32, #tpu.memory_space<vmem>>, vector<1x8x2048xf32>
    %get3A_756 = vector.shape_cast %get3A_755 : vector<1x8x2048xf32> to vector<8x2048xf32>
    %jit3A_757 = arith.constant 0.000000e+00 : f32
    %broadcast_in_dim3A_758 = vector.broadcast %jit3A_757 : f32 to vector<8x2048xf32>
    %select_n3A_759 = arith.select %eq3A_751, %get3A_756, %broadcast_in_dim3A_758 : vector<8x2048xi1>, vector<8x2048xf32>
    %add3A_760 = arith.addf %add3A_748, %select_n3A_759 : vector<8x2048xf32>
    %eq3A_761 = arith.constant 7.000000e+00 : f32
    %eq3A_762 = vector.broadcast %eq3A_761 : f32 to vector<8x2048xf32>
    %eq3A_763 = arith.cmpf oeq, %select_n3A_674, %eq3A_762 : vector<8x2048xf32>
    %get3A_764 = arith.constant 68 : index
    %get3A_765 = arith.constant 0 : index
    %get3A_766 = arith.constant 0 : index
    %get3A_767 = vector.load %arg1[%get3A_764, %get3A_765, %get3A_766] : memref<76x8x2048xf32, #tpu.memory_space<vmem>>, vector<1x8x2048xf32>
    %get3A_768 = vector.shape_cast %get3A_767 : vector<1x8x2048xf32> to vector<8x2048xf32>
    %jit3A_769 = arith.constant 0.000000e+00 : f32
    %broadcast_in_dim3A_770 = vector.broadcast %jit3A_769 : f32 to vector<8x2048xf32>
    %select_n3A_771 = arith.select %eq3A_763, %get3A_768, %broadcast_in_dim3A_770 : vector<8x2048xi1>, vector<8x2048xf32>
    %add3A_772 = arith.addf %add3A_760, %select_n3A_771 : vector<8x2048xf32>
    %eq3A_773 = arith.constant 8.000000e+00 : f32
    %eq3A_774 = vector.broadcast %eq3A_773 : f32 to vector<8x2048xf32>
    %eq3A_775 = arith.cmpf oeq, %select_n3A_674, %eq3A_774 : vector<8x2048xf32>
    %get3A_776 = arith.constant 69 : index
    %get3A_777 = arith.constant 0 : index
    %get3A_778 = arith.constant 0 : index
    %get3A_779 = vector.load %arg1[%get3A_776, %get3A_777, %get3A_778] : memref<76x8x2048xf32, #tpu.memory_space<vmem>>, vector<1x8x2048xf32>
    %get3A_780 = vector.shape_cast %get3A_779 : vector<1x8x2048xf32> to vector<8x2048xf32>
    %jit3A_781 = arith.constant 0.000000e+00 : f32
    %broadcast_in_dim3A_782 = vector.broadcast %jit3A_781 : f32 to vector<8x2048xf32>
    %select_n3A_783 = arith.select %eq3A_775, %get3A_780, %broadcast_in_dim3A_782 : vector<8x2048xi1>, vector<8x2048xf32>
    %add3A_784 = arith.addf %add3A_772, %select_n3A_783 : vector<8x2048xf32>
    %eq3A_785 = arith.constant 9.000000e+00 : f32
    %eq3A_786 = vector.broadcast %eq3A_785 : f32 to vector<8x2048xf32>
    %eq3A_787 = arith.cmpf oeq, %select_n3A_674, %eq3A_786 : vector<8x2048xf32>
    %get3A_788 = arith.constant 70 : index
    %get3A_789 = arith.constant 0 : index
    %get3A_790 = arith.constant 0 : index
    %get3A_791 = vector.load %arg1[%get3A_788, %get3A_789, %get3A_790] : memref<76x8x2048xf32, #tpu.memory_space<vmem>>, vector<1x8x2048xf32>
    %get3A_792 = vector.shape_cast %get3A_791 : vector<1x8x2048xf32> to vector<8x2048xf32>
    %jit3A_793 = arith.constant 0.000000e+00 : f32
    %broadcast_in_dim3A_794 = vector.broadcast %jit3A_793 : f32 to vector<8x2048xf32>
    %select_n3A_795 = arith.select %eq3A_787, %get3A_792, %broadcast_in_dim3A_794 : vector<8x2048xi1>, vector<8x2048xf32>
    %add3A_796 = arith.addf %add3A_784, %select_n3A_795 : vector<8x2048xf32>
    %eq3A_797 = arith.constant 1.000000e+01 : f32
    %eq3A_798 = vector.broadcast %eq3A_797 : f32 to vector<8x2048xf32>
    %eq3A_799 = arith.cmpf oeq, %select_n3A_674, %eq3A_798 : vector<8x2048xf32>
    %get3A_800 = arith.constant 71 : index
    %get3A_801 = arith.constant 0 : index
    %get3A_802 = arith.constant 0 : index
    %get3A_803 = vector.load %arg1[%get3A_800, %get3A_801, %get3A_802] : memref<76x8x2048xf32, #tpu.memory_space<vmem>>, vector<1x8x2048xf32>
    %get3A_804 = vector.shape_cast %get3A_803 : vector<1x8x2048xf32> to vector<8x2048xf32>
    %jit3A_805 = arith.constant 0.000000e+00 : f32
    %broadcast_in_dim3A_806 = vector.broadcast %jit3A_805 : f32 to vector<8x2048xf32>
    %select_n3A_807 = arith.select %eq3A_799, %get3A_804, %broadcast_in_dim3A_806 : vector<8x2048xi1>, vector<8x2048xf32>
    %add3A_808 = arith.addf %add3A_796, %select_n3A_807 : vector<8x2048xf32>
    %eq3A_809 = arith.constant 1.100000e+01 : f32
    %eq3A_810 = vector.broadcast %eq3A_809 : f32 to vector<8x2048xf32>
    %eq3A_811 = arith.cmpf oeq, %select_n3A_674, %eq3A_810 : vector<8x2048xf32>
    %get3A_812 = arith.constant 72 : index
    %get3A_813 = arith.constant 0 : index
    %get3A_814 = arith.constant 0 : index
    %get3A_815 = vector.load %arg1[%get3A_812, %get3A_813, %get3A_814] : memref<76x8x2048xf32, #tpu.memory_space<vmem>>, vector<1x8x2048xf32>
    %get3A_816 = vector.shape_cast %get3A_815 : vector<1x8x2048xf32> to vector<8x2048xf32>
    %jit3A_817 = arith.constant 0.000000e+00 : f32
    %broadcast_in_dim3A_818 = vector.broadcast %jit3A_817 : f32 to vector<8x2048xf32>
    %select_n3A_819 = arith.select %eq3A_811, %get3A_816, %broadcast_in_dim3A_818 : vector<8x2048xi1>, vector<8x2048xf32>
    %add3A_820 = arith.addf %add3A_808, %select_n3A_819 : vector<8x2048xf32>
    %mul3A_821 = arith.constant 0.52359879 : f32
    %mul3A_822 = vector.broadcast %mul3A_821 : f32 to vector<8x2048xf32>
    %mul3A_823 = arith.mulf %select_n3A_674, %mul3A_822 : vector<8x2048xf32>
    %mul3A_824 = arith.constant 0.261799395 : f32
    %mul3A_825 = vector.broadcast %mul3A_824 : f32 to vector<8x2048xf32>
    %mul3A_826 = arith.mulf %add3A_820, %mul3A_825 : vector<8x2048xf32>
    %add3A_827 = arith.addf %mul3A_823, %mul3A_826 : vector<8x2048xf32>
    %div3A = arith.constant 6.28318548 : f32
    %div3A_828 = vector.broadcast %div3A : f32 to vector<8x2048xf32>
    %div3A_829 = arith.divf %add3A_827, %div3A_828 : vector<8x2048xf32>
    %floor3A = math.floor %div3A_829 : vector<8x2048xf32>
    %mul3A_830 = arith.constant 6.28318548 : f32
    %mul3A_831 = vector.broadcast %mul3A_830 : f32 to vector<8x2048xf32>
    %mul3A_832 = arith.mulf %floor3A, %mul3A_831 : vector<8x2048xf32>
    %sub3A = arith.subf %add3A_827, %mul3A_832 : vector<8x2048xf32>
    %gt3A_833 = arith.constant 3.14159274 : f32
    %gt3A_834 = vector.broadcast %gt3A_833 : f32 to vector<8x2048xf32>
    %gt3A_835 = arith.cmpf ogt, %sub3A, %gt3A_834 : vector<8x2048xf32>
    %sub3A_836 = arith.constant 6.28318548 : f32
    %sub3A_837 = vector.broadcast %sub3A_836 : f32 to vector<8x2048xf32>
    %sub3A_838 = arith.subf %sub3A, %sub3A_837 : vector<8x2048xf32>
    %select_n3A_839 = arith.select %gt3A_835, %sub3A_838, %sub3A : vector<8x2048xi1>, vector<8x2048xf32>
    %get3A_840 = arith.constant 73 : index
    %get3A_841 = arith.constant 0 : index
    %get3A_842 = arith.constant 0 : index
    %get3A_843 = vector.load %arg1[%get3A_840, %get3A_841, %get3A_842] : memref<76x8x2048xf32, #tpu.memory_space<vmem>>, vector<1x8x2048xf32>
    %get3A_844 = vector.shape_cast %get3A_843 : vector<1x8x2048xf32> to vector<8x2048xf32>
    %mul3A_845 = arith.constant 1.5256319 : f32
    %mul3A_846 = vector.broadcast %mul3A_845 : f32 to vector<8x2048xf32>
    %mul3A_847 = arith.mulf %get3A_844, %mul3A_846 : vector<8x2048xf32>
    %add3A_848 = arith.constant 1.5256319 : f32
    %add3A_849 = vector.broadcast %add3A_848 : f32 to vector<8x2048xf32>
    %add3A_850 = arith.addf %mul3A_847, %add3A_849 : vector<8x2048xf32>
    %get3A_851 = arith.constant 74 : index
    %get3A_852 = arith.constant 0 : index
    %get3A_853 = arith.constant 0 : index
    %get3A_854 = vector.load %arg1[%get3A_851, %get3A_852, %get3A_853] : memref<76x8x2048xf32, #tpu.memory_space<vmem>>, vector<1x8x2048xf32>
    %get3A_855 = vector.shape_cast %get3A_854 : vector<1x8x2048xf32> to vector<8x2048xf32>
    %mul3A_856 = arith.constant 1.62856734 : f32
    %mul3A_857 = vector.broadcast %mul3A_856 : f32 to vector<8x2048xf32>
    %mul3A_858 = arith.mulf %get3A_855, %mul3A_857 : vector<8x2048xf32>
    %add3A_859 = arith.constant 1.62856734 : f32
    %add3A_860 = vector.broadcast %add3A_859 : f32 to vector<8x2048xf32>
    %add3A_861 = arith.addf %mul3A_858, %add3A_860 : vector<8x2048xf32>
    %get3A_862 = arith.constant 75 : index
    %get3A_863 = arith.constant 0 : index
    %get3A_864 = arith.constant 0 : index
    %get3A_865 = vector.load %arg1[%get3A_862, %get3A_863, %get3A_864] : memref<76x8x2048xf32, #tpu.memory_space<vmem>>, vector<1x8x2048xf32>
    %get3A_866 = vector.shape_cast %get3A_865 : vector<1x8x2048xf32> to vector<8x2048xf32>
    %mul3A_867 = arith.constant 3.88311648 : f32
    %mul3A_868 = vector.broadcast %mul3A_867 : f32 to vector<8x2048xf32>
    %mul3A_869 = arith.mulf %get3A_866, %mul3A_868 : vector<8x2048xf32>
    %add3A_870 = arith.constant 3.88311648 : f32
    %add3A_871 = vector.broadcast %add3A_870 : f32 to vector<8x2048xf32>
    %add3A_872 = arith.addf %mul3A_869, %add3A_871 : vector<8x2048xf32>
    %div3A_873 = arith.constant 2.000000e+00 : f32
    %div3A_874 = vector.broadcast %div3A_873 : f32 to vector<8x2048xf32>
    %div3A_875 = arith.divf %add3A_850, %div3A_874 : vector<8x2048xf32>
    %sub3A_876 = arith.subf %add3A_531, %div3A_875 : vector<8x2048xf32>
    %div3A_877 = arith.constant 2.000000e+00 : f32
    %div3A_878 = vector.broadcast %div3A_877 : f32 to vector<8x2048xf32>
    %div3A_879 = arith.divf %add3A_872, %div3A_878 : vector<8x2048xf32>
    %sub3A_880 = arith.subf %add3A_547, %div3A_879 : vector<8x2048xf32>
    %div3A_881 = arith.constant 2.000000e+00 : f32
    %div3A_882 = vector.broadcast %div3A_881 : f32 to vector<8x2048xf32>
    %div3A_883 = arith.divf %add3A_850, %div3A_882 : vector<8x2048xf32>
    %add3A_884 = arith.addf %add3A_531, %div3A_883 : vector<8x2048xf32>
    %div3A_885 = arith.constant 2.000000e+00 : f32
    %div3A_886 = vector.broadcast %div3A_885 : f32 to vector<8x2048xf32>
    %div3A_887 = arith.divf %add3A_872, %div3A_886 : vector<8x2048xf32>
    %add3A_888 = arith.addf %add3A_547, %div3A_887 : vector<8x2048xf32>
    %sub3A_889 = arith.subf %add3A_884, %sub3A_876 : vector<8x2048xf32>
    %max3A = arith.constant 0.000000e+00 : f32
    %max3A_890 = vector.broadcast %max3A : f32 to vector<8x2048xf32>
    %max3A_891 = arith.maximumf %sub3A_889, %max3A_890 : vector<8x2048xf32>
    %sub3A_892 = arith.subf %add3A_888, %sub3A_880 : vector<8x2048xf32>
    %max3A_893 = arith.constant 0.000000e+00 : f32
    %max3A_894 = vector.broadcast %max3A_893 : f32 to vector<8x2048xf32>
    %max3A_895 = arith.maximumf %sub3A_892, %max3A_894 : vector<8x2048xf32>
    %mul3A_896 = arith.mulf %max3A_891, %max3A_895 : vector<8x2048xf32>
    %swap3A = arith.constant 0 : index
    %swap3A_897 = arith.constant 0 : index
    %swap3A_898 = arith.constant 0 : index
    %swap3A_899 = vector.load %arg3[%swap3A, %swap3A_897, %swap3A_898] : memref<12x8x2048xf32, #tpu.memory_space<vmem>>, vector<1x8x2048xf32>
    %swap3A_900 = vector.shape_cast %swap3A_899 : vector<1x8x2048xf32> to vector<8x2048xf32>
    %swap3A_901 = vector.shape_cast %add3A_531 : vector<8x2048xf32> to vector<1x8x2048xf32>
    tpu.vector_store %arg3[%swap3A, %swap3A_897, %swap3A_898], %swap3A_901 {strides = array<i32>} : memref<12x8x2048xf32, #tpu.memory_space<vmem>>, vector<1x8x2048xf32>,
    %swap3A_902 = arith.constant 1 : index
    %swap3A_903 = arith.constant 0 : index
    %swap3A_904 = arith.constant 0 : index
    %swap3A_905 = vector.load %arg3[%swap3A_902, %swap3A_903, %swap3A_904] : memref<12x8x2048xf32, #tpu.memory_space<vmem>>, vector<1x8x2048xf32>
    %swap3A_906 = vector.shape_cast %swap3A_905 : vector<1x8x2048xf32> to vector<8x2048xf32>
    %swap3A_907 = vector.shape_cast %add3A_558 : vector<8x2048xf32> to vector<1x8x2048xf32>
    tpu.vector_store %arg3[%swap3A_902, %swap3A_903, %swap3A_904], %swap3A_907 {strides = array<i32>} : memref<12x8x2048xf32, #tpu.memory_space<vmem>>, vector<1x8x2048xf32>,
    %swap3A_908 = arith.constant 2 : index
    %swap3A_909 = arith.constant 0 : index
    %swap3A_910 = arith.constant 0 : index
    %swap3A_911 = vector.load %arg3[%swap3A_908, %swap3A_909, %swap3A_910] : memref<12x8x2048xf32, #tpu.memory_space<vmem>>, vector<1x8x2048xf32>
    %swap3A_912 = vector.shape_cast %swap3A_911 : vector<1x8x2048xf32> to vector<8x2048xf32>
    %swap3A_913 = vector.shape_cast %add3A_547 : vector<8x2048xf32> to vector<1x8x2048xf32>
    tpu.vector_store %arg3[%swap3A_908, %swap3A_909, %swap3A_910], %swap3A_913 {strides = array<i32>} : memref<12x8x2048xf32, #tpu.memory_space<vmem>>, vector<1x8x2048xf32>,
    %swap3A_914 = arith.constant 3 : index
    %swap3A_915 = arith.constant 0 : index
    %swap3A_916 = arith.constant 0 : index
    %swap3A_917 = vector.load %arg3[%swap3A_914, %swap3A_915, %swap3A_916] : memref<12x8x2048xf32, #tpu.memory_space<vmem>>, vector<1x8x2048xf32>
    %swap3A_918 = vector.shape_cast %swap3A_917 : vector<1x8x2048xf32> to vector<8x2048xf32>
    %swap3A_919 = vector.shape_cast %add3A_850 : vector<8x2048xf32> to vector<1x8x2048xf32>
    tpu.vector_store %arg3[%swap3A_914, %swap3A_915, %swap3A_916], %swap3A_919 {strides = array<i32>} : memref<12x8x2048xf32, #tpu.memory_space<vmem>>, vector<1x8x2048xf32>,
    %swap3A_920 = arith.constant 4 : index
    %swap3A_921 = arith.constant 0 : index
    %swap3A_922 = arith.constant 0 : index
    %swap3A_923 = vector.load %arg3[%swap3A_920, %swap3A_921, %swap3A_922] : memref<12x8x2048xf32, #tpu.memory_space<vmem>>, vector<1x8x2048xf32>
    %swap3A_924 = vector.shape_cast %swap3A_923 : vector<1x8x2048xf32> to vector<8x2048xf32>
    %swap3A_925 = vector.shape_cast %add3A_861 : vector<8x2048xf32> to vector<1x8x2048xf32>
    tpu.vector_store %arg3[%swap3A_920, %swap3A_921, %swap3A_922], %swap3A_925 {strides = array<i32>} : memref<12x8x2048xf32, #tpu.memory_space<vmem>>, vector<1x8x2048xf32>,
    %swap3A_926 = arith.constant 5 : index
    %swap3A_927 = arith.constant 0 : index
    %swap3A_928 = arith.constant 0 : index
    %swap3A_929 = vector.load %arg3[%swap3A_926, %swap3A_927, %swap3A_928] : memref<12x8x2048xf32, #tpu.memory_space<vmem>>, vector<1x8x2048xf32>
    %swap3A_930 = vector.shape_cast %swap3A_929 : vector<1x8x2048xf32> to vector<8x2048xf32>
    %swap3A_931 = vector.shape_cast %add3A_872 : vector<8x2048xf32> to vector<1x8x2048xf32>
    tpu.vector_store %arg3[%swap3A_926, %swap3A_927, %swap3A_928], %swap3A_931 {strides = array<i32>} : memref<12x8x2048xf32, #tpu.memory_space<vmem>>, vector<1x8x2048xf32>,
    %swap3A_932 = arith.constant 6 : index
    %swap3A_933 = arith.constant 0 : index
    %swap3A_934 = arith.constant 0 : index
    %swap3A_935 = vector.load %arg3[%swap3A_932, %swap3A_933, %swap3A_934] : memref<12x8x2048xf32, #tpu.memory_space<vmem>>, vector<1x8x2048xf32>
    %swap3A_936 = vector.shape_cast %swap3A_935 : vector<1x8x2048xf32> to vector<8x2048xf32>
    %swap3A_937 = vector.shape_cast %select_n3A_839 : vector<8x2048xf32> to vector<1x8x2048xf32>
    tpu.vector_store %arg3[%swap3A_932, %swap3A_933, %swap3A_934], %swap3A_937 {strides = array<i32>} : memref<12x8x2048xf32, #tpu.memory_space<vmem>>, vector<1x8x2048xf32>,
    %swap3A_938 = arith.constant 7 : index
    %swap3A_939 = arith.constant 0 : index
    %swap3A_940 = arith.constant 0 : index
    %swap3A_941 = vector.load %arg3[%swap3A_938, %swap3A_939, %swap3A_940] : memref<12x8x2048xf32, #tpu.memory_space<vmem>>, vector<1x8x2048xf32>
    %swap3A_942 = vector.shape_cast %swap3A_941 : vector<1x8x2048xf32> to vector<8x2048xf32>
    %swap3A_943 = vector.shape_cast %sub3A_876 : vector<8x2048xf32> to vector<1x8x2048xf32>
    tpu.vector_store %arg3[%swap3A_938, %swap3A_939, %swap3A_940], %swap3A_943 {strides = array<i32>} : memref<12x8x2048xf32, #tpu.memory_space<vmem>>, vector<1x8x2048xf32>,
    %swap3A_944 = arith.constant 8 : index
    %swap3A_945 = arith.constant 0 : index
    %swap3A_946 = arith.constant 0 : index
    %swap3A_947 = vector.load %arg3[%swap3A_944, %swap3A_945, %swap3A_946] : memref<12x8x2048xf32, #tpu.memory_space<vmem>>, vector<1x8x2048xf32>
    %swap3A_948 = vector.shape_cast %swap3A_947 : vector<1x8x2048xf32> to vector<8x2048xf32>
    %swap3A_949 = vector.shape_cast %sub3A_880 : vector<8x2048xf32> to vector<1x8x2048xf32>
    tpu.vector_store %arg3[%swap3A_944, %swap3A_945, %swap3A_946], %swap3A_949 {strides = array<i32>} : memref<12x8x2048xf32, #tpu.memory_space<vmem>>, vector<1x8x2048xf32>,
    %swap3A_950 = arith.constant 9 : index
    %swap3A_951 = arith.constant 0 : index
    %swap3A_952 = arith.constant 0 : index
    %swap3A_953 = vector.load %arg3[%swap3A_950, %swap3A_951, %swap3A_952] : memref<12x8x2048xf32, #tpu.memory_space<vmem>>, vector<1x8x2048xf32>
    %swap3A_954 = vector.shape_cast %swap3A_953 : vector<1x8x2048xf32> to vector<8x2048xf32>
    %swap3A_955 = vector.shape_cast %add3A_884 : vector<8x2048xf32> to vector<1x8x2048xf32>
    tpu.vector_store %arg3[%swap3A_950, %swap3A_951, %swap3A_952], %swap3A_955 {strides = array<i32>} : memref<12x8x2048xf32, #tpu.memory_space<vmem>>, vector<1x8x2048xf32>,
    %swap3A_956 = arith.constant 10 : index
    %swap3A_957 = arith.constant 0 : index
    %swap3A_958 = arith.constant 0 : index
    %swap3A_959 = vector.load %arg3[%swap3A_956, %swap3A_957, %swap3A_958] : memref<12x8x2048xf32, #tpu.memory_space<vmem>>, vector<1x8x2048xf32>
    %swap3A_960 = vector.shape_cast %swap3A_959 : vector<1x8x2048xf32> to vector<8x2048xf32>
    %swap3A_961 = vector.shape_cast %add3A_888 : vector<8x2048xf32> to vector<1x8x2048xf32>
    tpu.vector_store %arg3[%swap3A_956, %swap3A_957, %swap3A_958], %swap3A_961 {strides = array<i32>} : memref<12x8x2048xf32, #tpu.memory_space<vmem>>, vector<1x8x2048xf32>,
    %swap3A_962 = arith.constant 11 : index
    %swap3A_963 = arith.constant 0 : index
    %swap3A_964 = arith.constant 0 : index
    %swap3A_965 = vector.load %arg3[%swap3A_962, %swap3A_963, %swap3A_964] : memref<12x8x2048xf32, #tpu.memory_space<vmem>>, vector<1x8x2048xf32>
    %swap3A_966 = vector.shape_cast %swap3A_965 : vector<1x8x2048xf32> to vector<8x2048xf32>
    %swap3A_967 = vector.shape_cast %mul3A_896 : vector<8x2048xf32> to vector<1x8x2048xf32>
    tpu.vector_store %arg3[%swap3A_962, %swap3A_963, %swap3A_964], %swap3A_967 {strides = array<i32>} : memref<12x8x2048xf32, #tpu.memory_space<vmem>>, vector<1x8x2048xf32>,
    return
  }
  func.func @transform_0(%arg0: i32) -> (i32, i32, i32) {
    %c0_i32 = arith.constant 0 : i32
    %c0_i32_0 = arith.constant 0 : i32
    %c0_i32_1 = arith.constant 0 : i32
    return %c0_i32, %c0_i32_0, %arg0 : i32, i32, i32
  }
  func.func @transform_1(%arg0: i32) -> (i32, i32, i32) {
    %c0_i32 = arith.constant 0 : i32
    %c0_i32_0 = arith.constant 0 : i32
    %c0_i32_1 = arith.constant 0 : i32
    return %c0_i32, %c0_i32_0, %arg0 : i32, i32, i32
  }
  func.func @transform_2(%arg0: i32) -> (i32, i32, i32) {
    %c0_i32 = arith.constant 0 : i32
    %c0_i32_0 = arith.constant 0 : i32
    %c0_i32_1 = arith.constant 0 : i32
    return %c0_i32, %c0_i32_0, %arg0 : i32, i32, i32
  }
}

</mosaic_0001>

<sc_bundles>
// kernel: kernel.4.cloned.1.call-start
scs
__scs_entry_jumppad:
0x0: {  	(pc) =	sbr.rel $0x88, $3  }
0x1: {  	(tag) =	ssettag $0x0;
	lr =	simm.s32 $0x1  }
0x2: {  	[smem:$0x3F9E] =	sst lr;
	_ =	strace $0xD0000000  }
0x3: {  	_ = 	snop  }
0x4: {  	_ = 	snop  }
0x5: {  	_ = 	snop  }
0x6: {  	_ = 	snop  }
0x7: {  	_ = 	snop  }
__scs_overlays_trampoline_lowered:
0x8: {  	[smem:$0x3FAD] =	sst s0  }
0x9: {  	[smem:$0x3FAE] =	sst s1  }
0xa: {  	[smem:$0x3FAF] =	sst s2  }
0xb: {  	[smem:$0x3FB0] =	sst s3  }
0xc: {  	[smem:$0x3FB1] =	sst s4  }
0xd: {  	[smem:$0x3FB2] =	sst s5  }
0xe: {  	[smem:$0x3FB3] =	sst s6  }
0xf: {  	[smem:$0x3FB4] =	sst s7  }
0x10: {  	[smem:$0x3FB5] =	sst s8  }
0x11: {  	[smem:$0x3FB6] =	sst s9;
	s0 =	simm.s32 @!p0 $0x0  }
0x12: {  	s1 =	sld [smem:$0x3F9C];
	s0 =	simm.s32 @p0 $0x1  }
0x13: {  	[smem:$0x3FB7] =	sst s0;
	s0 =	simm.s32 @!p1 $0x0  }
0x14: {  	s2 =	sld [smem:$0x3F9B];
	s0 =	simm.s32 @p1 $0x1  }
0x15: {  	[smem:$0x3FB8] =	sst s0;
	s0 =	simm.s32 @!p2 $0x0  }
0x16: {  	s3 =	sld [smem:$0x3FDB];
	s0 =	simm.s32 @p2 $0x1  }
0x17: {  	s4 =	simm.s32 $0x1BF5;
	[smem:$0x3FBA] =	sst s0  }
0x18: {  	s0 =	sld [smem:$0x3F9D];
	_ =	swait.ge [sflag:s4], $0x0  }
0x19: {  	s7 =	sld [smem:$0x3F9E]  }
0x1a: {  	s8 =	sadd.s32 $0xFFFFE003, lr  }
0x1b: {  	s9 =	sadd.s32 $0xFFFFFEF7, lr;
	s5 =	simm.s32 $0xFFFFFFFF;
	p2 =	slt.u32 s8, $0xFFFFF086  }
0x1c: {  	p1 =	slt.u32 s9, $0xF7A;
	s5 =	simm.s32 @!p2 $0x0  }
0x1d: {  	s5 =	simm.s32 @p1 $0x1;
	p0 =	seq.s32 s7, s2  }
0x1e: {  	s7 =	smul.u32 @!p0 $0xF7A, s2;
	p2 =	seq.s32 @!p0 s5, $0x0  }
0x1f: {  	s9 =	smul.u32 $0xF7A, s1;
	s8 =	simm.s32 @!p0 $0x1BF5;
	p2 =	por !p2, p0  }
0x20: {  	[sflag:s8] =	ssyncset.s32 @!p0 $0xFFFFF086;
	s6 =	sadd.s32 @!p0 s3, s7;
	s7 =	simm.s32 @!p0 $0x108  }
0x21: {  	s3 =	sadd.s32 s3, s9;
	s6 =	sadd.s32 @!p0 $0x88, s6;
	s7 =	simm.s32 @p2 $0x1082  }
0x22: {  	[simem:s7], [sflag:s8] =	dma.local @!p0 [hbm:s6], $0xF7A  }
0x23: {  	s9 =	sor.u32 $0xD0000000, s2;
	s6 =	simm.s32 $0x108;
	_ =	swait.ge @!p0 [sflag:s8], $0x0  }
0x24: {  	s3 =	sadd.s32 $0x88, s3;
	s6 =	simm.s32 @!p1 $0x1082;
	[sflag:s4] =	ssyncset.s32 $0xFFFFF086  }
0x25: {  	[simem:s6], [sflag:s4] =	dma.local [hbm:s3], $0xF7A  }
0x26: {  	[smem:$0x3F9E] =	sst s1;
	(tag) =	ssettag s2;
	_ =	strace s9  }
0x27: {  	s1 =	sld [smem:$0x3FAE]  }
0x28: {  	s2 =	sld [smem:$0x3FAF]  }
0x29: {  	s4 =	sld [smem:$0x3FB1]  }
0x2a: {  	p0 =	seq.s32 s5, $0x0;
	s5 =	sld [smem:$0x3FB2]  }
0x2b: {  	s6 =	sld [smem:$0x3FB3]  }
0x2c: {  	s7 =	sld [smem:$0x3FB4]  }
0x2d: {  	s3 =	simm.s32 $0x108;
	s8 =	sld [smem:$0x3FB5]  }
0x2e: {  	s3 =	simm.s32 @!p0 $0x1082;
	s9 =	sld [smem:$0x3FB6]  }
0x2f: {  	lr =	sadd.s32 s0, s3;
	s0 =	sld [smem:$0x3FAD]  }
0x30: {  	s3 =	sld [smem:$0x3FB0]  }
0x31: {  	[smem:$0x3FB9] =	sst s10  }
0x32: {  	s10 =	sld [smem:$0x3FB7];
	_ =	sdelay $0x3  }
0x33: {  	p0 =	seq.s32 s10, $0x1;
	s10 =	sld [smem:$0x3FB9];
	_ =	sdelay $0x3  }
0x34: {  	[smem:$0x3FB9] =	sst s10  }
0x35: {  	s10 =	sld [smem:$0x3FB8];
	_ =	sdelay $0x3  }
0x36: {  	p1 =	seq.s32 s10, $0x1;
	s10 =	sld [smem:$0x3FB9];
	_ =	sdelay $0x3  }
0x37: {  	[smem:$0x3FB9] =	sst s10  }
0x38: {  	s10 =	sld [smem:$0x3FBA]  }
0x39: {  	_ = 	snop;
	(pc) =	sbr.ind lr, $3  }
0x3a: {  	_ = 	snop  }
0x3b: {  	_ = 	snop  }
0x3c: {  	p2 =	seq.s32 s10, $0x1;
	s10 =	sld [smem:$0x3FB9]  }
0x3d: {  	_ =	shalt  }
0x3e: {  	_ =	shalt  }
0x3f: {  	_ =	shalt  }
0x40: {  	_ =	shalt  }
0x41: {  	_ =	shalt  }
0x42: {  	_ =	shalt  }
0x43: {  	_ =	shalt  }
0x44: {  	_ =	shalt  }
0x45: {  	_ =	shalt  }
0x46: {  	_ =	shalt  }
0x47: {  	_ =	shalt  }
0x48: {  	_ =	shalt  }
0x49: {  	_ =	shalt  }
0x4a: {  	_ =	shalt  }
0x4b: {  	_ =	shalt  }
0x4c: {  	_ =	shalt  }
0x4d: {  	_ =	shalt  }
0x4e: {  	_ =	shalt  }
0x4f: {  	_ =	shalt  }
0x50: {  	_ =	shalt  }
0x51: {  	_ =	shalt  }
0x52: {  	_ =	shalt  }
0x53: {  	_ =	shalt  }
0x54: {  	_ =	shalt  }
0x55: {  	_ =	shalt  }
0x56: {  	_ =	shalt  }
0x57: {  	_ =	shalt  }
0x58: {  	_ =	shalt  }
0x59: {  	_ =	shalt  }
0x5a: {  	_ =	shalt  }
0x5b: {  	_ =	shalt  }
0x5c: {  	_ =	shalt  }
0x5d: {  	_ =	shalt  }
0x5e: {  	_ =	shalt  }
0x5f: {  	_ =	shalt  }
0x60: {  	_ =	shalt  }
0x61: {  	_ =	shalt  }
0x62: {  	_ =	shalt  }
0x63: {  	_ =	shalt  }
0x64: {  	_ =	shalt  }
0x65: {  	_ =	shalt  }
0x66: {  	_ =	shalt  }
0x67: {  	_ =	shalt  }
0x68: {  	_ =	shalt  }
0x69: {  	_ =	shalt  }
0x6a: {  	_ =	shalt  }
0x6b: {  	_ =	shalt  }
0x6c: {  	_ =	shalt  }
0x6d: {  	_ =	shalt  }
0x6e: {  	_ =	shalt  }
0x6f: {  	_ =	shalt  }
0x70: {  	_ =	shalt  }
0x71: {  	_ =	shalt  }
0x72: {  	_ =	shalt  }
0x73: {  	_ =	shalt  }
0x74: {  	_ =	shalt  }
0x75: {  	_ =	shalt  }
0x76: {  	_ =	shalt  }
0x77: {  	_ =	shalt  }
0x78: {  	_ =	shalt  }
0x79: {  	_ =	shalt  }
0x7a: {  	_ =	shalt  }
0x7b: {  	_ =	shalt  }
0x7c: {  	_ =	shalt  }
0x7d: {  	_ =	shalt  }
0x7e: {  	_ =	shalt  }
0x7f: {  	_ =	shalt  }
0x80: {  	_ =	shalt  }
0x81: {  	_ =	shalt  }
0x82: {  	_ =	shalt  }
0x83: {  	_ =	shalt  }
0x84: {  	_ =	shalt  }
0x85: {  	_ =	shalt  }
0x86: {  	_ =	shalt  }
0x87: {  	_ =	shalt  }
.Lfunc_end0:
.L_simem_size_0:
called_computation_lowered:
.L_overlay_start_0:
0x88: {  	s0 =	sld [smem:$0x3FD9]  }
0x89: {  	s1 =	sld [smem:$0x3FFE];
	_ =	sdelay $0x3  }
0x8a: {  	s0 =	sadd.s32 s1, s0  }
0x8b: {  	[smem:$0x3FC5] =	sst s0  }
0x8c: {  	_ = 	snop  }
0x8d: {  	s0 =	sld [smem:$0x3FD0];
	_ =	sdelay $0x2  }
0x8e: {  	s2 =	simm.s32 $0xA;
	s3 =	simm.s32 $0x10;
	s13 =	sld [smem:$0x3FC9]  }
0x8f: {  	[smem:s3], [sflag:s2] =	dma.local [hbm:s0], $0x1  }
0x90: {  	_ =	swait.eq [sflag:s2], $0x1  }
0x91: {  	[sflag:s2] =	ssyncset.done $0x0  }
0x92: {  	[sflag:s2] =	ssyncadd.s32 $0xFFFFFFFF  }
0x93: {  	s14 =	sld [smem:$0x11];
	(tm) =	ssettm $0x1  }
0x94: {  	s15 =	sld [smem:$0x3FFB];
	_ =	sdelay $0x3  }
0x95: {  	_ =	strace s15  }
0x96: {  	s2 =	sld [smem:$0x3FFC];
	_ =	sdelay $0x3  }
0x97: {  	_ =	strace s2  }
0x98: {  	s2 =	sld [smem:$0x3FFD];
	_ =	sdelay $0x3  }
0x99: {  	_ =	strace s2  }
0x9a: {  	_ =	strace $0x8FFFFFFF  }
0x9b: {  	s16 =	sld [smem:$0x3FDB];
	_ =	sdelay $0x1  }
0x9c: {  	s17 =	simm.s32 $_scs_section_size  }
0x9d: {  	s4 =	simm.s32 $_size__tile_overlayer_lowered;
	s5 =	simm.s32 $_tile_overlayer_lowered  }
0x9e: {  	s20 =	simm.s32 $0x1BFF;
	s19 =	sshll.u32 s5, $0x1;
	s2 =	sadd.s32 s17, s16  }
0x9f: {  	s6 =	simm.s32 $0x0;
	s18 =	sshll.u32 s4, $0x1;
	s4 =	sadd.s32 s19, s2  }
0xa0: {  	[timem:s6], [sflag:s20] =	dma.local [hbm:s4], s18  }
0xa1: {  	_ =	swait.ge [sflag:s20], s18  }
0xa2: {  	s3 =	ssub.s32 $0x0, s18;
	[sflag:s20] =	ssyncset.done $0x0  }
0xa3: {  	[sflag:s20] =	ssyncadd.s32 s3;
	_ =	sdelay $0x1  }
0xa4: {  	s21 =	simm.s32 $0x1B8B  }
0xa5: {  	_ =	swait.ge [sflag:s21], $0x1  }
0xa6: {  	[sflag:s21] =	ssyncset.done $0x0  }
0xa7: {  	s23 =	simm.s32 $0x1B8E;
	s22 =	sld [smem:$0x3FFE];
	[sflag:s21] =	ssyncadd.s32 $0xFFFFFFFF  }
0xa8: {  	s24 =	simm.s32 $execute0_lowered;
	[smem:$0x3FD2] =	sst s23  }
0xa9: {  	s4 =	sshll.u32 s24, $0x1;
	_ =	strace $0x80000046;
	[dreg:$0x1] =	wrdreg $0xFFFFFFFF  }
0xaa: {  	s25 =	simm.s32 $_size_execute0_lowered;
	s2 =	sadd.s32 s2, s4;
	[dreg:$0x0] =	wrdreg $0x0  }
0xab: {  	s4 =	sshll.u32 s25, $0x1;
	[dreg:$0x2] =	wrdreg s2  }
0xac: {  	[dreg:$0x3] =	wrdreg s4  }
0xad: {  	[dreg:$0x4] =	wrdreg $0xC0  }
0xae: {  	_ =	task [dreg:s6], $0x5FFFF  }
0xaf: {  	[dreg:$0x1] =	wrdreg $0xFFFFFFFF  }
0xb0: {  	[dreg:$0x0] =	wrdreg $0x60  }
0xb1: {  	[dreg:$0x2] =	wrdreg s22  }
0xb2: {  	[dreg:$0x3] =	wrdreg s13  }
0xb3: {  	[dreg:$0x4] =	wrdreg s14  }
0xb4: {  	[dreg:$0x5] =	wrdreg $0x9  }
0xb5: {  	_ =	task.clear_ibuf [dreg:s6], $0x6FFFF;
	_ =	strace $0x90000046  }
0xb6: {  	s26 =	simm.s32 $0x9;
	_ =	strace $0x80000048  }
0xb7: {  	_ =	swait.ge [sflag:s26], $0x1  }
0xb8: {  	[sflag:s26] =	ssyncadd.s32 $0xFFFFFFFF  }
0xb9: {  	_ =	strace $0x90000048  }
0xba: {  	_ =	sfence  }
0xbb: {  	s28 =	sld [smem:$0x0];
	_ =	sdelay $0x1  }
0xbc: {  	s29 =	srdreg.scid  }
0xbd: {  	s30 =	sshll.u32 s29, $0xD;
	s31 =	sshrl.u32 s29, $0x2  }
0xbe: {  	s1 =	sand.u32 $0x1, s29;
	s2 =	sand.u32 $0x4000, s30;
	s0 =	sadd.s32 s31, s28  }
0xbf: {  	s1 =	sor.u32 s2, s1;
	s0 =	sshll.u32 s0, $0x11  }
0xc0: {  	s0 =	sor.u32 s0, s1  }
0xc1: {  	s0 =	sadd.s32 $0x8F2B, s0  }
0xc2: {  	[sflag:s0] =	ssyncadd.remote.s32 $0x1  }
0xc3: {  	_ =	sfence.sel $0xFFFF  }
0xc4: {  	[dreg:$0x0] =	wrdreg $0xFFFFFFFF;
	(pc) =	sbr.abs _section_cstart, $3  }
0xc5: {  	[dreg:$0x1] =	wrdreg $0xFFFFFFFF  }
0xc6: {  	_ =	task.clear_ibuf [dreg:s6], $0x2FFFF;
	_ =	strace $0x9FFFFFFF  }
0xc7: {  	(tm) =	ssettm $0x7FFFFFFF  }
tec
execute0_lowered:
.L_overlay_start_1:
0x0: {  	(tag) =	ssettag $0x1  }
0x1: {  	s1 =	stileid.u32  }
0x2: {  	p0 =	sgt.u32 s1, $0x3  }
.Ltmp0:
0x3: {  	s2 =	rddreg [dreg:$0x0];
	(pc) =	sbr.rel @p0 .LBB2_19-.Ltmp0, $4  }
0x4: {  	s4 =	rddreg [dreg:$0x1]  }
0x5: {  	s3 =	rddreg [dreg:$0x2];
	s11 =	simm.s32 $0x0  }
0x6: {  	[smem:$0x7FF] =	sst s11  }
0x7: {  	s0 =	rddreg [dreg:$0x3];
	_ =	strace $0x80000047  }
0x8: {  	s5 =	sshll.u32 s1, $0xB  }
0x9: {  	s19 =	simm.s32 $0x1;
	s4 =	sadd.s32 s4, s5  }
0xa: {  	[tilespmem:s11], [sflag:$0x1] =	stream.linear.gather [hbm4b:s4+s11], $0x4000, $0x38;
	[tilespmem:$0x1E080] =	vst v63  }
0xb: {  	s6 =	sadd.s32 $0xA00, s2;
	_ =	swait.ge [sflag:s19], $0x4000  }
0xc: {  	s7 =	sadd.s32 s5, s6;
	[sflag:s19] =	ssyncset.done $0x0  }
0xd: {  	s9 =	simm.s32 $0x4000;
	s8 =	sadd.s32 $0xE000, s7;
	[sflag:s19] =	ssyncadd.s32 $0xFFFFC000  }
0xe: {  	[tilespmem:s9], [sflag:$0x1] =	stream.linear.gather [hbm4b:s8+s11], $0x4000, $0x38;
	[tilespmem:$0x1E080] =	vst v63  }
0xf: {  	_ =	swait.ge [sflag:s19], $0x4000  }
0x10: {  	[sflag:s19] =	ssyncset.done $0x0  }
0x11: {  	s21 =	simm.s32 $0x8000;
	s20 =	sadd.s32 $0x10000, s7;
	[sflag:s19] =	ssyncadd.s32 $0xFFFFC000  }
0x12: {  	[tilespmem:s21], [sflag:$0x1] =	stream.linear.gather [hbm4b:s20+s11], $0x4000, $0x38;
	[tilespmem:$0x1E080] =	vst v63  }
0x13: {  	_ =	swait.ge [sflag:s19], $0x4000  }
0x14: {  	[sflag:s19] =	ssyncset.done $0x0  }
0x15: {  	s23 =	simm.s32 $0xC000;
	s22 =	sadd.s32 $0x12000, s7;
	[sflag:s19] =	ssyncadd.s32 $0xFFFFC000  }
0x16: {  	[tilespmem:s23], [sflag:$0x1] =	stream.linear.gather [hbm4b:s22+s11], $0x4000, $0x38;
	[tilespmem:$0x1E080] =	vst v63  }
0x17: {  	_ =	swait.ge [sflag:s19], $0x4000  }
0x18: {  	[sflag:s19] =	ssyncset.done $0x0  }
0x19: {  	s24 =	simm.s32 $0x10000;
	s7 =	sadd.s32 $0x14000, s7;
	[sflag:s19] =	ssyncadd.s32 $0xFFFFC000  }
0x1a: {  	[tilespmem:s24], [sflag:$0x1] =	stream.linear.gather [hbm4b:s7+s11], $0x4000, $0x38;
	[tilespmem:$0x1E080] =	vst v63  }
0x1b: {  	_ =	swait.ge [sflag:s19], $0x4000  }
0x1c: {  	[sflag:s19] =	ssyncset.done $0x0  }
0x1d: {  	s25 =	simm.s32 $0x40;
	[sflag:s19] =	ssyncadd.s32 $0xFFFFC000  }
0x1e: {  	v0 =	vld [tilespmem:s25+$0xFFFFFFD0]  }
0x1f: {  	v1 =	vld [tilespmem:s25+$0xFFFFFFC0]  }
0x20: {  	v2 =	vld [tilespmem:s25+$0xFFFFFFE0]  }
0x21: {  	v3 =	vld [tilespmem:s25+$0xFFFFFFF0]  }
0x22: {  	v4 =	vld [tilespmem:s25+$0x0]  }
0x23: {  	v5 =	vld [tilespmem:s25+$0x10]  }
0x24: {  	v0 =	vmax.f32 v1, v0;
	v1 =	vld [tilespmem:s25+$0x20]  }
0x25: {  	v0 =	vmax.f32 v0, v2;
	v2 =	vld [tilespmem:s25+$0x30]  }
0x26: {  	v0 =	vmax.f32 v0, v3  }
0x27: {  	v0 =	vmax.f32 v0, v4  }
0x28: {  	v0 =	vmax.f32 v0, v5  }
0x29: {  	v0 =	vmax.f32 v0, v1  }
0x2a: {  	v0 =	vmax.f32 v0, v2  }
0x2b: {  	(xrf0) =	vmax.scan.msk.f32 $0xffff, v0;
	_ =	sdelay $0x1  }
0x2c: {  	s26 =	sand.u32 $0x1C0, s11  }
0x2d: {  	s4 =	sshrl.u32 s26, $0x2  }
0x2e: {  	v1 =	vld [tilespmem:s4+$0x1C000];
	_ =	sdelay $0x1  }
0x2f: {  	s28 =	sand.u32 $0xF, s11;
	v2, _, _ =	vpop (xrf0)  }
0x30: {  	v3 =	vmov s28;
	v0 =	vlaneseq.u32;
	v2 =	vbroadcast v2, $0xF  }
0x31: {  	s29 =	sshll.u32 s1, $0x9;
	s30 =	sshll.u32 s1, $0x6;
	s13 =	simm.s32 $0xC0;
	vm0 =	veq.s32 v3, v0  }
0x32: {  	s12 =	simm.s32 $0x1;
	s14 =	simm.s32 $0x2;
	s31 =	sadd.s32 s29, s2;
	v1 =	vsel vm0, v2, v1  }
0x33: {  	s10 =	sadd.s32 s3, s30;
	s2 =	sadd.s32 $0x18A00, s31;
	s9 =	sadd.s32 s6, s5;
	[tilespmem:s4+$0x1C000] =	vst v1  }
0x34: {  	s8 =	sadd.s32 $0x2000, s9;
	s6 =	sadd.s32 $0x6000, s9;
	s5 =	sadd.s32 $0x8000, s9;
	v1 =	vld [tilespmem:s13+$0xFFFFFFD0]  }
0x35: {  	s3 =	sadd.s32 $0xC000, s9;
	s7 =	sadd.s32 $0x4000, s9;
	s4 =	sadd.s32 $0xA000, s9;
	v2 =	vld [tilespmem:s13+$0xFFFFFFC0]  }
.LBB2_2:
0x36: {  	p0 =	sne.s32 s14, $0x7F;
	v3 =	vld [tilespmem:s13+$0xFFFFFFE0]  }
0x37: {  	v4 =	vld [tilespmem:s13+$0xFFFFFFF0]  }
0x38: {  	v5 =	vld [tilespmem:s13+$0x0]  }
0x39: {  	v6 =	vld [tilespmem:s13+$0x10]  }
0x3a: {  	v1 =	vmax.f32 v2, v1;
	v2 =	vld [tilespmem:s13+$0x20]  }
0x3b: {  	v1 =	vmax.f32 v1, v3;
	v3 =	vld [tilespmem:s13+$0x30]  }
0x3c: {  	v1 =	vmax.f32 v1, v4  }
0x3d: {  	v1 =	vmax.f32 v1, v5  }
0x3e: {  	v1 =	vmax.f32 v1, v6  }
0x3f: {  	v1 =	vmax.f32 v1, v2  }
0x40: {  	v1 =	vmax.f32 v1, v3  }
0x41: {  	(xrf0) =	vmax.scan.msk.f32 $0xffff, v1  }
0x42: {  	s11 =	sadd.s32 $0x4, s11  }
0x43: {  	s15 =	sand.u32 $0x1C0, s11  }
0x44: {  	s15 =	sshrl.u32 s15, $0x2  }
0x45: {  	v1 =	vld [tilespmem:s15+$0x1C000];
	_ =	sdelay $0x1  }
0x46: {  	s16 =	sand.u32 $0xF, s12;
	s12 =	smov.u32 s14;
	v2, _, _ =	vpop (xrf0)  }
0x47: {  	v3 =	vmov s16;
	v2 =	vbroadcast v2, $0xF  }
.Ltmp1:
0x48: {  	vm0 =	veq.s32 v3, v0;
	(pc) =	sbr.rel @p0 .LBB2_2-.Ltmp1, $4  }
0x49: {  	v1 =	vsel vm0, v2, v1  }
0x4a: {  	s13 =	sadd.s32 $0x80, s13;
	[tilespmem:s15+$0x1C000] =	vst v1  }
0x4b: {  	v1 =	vld [tilespmem:s13+$0xFFFFFFD0]  }
0x4c: {  	s14 =	sadd.s32 $0x1, s14;
	v2 =	vld [tilespmem:s13+$0xFFFFFFC0]  }
0x4d: {  	v3 =	vld [tilespmem:s13+$0xFFFFFFE0]  }
0x4e: {  	v4 =	vld [tilespmem:s13+$0xFFFFFFF0]  }
0x4f: {  	v5 =	vld [tilespmem:s13+$0x0]  }
0x50: {  	v6 =	vld [tilespmem:s13+$0x10]  }
0x51: {  	v1 =	vmax.f32 v2, v1;
	v2 =	vld [tilespmem:s13+$0x20]  }
0x52: {  	v1 =	vmax.f32 v1, v3;
	v3 =	vld [tilespmem:s13+$0x30]  }
0x53: {  	v1 =	vmax.f32 v1, v4  }
0x54: {  	v1 =	vmax.f32 v1, v5  }
0x55: {  	v1 =	vmax.f32 v1, v6  }
0x56: {  	v1 =	vmax.f32 v1, v2  }
0x57: {  	v1 =	vmax.f32 v1, v3  }
0x58: {  	(xrf0) =	vmax.scan.msk.f32 $0xffff, v1  }
0x59: {  	s11 =	sadd.s32 $0x4, s11  }
0x5a: {  	s11 =	sand.u32 $0x1C0, s11  }
0x5b: {  	s11 =	sshrl.u32 s11, $0x2  }
0x5c: {  	v1 =	vld [tilespmem:s11+$0x1C000];
	_ =	sdelay $0x1  }
0x5d: {  	s12 =	sand.u32 $0xF, s12;
	v2, _, _ =	vpop (xrf0)  }
0x5e: {  	v3 =	vmov s12;
	v2 =	vbroadcast v2, $0xF  }
0x5f: {  	vm0 =	veq.s32 v3, v0  }
0x60: {  	v0 =	vsel vm0, v2, v1  }
0x61: {  	[tilespmem:s11+$0x1C000] =	vst v0;
	v0 =	vimm.f32 $0.0e+00;
	s11 =	simm.s32 $0x0  }
0x62: {  	v1 =	vimm.f32 $1.000000020e+30;
	[tilespmem:s11+$0x1CA80] =	vst v0  }
0x63: {  	[tilespmem:s11+$0x1C080] =	vst v1  }
0x64: {  	v2 =	vimm.f32 $-1.000000020e+30;
	[tilespmem:s11+$0x1C280] =	vst v1  }
0x65: {  	[tilespmem:s11+$0x1C480] =	vst v2  }
0x66: {  	s12 =	simm.s32 $0x40;
	[tilespmem:s11+$0x1C680] =	vst v2  }
.LBB2_4:
0x67: {  	p0 =	sne.s32 s12, $0x7C0;
	[tilespmem:s11+$0x1C880] =	vst v0;
	s11 =	sshra.s32 s12, $0x2;
	s12 =	sadd.s32 $0x40, s12  }
.Ltmp2:
0x68: {  	[tilespmem:s11+$0x1CA80] =	vst v0;
	(pc) =	sbr.rel @p0 .LBB2_4-.Ltmp2, $4  }
0x69: {  	[tilespmem:s11+$0x1C080] =	vst v1  }
0x6a: {  	[tilespmem:s11+$0x1C280] =	vst v1  }
0x6b: {  	[tilespmem:s11+$0x1C480] =	vst v2  }
0x6c: {  	[tilespmem:s11+$0x1C680] =	vst v2  }
0x6d: {  	[tilespmem:s11+$0x1C880] =	vst v0;
	v0 =	vimm.s32 $0x0;
	v1 =	vimm.f32 $0.0e+00;
	s11 =	simm.s32 $0x40;
	s12 =	simm.s32 $0x0  }
.LBB2_6:
0x6e: {  	p0 =	sne.s32 s11, $0x7C0;
	[tilespmem:s12+$0x1CC80] =	vst v0;
	s13 =	smov.u32 s11;
	s11 =	sadd.s32 $0x40, s11  }
.Ltmp3:
0x6f: {  	[tilespmem:s12+$0x1CE80] =	vst v1;
	(pc) =	sbr.rel @p0 .LBB2_6-.Ltmp3, $2  }
0x70: {  	_ =	sdelay $0x2  }
0x71: {  	s12 =	sshra.s32 s13, $0x2  }
0x72: {  	[tilespmem:s12+$0x1CC80] =	vst v0;
	v23 =	vlaneseq.u32  }
0x73: {  	[tilespmem:s12+$0x1CE80] =	vst v1;
	v6 =	vor.u32 $0x80000070, v23  }
0x74: {  	[tilespmem:$0x1FF30] =	vst v6;
	v6 =	vor.u32 $0x80000060, v23  }
0x75: {  	[tilespmem:$0x1FF40] =	vst v6;
	v6 =	vor.u32 $0x80000050, v23  }
0x76: {  	[tilespmem:$0x1FF50] =	vst v6;
	v6 =	vor.u32 $0x80000040, v23  }
0x77: {  	[tilespmem:$0x1FF60] =	vst v6;
	v6 =	vor.u32 $0x80000030, v23  }
0x78: {  	[tilespmem:$0x1FF70] =	vst v6;
	v6 =	vor.u32 $0x80000020, v23  }
0x79: {  	v0 =	vld [tilespmem:$0x1C000];
	[tilespmem:$0x1FF80] =	vst v6;
	v6 =	vor.u32 $0x10, v23  }
0x7a: {  	v1 =	vld [tilespmem:$0x1C010];
	[tilespmem:$0x1FF90] =	vst v6;
	v6 =	vor.u32 $0x20, v23  }
0x7b: {  	v2 =	vld [tilespmem:$0x1C020];
	[tilespmem:$0x1FFA0] =	vst v6;
	v6 =	vor.u32 $0x30, v23  }
.Ltmp4:
0x7c: {  	v3 =	vld [tilespmem:$0x1C030];
	[tilespmem:$0x1FFB0] =	vst v6;
	v6 =	vor.u32 $0x40, v23;
	(pc) =	sbr.rel .LBB2_8-.Ltmp4, $4  }
0x7d: {  	v4 =	vld [tilespmem:$0x1C040];
	[tilespmem:$0x1FFC0] =	vst v6;
	v6 =	vor.u32 $0x50, v23  }
0x7e: {  	v5 =	vld [tilespmem:$0x1C050];
	[tilespmem:$0x1FFD0] =	vst v6;
	v6 =	vor.u32 $0x60, v23  }
0x7f: {  	s12 =	simm.s32 $0x4000;
	s14 =	simm.s32 $0xC000;
	v13 =	vld [tilespmem:$0x1C060];
	[tilespmem:$0x1FFE0] =	vst v6;
	v6 =	vor.u32 $0x70, v23  }
0x80: {  	s11 =	simm.s32 $0x0;
	s13 =	simm.s32 $0x8000;
	s15 =	simm.s32 $0x10000;
	v14 =	vor.u32 $0x80000010, v23;
	v15 =	vor.u32 $0x80000000, v23;
	v17 =	vld [tilespmem:$0x1C070];
	[tilespmem:$0x1FFF0] =	vst v6  }
.LBB2_10:
0x81: {  	v52 =	vimm.f32 $0.0e+00  }
.LBB2_14:
0x82: {  	v7 =	vsub.f32 v37, v34  }
0x83: {  	v8 =	vmul.f32 v61, v53;
	v6 =	vmax.f32 v6, $0.0e+00;
	v9 =	vmin.f32 v20, v26  }
0x84: {  	v10 =	vsub.f32 v54, v45;
	v11 =	vmax.f32 v22, v29;
	v12 =	vadd.f32 v56, v30  }
0x85: {  	v18 =	vmax.f32 v18, $0.0e+00;
	v56 =	vmin.f32 v63, v27;
	v19 =	vmax.f32 v19, v28  }
0x86: {  	v22 =	vmax.f32 v51, v28;
	v61 =	vadd.f32 v47, v30;
	v6 =	vmul.f32 v6, v23  }
0x87: {  	v9 =	vsub.f32 v9, v11;
	v23 =	vmax.f32 v48, v29;
	v22 =	vsub.f32 v58, v22  }
0x88: {  	v11 =	vsub.f32 v56, v19;
	v10 =	vmax.f32 v10, $0.0e+00;
	v7 =	vmax.f32 v7, $9.999999930e-09  }
0x89: {  	v23 =	vsub.f32 v50, v23;
	v20 =	vsub.f32 v49, v6;
	v10 =	vmul.f32 v55, v10  }
0x8a: {  	v12 =	vsub.f32 v12, v36;
	(erf) = vrcp.f32 v7;
	v7 =	vmul.f32 v18, v57  }
0x8b: {  	v19 =	vmax.f32 v22, $0.0e+00;
	v18 =	vmax.f32 v20, $9.999999930e-09;
	v20 =	vmax.f32 v23, $0.0e+00  }
0x8c: {  	v9 =	vmax.f32 v9, $0.0e+00;
	(erf) = vrcp.f32 v18;
	v18 =	vmul.f32 v20, v19  }
0x8d: {  	v11 =	vmax.f32 v11, $0.0e+00;
	v19 =	vsub.f32 v33, v7;
	v20 =	vadd.f32 v46, v30  }
0x8e: {  	v12 =	vmax.f32 v12, $9.999999930e-09;
	v9 =	vmul.f32 v9, v11;
	v22 =	vsub.f32 v40, v18  }
0x8f: {  	(erf) = vrcp.f32 v12;
	v12 =	vmax.f32 v19, $9.999999930e-09;
	v19 =	vsub.f32 v20, v8  }
0x90: {  	v11 =	vsub.f32 v61, v9;
	(erf) = vrcp.f32 v12;
	v20 =	vmax.f32 v22, $9.999999930e-09  }
0x91: {  	v12 =	vsub.f32 v42, v10;
	v19 =	vmax.f32 v19, $9.999999930e-09;
	(erf) = vrcp.f32 v20  }
0x92: {  	v11 =	vmax.f32 v11, $9.999999930e-09;
	(erf) = vrcp.f32 v19  }
0x93: {  	v12 =	vmax.f32 v12, $9.999999930e-09;
	(erf) = vrcp.f32 v11  }
0x94: {  	(erf) = vrcp.f32 v12;
	v12 =	vmul.f32 @p0 v21, v35  }
0x95: {  	v11 =	vmax.f32 @p0 v52, v62  }
0x96: {  	v19 =	vpop (erf);
	v11 =	vmax.f32 @p0 v11, v44  }
0x97: {  	v16 =	vmul.f32 @p0 v16, v38;
	v20 =	vpop (erf);
	v11 =	vmax.f32 @p0 v11, v12  }
0x98: {  	v11 =	vmax.f32 @p0 v11, v41;
	v12 =	vpop (erf)  }
0x99: {  	v11 =	vmax.f32 @p0 v11, v59;
	v21 =	vpop (erf)  }
0x9a: {  	v22 =	vmul.f32 @p0 v60, v39;
	v11 =	vmax.f32 @p0 v11, v43;
	v23 =	vpop (erf)  }
0x9b: {  	v11 =	vmax.f32 @p0 v11, v16;
	v16 =	vpop (erf)  }
0x9c: {  	v7 =	vmul.f32 v21, v7;
	v11 =	vmax.f32 @p0 v11, v22;
	v21 =	vpop (erf)  }
0x9d: {  	v6 =	vmul.f32 v20, v6;
	v11 =	vpsel p0, v11, v32;
	v20 =	vpop (erf)  }
0x9e: {  	v7 =	vmax.f32 v11, v7;
	v10 =	vmul.f32 v20, v10  }
0x9f: {  	v62 =	vmul.f32 v19, v34;
	v6 =	vmax.f32 v7, v6  }
0xa0: {  	v7 =	vmul.f32 v16, v8;
	v6 =	vmax.f32 v6, v10  }
0xa1: {  	v63 =	vmul.f32 v12, v36;
	v6 =	vmax.f32 v6, v62  }
0xa2: {  	v9 =	vmul.f32 v21, v9;
	v6 =	vmax.f32 v6, v7  }
0xa3: {  	v7 =	vmul.f32 v23, v18;
	v6 =	vmax.f32 v6, v63  }
0xa4: {  	v6 =	vmax.f32 v6, v9  }
0xa5: {  	v23 =	vlaneseq.u32;
	v32 =	vmax.f32 v6, v7  }
.LBB2_15:
0xa6: {  	(xrf0) =	vmax.scan.msk.f32 $0xffff, v32;
	_ =	sdelay $0x5  }
0xa7: {  	v6, _, _ =	vpop (xrf0)  }
0xa8: {  	(v2sf) =	vpush v6, $0xF;
	_ =	sdelay $0xe  }
0xa9: {  	s18 =	spop (v2sf)  }
0xaa: {  	p0 =	sgt.f32 s18, $8.500000230e-01  }
0xab: {  	p1 =	sgt.f32 s16, $-Inf  }
0xac: {  	p0 =	por !p0, !p0  }
0xad: {  	p0 =	por !p1, !p0  }
0xae: {  	p0 =	por !p0, !p0  }
0xaf: {  	s18 =	sand.u32 @p0 $0x1F0, s11  }
0xb0: {  	v7 =	vld @p0 [tilespmem:s18+$0x1C280]  }
0xb1: {  	v59 =	vld [tilespmem:$0x1FFA0]  }
0xb2: {  	v60 =	vld [tilespmem:$0x1FFC0];
	s19 =	sand.u32 @p0 $0xF, s11  }
0xb3: {  	v11 =	vlaneseq.u32 @p0;
	v6 =	vld @p0 [tilespmem:s18+$0x1C080];
	v10 =	vmov @p0 s19  }
0xb4: {  	v61 =	vld [tilespmem:$0x1FFD0];
	vm0 =	veq.s32 @p0 v10, v11  }
0xb5: {  	v9 =	vld @p0 [tilespmem:s18+$0x1C680];
	v7 =	vsel @p0 vm0, v29, v7  }
0xb6: {  	[tilespmem:s18+$0x1C280] =	vst @p0 v7;
	v7 =	vld [tilespmem:$0x1FF90]  }
0xb7: {  	v62 =	vld [tilespmem:$0x1FFE0]  }
0xb8: {  	s17 =	sxor.u32 $0x80000000, s17;
	v63 =	vld [tilespmem:$0x1FFF0];
	v6 =	vsel @p0 vm0, v28, v6  }
0xb9: {  	v8 =	vld @p0 [tilespmem:s18+$0x1C480];
	[tilespmem:s18+$0x1C080] =	vst @p0 v6;
	v6 =	vmov s17;
	s17 =	simm.s32 $0x1  }
0xba: {  	v10 =	vld @p0 [tilespmem:s18+$0x1C880];
	s17 =	simm.s32 @!p0 $0x0  }
0xbb: {  	s11 =	sadd.s32 s17, s11;
	vm2 =	veq.s32 v6, v7;
	v7 =	vsel @p0 vm0, v26, v9;
	v9 =	vld @p0 [tilespmem:s18+$0x1CE80]  }
0xbc: {  	p1 =	sgt.u32 s11, $0x1FF;
	[tilespmem:s18+$0x1C680] =	vst @p0 v7;
	v7 =	vld [tilespmem:$0x1FFB0]  }
0xbd: {  	v11 =	vld @p0 [tilespmem:s18+$0x1CA80];
	p2 =	sgt.f32 @!p1 s16, $-Inf  }
0xbe: {  	v12 =	vbroadcast v31, $0xF;
	v16 =	vld @p0 [tilespmem:s18+$0x1CC80];
	v8 =	vsel @p0 vm0, v27, v8;
	vm1 =	veq.s32 v6, v23  }
0xbf: {  	vm10 =	veq.s32 v6, v59;
	vm12 =	veq.s32 v6, v60;
	vm13 =	veq.s32 v6, v61;
	p1 =	por p1, !p2  }
.Ltmp5:
0xc0: {  	[tilespmem:s18+$0x1C480] =	vst @p0 v8;
	vm14 =	veq.s32 v6, v62;
	vm15 =	veq.s32 v6, v63;
	v8 =	vsel @p0 vm0, $0x3F800000, v9;
	(pc) =	sbr.rel @p1 .LBB2_16-.Ltmp5, $4  }
0xc1: {  	v0 =	vsel vm1, v12, v0;
	vm11 =	veq.s32 v6, v7;
	v7 =	vsel @p0 vm0, v30, v10;
	[tilespmem:s18+$0x1CE80] =	vst @p0 v8  }
0xc2: {  	v2 =	vsel vm10, v12, v2;
	v4 =	vsel vm12, v12, v4;
	[tilespmem:s18+$0x1C880] =	vst @p0 v7;
	v7 =	vsel @p0 vm0, v24, v11  }
0xc3: {  	v5 =	vsel vm13, v12, v5;
	v13 =	vsel vm14, v12, v13;
	[tilespmem:s18+$0x1CA80] =	vst @p0 v7;
	v7 =	vsel @p0 vm0, v25, v16  }
0xc4: {  	v17 =	vsel vm15, v12, v17;
	v1 =	vsel vm2, v12, v1;
	v3 =	vsel vm11, v12, v3;
	[tilespmem:s18+$0x1CC80] =	vst @p0 v7  }
.LBB2_8:
0xc5: {  	v6 =	vmax.f32 v0, v1  }
0xc6: {  	v6 =	vmax.f32 v6, v2  }
0xc7: {  	v6 =	vmax.f32 v6, v3  }
0xc8: {  	v6 =	vmax.f32 v6, v4  }
0xc9: {  	v6 =	vmax.f32 v6, v5  }
0xca: {  	v6 =	vmax.f32 v6, v13  }
0xcb: {  	v6 =	vmax.f32 v6, v17  }
0xcc: {  	(xrf0) =	vmax.scan.msk.f32 $0xffff, v6;
	_ =	sdelay $0x4  }
0xcd: {  	v7 =	vld [tilespmem:$0x1FF30]  }
0xce: {  	v8 =	vld [tilespmem:$0x1FF40];
	v6, _, _ =	vpop (xrf0)  }
0xcf: {  	v9 =	vld [tilespmem:$0x1FF50];
	v24 =	vbroadcast v6, $0xF  }
0xd0: {  	v10 =	vld [tilespmem:$0x1FF60]  }
0xd1: {  	v11 =	vld [tilespmem:$0x1FF70];
	vm0 =	veq.f32 v17, v24  }
0xd2: {  	v12 =	vld [tilespmem:$0x1FF80];
	vm1 =	veq.f32 v13, v24;
	v16 =	vnsel vm0, $0xC0000000, v7  }
0xd3: {  	vm13 =	veq.f32 v5, v24;
	v16 =	vsel vm1, v8, v16  }
0xd4: {  	vm14 =	veq.f32 v4, v24;
	v16 =	vsel vm13, v9, v16  }
0xd5: {  	vm15 =	veq.f32 v3, v24;
	v16 =	vsel vm14, v10, v16  }
0xd6: {  	vm4 =	veq.f32 v2, v24;
	v16 =	vsel vm15, v11, v16  }
0xd7: {  	vm5 =	veq.f32 v1, v24;
	v16 =	vsel vm4, v12, v16  }
0xd8: {  	vm6 =	veq.f32 v0, v24;
	v16 =	vsel vm5, v14, v16  }
0xd9: {  	v16 =	vsel vm6, v15, v16  }
0xda: {  	(xrf0) =	vmin.scan.msk.u32 $0xffff, v16;
	_ =	sdelay $0x5  }
0xdb: {  	(v2sf) =	vpush v6, $0xF;
	v6, _, _ =	vpop (xrf0)  }
0xdc: {  	(v2sf) =	vpush v6, $0xF;
	_ =	sdelay $0xd  }
0xdd: {  	s16 =	spop (v2sf)  }
0xde: {  	s17 =	spop (v2sf)  }
0xdf: {  	s18 =	sshll.u32 s17, $0x7  }
0xe0: {  	v6 =	vld [tilespmem:s18+$0x70]  }
0xe1: {  	v16 =	vld [tilespmem:s18+$0x60]  }
0xe2: {  	v18 =	vld [tilespmem:s18+$0x50]  }
0xe3: {  	v19 =	vld [tilespmem:s18+$0x40]  }
0xe4: {  	v20 =	vld [tilespmem:s18+$0x30]  }
0xe5: {  	v21 =	vld [tilespmem:s18+$0x20];
	vm7 =	veq.f32 v6, v24  }
0xe6: {  	v6 =	vld [tilespmem:s18+$0x10];
	vm8 =	veq.f32 v16, v24;
	v16 =	vnsel vm7, $0xC0000000, v7  }
0xe7: {  	v22 =	vld [tilespmem:s18+$0x0];
	vm9 =	veq.f32 v18, v24;
	v16 =	vsel vm8, v8, v16  }
0xe8: {  	vm10 =	veq.f32 v19, v24;
	v16 =	vsel vm9, v9, v16  }
0xe9: {  	vm11 =	veq.f32 v20, v24;
	v16 =	vsel vm10, v10, v16  }
0xea: {  	vm12 =	veq.f32 v21, v24;
	v16 =	vsel vm11, v11, v16  }
0xeb: {  	vm13 =	veq.f32 v6, v24;
	v6 =	vsel vm12, v12, v16  }
0xec: {  	vm14 =	veq.f32 v22, v24;
	v6 =	vsel vm13, v14, v6  }
0xed: {  	v6 =	vsel vm14, v15, v6  }
0xee: {  	(xrf0) =	vmin.scan.msk.u32 $0xffff, v6;
	_ =	sdelay $0x5  }
0xef: {  	v6, _, _ =	vpop (xrf0)  }
0xf0: {  	(v2sf) =	vpush v6, $0xF;
	_ =	sdelay $0xe  }
0xf1: {  	s19 =	spop (v2sf)  }
0xf2: {  	s19 =	sadd.s32 s19, s18  }
0xf3: {  	s19 =	sadd.s32 $0x80000000, s19  }
0xf4: {  	s20 =	sshra.s32 s19, $0x1F  }
0xf5: {  	s20 =	sshrl.u32 s20, $0x1C  }
0xf6: {  	s20 =	sadd.s32 s20, s19  }
0xf7: {  	s21 =	sand.u32 $0xFFFFFFF0, s20  }
0xf8: {  	p0 =	slt.s32 s19, $0x1;
	p1 =	sne.s32 s19, s21  }
0xf9: {  	p0 =	por !p0, !p1  }
0xfa: {  	s21 =	simm.s32 $0x1;
	p0 =	por !p0, !p0  }
0xfb: {  	s20 =	sshrl.u32 s20, $0x4;
	s21 =	simm.s32 @!p0 $0x0  }
0xfc: {  	s20 =	ssub.s32 s20, s21  }
0xfd: {  	v25 =	vmov s19;
	s20 =	sshll.u32 s20, $0x6  }
0xfe: {  	s20 =	sshra.s32 s20, $0x2  }
0xff: {  	v6 =	vld [tilespmem:s20+$0x0];
	_ =	sdelay $0x1  }
0x100: {  	s19 =	sand.u32 $0xF, s19  }
0x101: {  	v28 =	vld.idx.msk [tilespmem:v25+s12+$0x0], $0xffff;
	v16 =	vmov s19  }
0x102: {  	v29 =	vld.idx.msk [tilespmem:v25+s13+$0x0], $0xffff;
	vm15 =	veq.s32 v16, v23  }
0x103: {  	v27 =	vld.idx.msk [tilespmem:v25+s14+$0x0], $0xffff;
	v6 =	vsel vm15, $0xFF800000, v6  }
0x104: {  	v26 =	vld.idx.msk [tilespmem:v25+s15+$0x0], $0xffff;
	[tilespmem:s20+$0x0] =	vst v6  }
0x105: {  	v6 =	vld [tilespmem:s18+$0x0]  }
0x106: {  	v16 =	vld [tilespmem:s18+$0x10]  }
0x107: {  	v18 =	vld [tilespmem:s18+$0x20]  }
0x108: {  	v19 =	vld [tilespmem:s18+$0x30]  }
0x109: {  	v20 =	vld [tilespmem:s18+$0x40]  }
0x10a: {  	v21 =	vld [tilespmem:s18+$0x50]  }
0x10b: {  	v6 =	vmax.f32 v6, v16;
	v16 =	vld [tilespmem:s18+$0x60]  }
0x10c: {  	v6 =	vmax.f32 v6, v18;
	v18 =	vld [tilespmem:s18+$0x70]  }
0x10d: {  	v6 =	vmax.f32 v6, v19  }
0x10e: {  	v6 =	vmax.f32 v6, v20  }
0x10f: {  	v6 =	vmax.f32 v6, v21  }
0x110: {  	v6 =	vmax.f32 v6, v16  }
0x111: {  	s31 =	sadd.s32 $0x7F, s11;
	v6 =	vmax.f32 v6, v18  }
0x112: {  	s18 =	sshrl.u32 s31, $0x7;
	(xrf0) =	vmax.scan.msk.f32 $0xffff, v6  }
0x113: {  	p0 =	seq.s32 s18, $0x0  }
.Ltmp6:
0x114: {  	_ = 	snop;
	(pc) =	sbr.rel @p0 .LBB2_15-.Ltmp6, $3  }
0x115: {  	v16 =	vsub.f32 v26, v29;
	v6 =	vsub.f32 v27, v28;
	_ =	sdelay $0x1  }
0x116: {  	v16 =	vmax.f32 v16, $0.0e+00;
	v6 =	vmax.f32 v6, $0.0e+00  }
0x117: {  	v32 =	vimm.f32 $0.0e+00;
	v30 =	vmul.f32 v16, v6;
	v31, _, _ =	vpop (xrf0)  }
0x118: {  	s19 =	simm.s32 $0x1C2C0  }
0x119: {  	v6 =	vld [tilespmem:s19+$0xFFFFFFE0]  }
0x11a: {  	s21 =	simm.s32 $0x1C4C0;
	v16 =	vld [tilespmem:s19+$0x10]  }
0x11b: {  	s22 =	simm.s32 $0x1C6C0;
	v18 =	vld [tilespmem:s21+$0x10]  }
0x11c: {  	s23 =	simm.s32 $0x1C8C0;
	v19 =	vld [tilespmem:s22+$0x0]  }
0x11d: {  	v20 =	vld [tilespmem:s23+$0xFFFFFFD0]  }
0x11e: {  	s20 =	simm.s32 $0x1C0C0;
	v21 =	vld [tilespmem:s23+$0xFFFFFFE0]  }
0x11f: {  	v22 =	vld [tilespmem:s20+$0x0]  }
0x120: {  	v23 =	vld [tilespmem:s19+$0x0]  }
0x121: {  	v34 =	vld [tilespmem:s21+$0x0]  }
0x122: {  	v35 =	vld [tilespmem:s22+$0x10]  }
0x123: {  	v33 =	vld [tilespmem:s23+$0xFFFFFFF0]  }
0x124: {  	v36 =	vld [tilespmem:s23+$0xFFFFFFC0]  }
0x125: {  	v38 =	vld [tilespmem:s21+$0xFFFFFFF0]  }
0x126: {  	v39 =	vld [tilespmem:s22+$0xFFFFFFF0]  }
0x127: {  	v40 =	vld [tilespmem:s20+$0xFFFFFFF0]  }
0x128: {  	v41 =	vld [tilespmem:s19+$0xFFFFFFF0]  }
0x129: {  	v42 =	vld [tilespmem:s22+$0xFFFFFFE0]  }
0x12a: {  	v43 =	vld [tilespmem:s20+$0xFFFFFFE0]  }
0x12b: {  	v44 =	vld [tilespmem:s20+$0xFFFFFFD0]  }
0x12c: {  	v46 =	vld [tilespmem:s19+$0xFFFFFFC0]  }
0x12d: {  	v50 =	vld [tilespmem:s21+$0xFFFFFFC0]  }
0x12e: {  	v47 =	vld [tilespmem:s22+$0xFFFFFFC0]  }
0x12f: {  	v48 =	vld [tilespmem:s22+$0xFFFFFFD0];
	v6 =	vmax.f32 v6, v29;
	v37 =	vadd.f32 v33, v30  }
0x130: {  	v62 =	vld [tilespmem:s21+$0xFFFFFFD0];
	v38 =	vmin.f32 v38, v27;
	v40 =	vmax.f32 v40, v28;
	v39 =	vmin.f32 v39, v26  }
0x131: {  	v63 =	vld [tilespmem:s19+$0xFFFFFFD0];
	v33 =	vadd.f32 v36, v30;
	v41 =	vmax.f32 v41, v29;
	v42 =	vmin.f32 v42, v26  }
0x132: {  	v10 =	vld [tilespmem:s20+$0x10];
	v45 =	vmax.f32 v43, v28;
	v43 =	vmin.f32 v34, v27;
	v52 =	vmax.f32 v46, v29  }
0x133: {  	v11 =	vld [tilespmem:s20+$0xFFFFFFC0];
	v22 =	vmax.f32 v22, v28;
	v44 =	vmax.f32 v44, v28;
	v35 =	vmin.f32 v35, v26  }
0x134: {  	v53 =	vld [tilespmem:s23+$0x30];
	v58 =	vmin.f32 v48, v26;
	v23 =	vmax.f32 v23, v29;
	v49 =	vadd.f32 v20, v30  }
0x135: {  	v60 =	vld [tilespmem:s21+$0x30];
	v19 =	vmin.f32 v19, v26;
	v36 =	vmin.f32 v62, v27;
	v18 =	vmin.f32 v18, v27  }
0x136: {  	v56 =	vld [tilespmem:s23+$0x10];
	v59 =	vmax.f32 v63, v29;
	v16 =	vmax.f32 v16, v29;
	v38 =	vsub.f32 v38, v40  }
0x137: {  	v51 =	vld [tilespmem:s20+$0x30];
	v57 =	vmax.f32 v10, v28;
	v6 =	vsub.f32 v42, v6;
	v39 =	vsub.f32 v39, v41  }
0x138: {  	v20 =	vld [tilespmem:s22+$0x30];
	v19 =	vsub.f32 v19, v23;
	v42 =	vadd.f32 v21, v30;
	v21 =	vmax.f32 v11, v28  }
0x139: {  	v48 =	vld [tilespmem:s19+$0x30];
	v23 =	vmin.f32 v47, v26;
	v16 =	vsub.f32 v35, v16;
	v40 =	vadd.f32 v53, v30  }
0x13a: {  	v46 =	vld [tilespmem:s23+$0x0];
	v18 =	vsub.f32 v18, v57;
	v22 =	vsub.f32 v43, v22;
	v9 =	vmax.f32 v38, $0.0e+00  }
0x13b: {  	p1 =	sne.s32 s18, $0x1;
	v41 =	vld [tilespmem:s21+$0xFFFFFFE0];
	v39 =	vmax.f32 v39, $0.0e+00;
	v61 =	vmax.f32 v19, $0.0e+00;
	v19 =	vmin.f32 v50, v27  }
.Ltmp7:
0x13c: {  	v63 =	vld [tilespmem:s21+$0x20];
	v18 =	vmax.f32 v18, $0.0e+00;
	v16 =	vmax.f32 v16, $0.0e+00;
	v55 =	vmax.f32 v6, $0.0e+00;
	(pc) =	sbr.rel @!p1 .LBB2_10-.Ltmp7, $4  }
0x13d: {  	v6 =	vsub.f32 v36, v44;
	v19 =	vsub.f32 v19, v21;
	v50 =	vmin.f32 v20, v26;
	v20 =	vld [tilespmem:s22+$0x20]  }
0x13e: {  	v53 =	vmax.f32 v22, $0.0e+00;
	v22 =	vld [tilespmem:s19+$0x20];
	v34 =	vmul.f32 v39, v9;
	v36 =	vmul.f32 v16, v18  }
0x13f: {  	p0 =	por $0x0, $0x0;
	v18 =	vsub.f32 v23, v52;
	v23 =	vmax.f32 v6, $0.0e+00;
	v57 =	vmax.f32 v19, $0.0e+00;
	v19 =	vld [tilespmem:s20+$0x20]  }
0x140: {  	v47 =	vld [tilespmem:s23+$0x20];
	s21 =	sadd.s32 $0xFFFFFFFF, s18;
	s23 =	simm.s32 $0x1C940;
	v6 =	vsub.f32 v58, v59;
	v58 =	vmin.f32 v60, v27;
	s22 =	simm.s32 $0x1C340;
	v54 =	vmin.f32 v41, v27  }
0x141: {  	v16 =	vld [tilespmem:s22+$0xFFFFFFE0]  }
0x142: {  	v21 =	vld [tilespmem:s22+$0x10]  }
0x143: {  	v52 =	vmul.f32 v61, v53;
	v53 =	vld [tilespmem:s23+$0xFFFFFFE0]  }
0x144: {  	v38 =	vadd.f32 v56, v30;
	v56 =	vld [tilespmem:s23+$0xFFFFFFF0]  }
0x145: {  	s18 =	simm.s32 $0x1C540;
	v35 =	vsub.f32 v37, v34;
	v45 =	vsub.f32 v54, v45;
	v18 =	vmax.f32 v18, $0.0e+00;
	v44 =	vld [tilespmem:s23+$0xFFFFFFC0]  }
0x146: {  	s19 =	simm.s32 $0x1C740;
	v39 =	vmin.f32 v63, v27;
	v61 =	vmax.f32 v48, v29;
	v59 =	vld [tilespmem:s18+$0x10];
	v6 =	vmax.f32 v6, $0.0e+00  }
0x147: {  	v60 =	vld [tilespmem:s19+$0x0];
	v20 =	vmin.f32 v20, v26;
	v18 =	vmul.f32 v18, v57;
	v57 =	vmax.f32 v51, v28  }
0x148: {  	v43 =	vld [tilespmem:s18+$0x0];
	v6 =	vmul.f32 v6, v23;
	v22 =	vmax.f32 v22, v29;
	v37 =	vmax.f32 v45, $0.0e+00  }
0x149: {  	s20 =	simm.s32 $0x1C140;
	v63 =	vld [tilespmem:s19+$0xFFFFFFF0];
	v35 =	vmax.f32 v35, $9.999999930e-09;
	v54 =	vsub.f32 v38, v36;
	v62 =	vsub.f32 v58, v57  }
0x14a: {  	v9 =	vld [tilespmem:s20+$0xFFFFFFF0];
	v57 =	vadd.f32 v46, v30;
	v20 =	vsub.f32 v20, v22;
	v19 =	vmax.f32 v19, v28  }
0x14b: {  	v11 =	vld [tilespmem:s19+$0xFFFFFFE0];
	(erf) = vrcp.f32 v35;
	v35 =	vmul.f32 v55, v37;
	v33 =	vsub.f32 v33, v18  }
0x14c: {  	v51 =	vld [tilespmem:s20+$0x10];
	v41 =	vsub.f32 v49, v6;
	v19 =	vsub.f32 v39, v19;
	v37 =	vmax.f32 v54, $9.999999930e-09  }
0x14d: {  	v45 =	vld [tilespmem:s18+$0xFFFFFFF0];
	v39 =	vmax.f32 v62, $0.0e+00;
	v16 =	vmax.f32 v16, v29;
	v20 =	vmax.f32 v20, $0.0e+00  }
0x14e: {  	v22 =	vld [tilespmem:s20+$0x0];
	v42 =	vsub.f32 v42, v35;
	v55 =	vmax.f32 v41, $9.999999930e-09;
	v19 =	vmax.f32 v19, $0.0e+00  }
0x14f: {  	v46 =	vld [tilespmem:s20+$0xFFFFFFD0];
	v62 =	vmax.f32 v9, v28;
	v48 =	vmin.f32 v63, v26;
	v63 =	vsub.f32 v57, v52  }
0x150: {  	v54 =	vld [tilespmem:s19+$0x10];
	(erf) = vrcp.f32 v55;
	v38 =	vmul.f32 v20, v19;
	v20 =	vadd.f32 v47, v30  }
0x151: {  	v19 =	vld [tilespmem:s22+$0xFFFFFFF0];
	v55 =	vmax.f32 v33, $9.999999930e-09;
	(erf) = vrcp.f32 v37;
	v37 =	vsub.f32 v50, v61  }
0x152: {  	v42 =	vmax.f32 v42, $9.999999930e-09;
	v47 =	vld [tilespmem:s20+$0xFFFFFFE0];
	v45 =	vmin.f32 v45, v27;
	v33 =	vadd.f32 v44, v30  }
0x153: {  	v50 =	vld [tilespmem:s22+$0xFFFFFFC0];
	v22 =	vmax.f32 v22, v28;
	v20 =	vsub.f32 v20, v38;
	v10 =	vmax.f32 v37, $0.0e+00  }
0x154: {  	v49 =	vld [tilespmem:s22+$0x0];
	v37 =	vadd.f32 v56, v30;
	v39 =	vmul.f32 v10, v39;
	v10 =	vmax.f32 v63, $9.999999930e-09  }
0x155: {  	v23 =	vld [tilespmem:s23+$0xFFFFFFD0];
	v63 =	vmax.f32 v46, v28;
	v46 =	vmin.f32 v54, v26;
	v20 =	vmax.f32 v20, $9.999999930e-09  }
0x156: {  	v57 =	vld [tilespmem:s19+$0xFFFFFFC0];
	v58 =	vpop (erf);
	v19 =	vmax.f32 v19, v29;
	(erf) = vrcp.f32 v55;
	v61 =	vsub.f32 v40, v39  }
0x157: {  	v40 =	vsub.f32 v45, v62;
	v19 =	vsub.f32 v48, v19;
	v45 =	vmax.f32 v47, v28;
	v47 =	vld [tilespmem:s18+$0xFFFFFFD0]  }
0x158: {  	v56 =	vld [tilespmem:s23+$0x10];
	v41 =	vmul.f32 v58, v34;
	v62 =	vmin.f32 v43, v27;
	v7 =	vmax.f32 v50, v29  }
0x159: {  	v55 =	vld [tilespmem:s23+$0x30];
	v34 =	vmax.f32 v61, $9.999999930e-09;
	v19 =	vmax.f32 v19, $0.0e+00;
	v61 =	vmax.f32 v49, v29;
	v9 =	vpop (erf)  }
0x15a: {  	v58 =	vld [tilespmem:s18+$0xFFFFFFC0];
	v49 =	vadd.f32 v23, v30;
	v44 =	vmul.f32 v9, v6;
	v6 =	vmin.f32 v11, v26  }
0x15b: {  	v50 =	vld [tilespmem:s20+$0xFFFFFFC0];
	v23 =	vmin.f32 v60, v26;
	(erf) = vrcp.f32 v34;
	v6 =	vsub.f32 v6, v16;
	v16 =	vpop (erf)  }
0x15c: {  	v11 =	vld [tilespmem:s19+$0xFFFFFFD0];
	(erf) = vrcp.f32 v10;
	v9 =	vmin.f32 v47, v27;
	v43 =	vmul.f32 v16, v36  }
0x15d: {  	v16 =	vmax.f32 v40, $0.0e+00;
	v40 =	vld [tilespmem:s18+$0xFFFFFFE0];
	(erf) = vrcp.f32 v20;
	v20 =	vmin.f32 v59, v27  }
0x15e: {  	v48 =	vld [tilespmem:s22+$0x30];
	v9 =	vsub.f32 v9, v63;
	(erf) = vrcp.f32 v42;
	v34 =	vmul.f32 v19, v16  }
0x15f: {  	v36 =	vld [tilespmem:s22+$0xFFFFFFD0];
	v16 =	vsub.f32 v23, v61;
	v42 =	vadd.f32 v53, v30;
	v19 =	vmax.f32 v21, v29  }
0x160: {  	v59 =	vld [tilespmem:s19+$0x30];
	v21 =	vmax.f32 v50, v28;
	v23 =	vmin.f32 v57, v26;
	v57 =	vmin.f32 v58, v27  }
0x161: {  	v47 =	vld [tilespmem:s23+$0x20];
	v19 =	vsub.f32 v46, v19;
	v61 =	vmax.f32 v16, $0.0e+00;
	v16 =	vmax.f32 v51, v28  }
0x162: {  	v63 =	vld [tilespmem:s18+$0x20];
	v8 =	vmin.f32 v11, v26;
	v16 =	vsub.f32 v20, v16;
	v54 =	vmin.f32 v40, v27  }
0x163: {  	p1 =	sne.s32 s21, $0x1;
	v58 =	vpop (erf);
	v11 =	vld [tilespmem:s18+$0x30];
	v40 =	vadd.f32 v55, v30;
	v55 =	vmax.f32 v6, $0.0e+00;
	v6 =	vsub.f32 v62, v22  }
.Ltmp8:
0x164: {  	v46 =	vld [tilespmem:s23+$0x0];
	v62 =	vmul.f32 v58, v18;
	v18 =	vsub.f32 v57, v21;
	v16 =	vmax.f32 v16, $0.0e+00;
	(pc) =	sbr.rel @!p1 .LBB2_12-.Ltmp8, $4  }
0x165: {  	v19 =	vmax.f32 v19, $0.0e+00;
	v20 =	vld [tilespmem:s19+$0x20];
	v10 =	vmax.f32 v36, v29;
	v50 =	vmin.f32 v59, v26;
	v60 =	vpop (erf)  }
0x166: {  	v22 =	vld [tilespmem:s22+$0x20];
	v36 =	vmul.f32 v19, v16;
	v57 =	vmax.f32 v18, $0.0e+00;
	v18 =	vsub.f32 v23, v7;
	v21 =	vpop (erf)  }
0x167: {  	s21 =	sadd.s32 $0xFFFFFFFF, s21;
	v53 =	vmax.f32 v6, $0.0e+00;
	v23 =	vmax.f32 v9, $0.0e+00;
	v6 =	vsub.f32 v8, v10;
	v19 =	vld [tilespmem:s20+$0x20];
	v16 =	vpop (erf)  }
0x168: {  	p0 =	por $0x1, $0x1;
	s23 =	simm.s32 $0x1C9C0;
	v51 =	vld [tilespmem:s20+$0x30];
	s22 =	simm.s32 $0x1C3C0;
	v58 =	vmin.f32 v11, v27;
	v59 =	vmul.f32 v21, v52;
	v52 =	vimm.f32 $0.0e+00;
	v21 =	vpop (erf)  }
.LBB2_13:
0x169: {  	v7 =	vld [tilespmem:s22+$0xFFFFFFE0];
	v8 =	vsub.f32 v37, v34;
	v53 =	vmul.f32 v61, v53;
	s20 =	sadd.s32 $0x80, s20;
	s18 =	sadd.s32 $0x80, s18;
	s19 =	sadd.s32 $0x80, s19;
	v9 =	vmul.f32 v16, v38  }
0x16a: {  	p1 =	sne.s32 s21, $0x1;
	s21 =	sadd.s32 $0xFFFFFFFF, s21;
	v6 =	vmax.f32 v6, $0.0e+00;
	v10 =	vmin.f32 v20, v26;
	v11 =	vmax.f32 v52, v62;
	v61 =	vld [tilespmem:s22+$0x10]  }
0x16b: {  	v16 =	vsub.f32 v54, v45;
	v20 =	vmul.f32 v21, v35;
	v6 =	vmul.f32 v6, v23;
	v62 =	vld [tilespmem:s18+$0x10]  }
0x16c: {  	v21 =	vadd.f32 v56, v30;
	v22 =	vmax.f32 v22, v29;
	v23 =	vmul.f32 v60, v39;
	v54 =	vld [tilespmem:s19+$0x0]  }
0x16d: {  	v18 =	vmax.f32 v18, $0.0e+00;
	v37 =	vmin.f32 v63, v27;
	v10 =	vsub.f32 v10, v22;
	v60 =	vld [tilespmem:s23+$0xFFFFFFD0]  }
0x16e: {  	v19 =	vmax.f32 v19, v28;
	v11 =	vmax.f32 v11, v44;
	v16 =	vmax.f32 v16, $0.0e+00;
	v56 =	vld [tilespmem:s23+$0xFFFFFFE0]  }
0x16f: {  	v11 =	vmax.f32 v11, v20;
	v38 =	vsub.f32 v49, v6;
	v7 =	vmax.f32 v7, v29;
	v22 =	vld [tilespmem:s20+$0x0]  }
0x170: {  	v8 =	vmax.f32 v8, $9.999999930e-09;
	v10 =	vmax.f32 v10, $0.0e+00;
	v11 =	vmax.f32 v11, v41;
	v20 =	vld [tilespmem:s22+$0x0]  }
0x171: {  	v35 =	vmul.f32 v55, v16;
	v16 =	vsub.f32 v21, v36;
	v49 =	vld [tilespmem:s18+$0x0];
	(erf) = vrcp.f32 v8  }
0x172: {  	v57 =	vmul.f32 v18, v57;
	v19 =	vsub.f32 v37, v19;
	v18 =	vmax.f32 v38, $9.999999930e-09;
	v8 =	vld [tilespmem:s19+$0x10]  }
0x173: {  	v11 =	vmax.f32 v11, v59;
	v16 =	vmax.f32 v16, $9.999999930e-09;
	v21 =	vld [tilespmem:s23+$0xFFFFFFF0];
	(erf) = vrcp.f32 v18  }
0x174: {  	v37 =	vmax.f32 v51, v28;
	v11 =	vmax.f32 v11, v43;
	v18 =	vld [tilespmem:s23+$0xFFFFFFC0];
	(erf) = vrcp.f32 v16  }
0x175: {  	v37 =	vsub.f32 v58, v37;
	v19 =	vmax.f32 v19, $0.0e+00;
	v38 =	vmax.f32 v48, v29;
	v16 =	vld [tilespmem:s18+$0xFFFFFFF0]  }
0x176: {  	v33 =	vsub.f32 v33, v57;
	v39 =	vsub.f32 v50, v38;
	v9 =	vmax.f32 v11, v9;
	v43 =	vld [tilespmem:s19+$0xFFFFFFF0]  }
0x177: {  	v12 =	vsub.f32 v42, v35;
	v38 =	vmul.f32 v10, v19;
	v52 =	vmax.f32 v9, v23;
	v11 =	vld [tilespmem:s20+$0xFFFFFFF0]  }
0x178: {  	v10 =	vadd.f32 v47, v30;
	v19 =	vmax.f32 v37, $0.0e+00;
	v23 =	vmax.f32 v39, $0.0e+00;
	v9 =	vld [tilespmem:s22+$0xFFFFFFF0]  }
0x179: {  	v39 =	vmul.f32 v23, v19;
	v37 =	vadd.f32 v21, v30;
	v21 =	vmax.f32 v33, $9.999999930e-09;
	v42 =	vld [tilespmem:s19+$0xFFFFFFE0]  }
0x17a: {  	v10 =	vsub.f32 v10, v38;
	v23 =	vmax.f32 v12, $9.999999930e-09;
	v33 =	vadd.f32 v46, v30;
	v19 =	vld [tilespmem:s20+$0xFFFFFFE0];
	v41 =	vpop (erf)  }
0x17b: {  	v16 =	vmin.f32 v16, v27;
	v46 =	vld [tilespmem:s20+$0xFFFFFFD0];
	v41 =	vmul.f32 v41, v34;
	v34 =	vsub.f32 v40, v39  }
0x17c: {  	v45 =	vsub.f32 v33, v53;
	v43 =	vmin.f32 v43, v26;
	v40 =	vld [tilespmem:s22+$0xFFFFFFC0];
	v11 =	vmax.f32 v11, v28;
	v44 =	vpop (erf)  }
0x17d: {  	v33 =	vadd.f32 v18, v30;
	v47 =	vld [tilespmem:s18+$0xFFFFFFC0];
	v9 =	vmax.f32 v9, v29;
	v44 =	vmul.f32 v44, v6;
	v6 =	vpop (erf)  }
0x17e: {  	v11 =	vsub.f32 v16, v11;
	v16 =	vmax.f32 v45, $9.999999930e-09;
	v18 =	vld [tilespmem:s19+$0xFFFFFFC0];
	v42 =	vmin.f32 v42, v26  }
0x17f: {  	v34 =	vmax.f32 v34, $9.999999930e-09;
	v9 =	vsub.f32 v43, v9;
	v48 =	vld [tilespmem:s19+$0xFFFFFFD0];
	v7 =	vsub.f32 v42, v7  }
0x180: {  	v43 =	vmul.f32 v6, v36;
	v45 =	vmax.f32 v19, v28;
	v19 =	vmin.f32 v49, v27;
	v42 =	vld [tilespmem:s18+$0xFFFFFFD0]  }
0x181: {  	v11 =	vmax.f32 v11, $0.0e+00;
	v9 =	vmax.f32 v9, $0.0e+00;
	v6 =	vld [tilespmem:s22+$0xFFFFFFD0];
	(erf) = vrcp.f32 v21  }
0x182: {  	v22 =	vmax.f32 v22, v28;
	v21 =	vmax.f32 v40, v29;
	v36 =	vld [tilespmem:s18+$0xFFFFFFE0];
	(erf) = vrcp.f32 v34  }
0x183: {  	v8 =	vmin.f32 v8, v26;
	v58 =	vmax.f32 v46, v28;
	v40 =	vld [tilespmem:s20+$0x10];
	(erf) = vrcp.f32 v16  }
0x184: {  	v10 =	vmax.f32 v10, $9.999999930e-09;
	v20 =	vmax.f32 v20, v29;
	v16 =	vld [tilespmem:s20+$0xFFFFFFC0];
	v12 =	vmin.f32 v48, v26  }
0x185: {  	v49 =	vadd.f32 v60, v30;
	v46 =	vmin.f32 v54, v26;
	v50 =	vld [tilespmem:s23+$0x30];
	(erf) = vrcp.f32 v10  }
0x186: {  	v55 =	vmin.f32 v62, v27;
	v10 =	vmin.f32 v42, v27;
	v59 =	vld [tilespmem:s19+$0x30];
	(erf) = vrcp.f32 v23  }
0x187: {  	v34 =	vmul.f32 v9, v11;
	v9 =	vsub.f32 v46, v20;
	v6 =	vmax.f32 v6, v29;
	v11 =	vld [tilespmem:s18+$0x30]  }
0x188: {  	v42 =	vadd.f32 v56, v30;
	v23 =	vmax.f32 v61, v29;
	v54 =	vmin.f32 v36, v27;
	v48 =	vld [tilespmem:s22+$0x30]  }
0x189: {  	v18 =	vmin.f32 v18, v26;
	v8 =	vsub.f32 v8, v23;
	v16 =	vmax.f32 v16, v28;
	v56 =	vld [tilespmem:s23+$0x10]  }
0x18a: {  	v61 =	vmax.f32 v9, $0.0e+00;
	v9 =	vmax.f32 v40, v28;
	v51 =	vld [tilespmem:s20+$0x30];
	v40 =	vadd.f32 v50, v30;
	v20 =	vpop (erf)  }
0x18b: {  	v23 =	vmin.f32 v47, v27;
	v9 =	vsub.f32 v55, v9;
	v47 =	vld [tilespmem:s23+$0x20];
	v50 =	vmin.f32 v59, v26;
	v60 =	vpop (erf)  }
.Ltmp9:
0x18c: {  	v55 =	vmax.f32 v7, $0.0e+00;
	v7 =	vsub.f32 v19, v22;
	v62 =	vmul.f32 v20, v57;
	v46 =	vld [tilespmem:s23+$0x0];
	v19 =	vpop (erf);
	(pc) =	sbr.rel @p1 .LBB2_13-.Ltmp9, $4  }
0x18d: {  	v8 =	vmax.f32 v8, $0.0e+00;
	v22 =	vsub.f32 v23, v16;
	v9 =	vmax.f32 v9, $0.0e+00;
	v20 =	vld [tilespmem:s19+$0x20]  }
0x18e: {  	v10 =	vsub.f32 v10, v58;
	v36 =	vmul.f32 v8, v9;
	v59 =	vmul.f32 v19, v53;
	v63 =	vld [tilespmem:s18+$0x20];
	v16 =	vpop (erf)  }
0x18f: {  	v18 =	vsub.f32 v18, v21;
	v57 =	vmax.f32 v22, $0.0e+00;
	v53 =	vmax.f32 v7, $0.0e+00;
	v22 =	vld [tilespmem:s22+$0x20];
	v21 =	vpop (erf)  }
0x190: {  	v6 =	vsub.f32 v12, v6;
	v23 =	vmax.f32 v10, $0.0e+00;
	v58 =	vmin.f32 v11, v27;
	s23 =	sadd.s32 $0x80, s23;
	s22 =	sadd.s32 $0x80, s22;
	v19 =	vld [tilespmem:s20+$0x20]  }
.Ltmp10:
0x191: {  	_ = 	snop;
	(pc) =	sbr.rel .LBB2_14-.Ltmp10, $1  }
0x192: {  	_ =	sdelay $0x3  }
.LBB2_12:
.Ltmp11:
0x193: {  	(pc) =	sbr.rel .LBB2_14-.Ltmp11, $2  }
0x194: {  	_ =	sdelay $0x2  }
0x195: {  	v52 =	vimm.f32 $0.0e+00  }
.LBB2_16:
0x196: {  	s11 =	simm.s32 $0x0;
	s12 =	simm.s32 $0x1CA80;
	s31 =	simm.s32 $0x1  }
0x197: {  	[hbm4b:s10+s11] =	stream.linear.scatter [tilespmem:s12], [sflag:$0x1], $0x200, $0x38;
	[tilespmem:$0x1E080] =	vst v63  }
0x198: {  	_ =	swait.ge [sflag:s31], $0x200  }
0x199: {  	[sflag:s31] =	ssyncset.done $0x0  }
0x19a: {  	[sflag:s31] =	ssyncadd.s32 $0xFFFFFE00  }
0x19b: {  	[tilespmem:s11], [sflag:$0x1] =	stream.linear.gather [hbm4b:s9+s11], $0x4000, $0x38;
	[tilespmem:$0x1E080] =	vst v63  }
0x19c: {  	_ =	swait.ge [sflag:s31], $0x4000  }
0x19d: {  	[sflag:s31] =	ssyncset.done $0x0  }
0x19e: {  	s9 =	simm.s32 $0x4000;
	[sflag:s31] =	ssyncadd.s32 $0xFFFFC000  }
0x19f: {  	[tilespmem:s9], [sflag:$0x1] =	stream.linear.gather [hbm4b:s8+s11], $0x4000, $0x38;
	[tilespmem:$0x1E080] =	vst v63  }
0x1a0: {  	_ =	swait.ge [sflag:s31], $0x4000  }
0x1a1: {  	[sflag:s31] =	ssyncset.done $0x0  }
0x1a2: {  	s8 =	simm.s32 $0x8000;
	[sflag:s31] =	ssyncadd.s32 $0xFFFFC000  }
0x1a3: {  	[tilespmem:s8], [sflag:$0x1] =	stream.linear.gather [hbm4b:s7+s11], $0x4000, $0x38;
	[tilespmem:$0x1E080] =	vst v63  }
0x1a4: {  	_ =	swait.ge [sflag:s31], $0x4000  }
0x1a5: {  	[sflag:s31] =	ssyncset.done $0x0  }
0x1a6: {  	s7 =	simm.s32 $0xC000;
	[sflag:s31] =	ssyncadd.s32 $0xFFFFC000  }
0x1a7: {  	[tilespmem:s7], [sflag:$0x1] =	stream.linear.gather [hbm4b:s6+s11], $0x4000, $0x38;
	[tilespmem:$0x1E080] =	vst v63  }
0x1a8: {  	_ =	swait.ge [sflag:s31], $0x4000  }
0x1a9: {  	[sflag:s31] =	ssyncset.done $0x0  }
0x1aa: {  	s6 =	simm.s32 $0x10000;
	[sflag:s31] =	ssyncadd.s32 $0xFFFFC000  }
0x1ab: {  	[tilespmem:s6], [sflag:$0x1] =	stream.linear.gather [hbm4b:s5+s11], $0x4000, $0x38;
	[tilespmem:$0x1E080] =	vst v63  }
0x1ac: {  	_ =	swait.ge [sflag:s31], $0x4000  }
0x1ad: {  	[sflag:s31] =	ssyncset.done $0x0  }
0x1ae: {  	s5 =	simm.s32 $0x14000;
	[sflag:s31] =	ssyncadd.s32 $0xFFFFC000  }
0x1af: {  	[tilespmem:s5], [sflag:$0x1] =	stream.linear.gather [hbm4b:s4+s11], $0x4000, $0x38;
	[tilespmem:$0x1E080] =	vst v63  }
0x1b0: {  	_ =	swait.ge [sflag:s31], $0x4000  }
0x1b1: {  	[sflag:s31] =	ssyncset.done $0x0  }
0x1b2: {  	s4 =	simm.s32 $0x18000;
	[sflag:s31] =	ssyncadd.s32 $0xFFFFC000  }
0x1b3: {  	[tilespmem:s4], [sflag:$0x1] =	stream.linear.gather [hbm4b:s3+s11], $0x4000, $0x38;
	[tilespmem:$0x1E080] =	vst v63  }
0x1b4: {  	_ =	swait.ge [sflag:s31], $0x4000  }
0x1b5: {  	[sflag:s31] =	ssyncset.done $0x0  }
0x1b6: {  	s3 =	simm.s32 $0x1CC80;
	[sflag:s31] =	ssyncadd.s32 $0xFFFFC000  }
0x1b7: {  	v1 =	vld [tilespmem:s3+$0x0];
	_ =	sdelay $0x5  }
0x1b8: {  	s10 =	simm.s32 $0x1CE80  }
0x1b9: {  	v0 =	vlaneseq.u32;
	v3 =	vld [tilespmem:s10+$0x0]  }
0x1ba: {  	v0 =	vmul.u32 $0x8, v0;
	v4 =	vmov s11;
	v2 =	vld.idx.msk [tilespmem:v1+s11+$0x0], $0xffff  }
0x1bb: {  	v4 =	vshll.u32 v4, $0x3  }
0x1bc: {  	v4 =	vor.u32 v0, v4;
	_ =	sdelay $0x2  }
0x1bd: {  	v2 =	vmul.f32 v2, v3  }
0x1be: {  	s12 =	simm.s32 $0x1D080  }
0x1bf: {  	[tilespmem:v4+s12+$0x0] =	vst.idx.msk $0xffff, v2  }
0x1c0: {  	v2 =	vld.idx.msk [tilespmem:v1+s9+$0x0], $0xffff;
	_ =	sdelay $0x1  }
0x1c1: {  	v5 =	vor.u32 $0x1, v4;
	_ =	sdelay $0x2  }
0x1c2: {  	v2 =	vmul.f32 v2, v3;
	_ =	sdelay $0x1  }
0x1c3: {  	[tilespmem:v5+s12+$0x0] =	vst.idx.msk $0xffff, v2  }
0x1c4: {  	v2 =	vld.idx.msk [tilespmem:v1+s8+$0x0], $0xffff;
	_ =	sdelay $0x1  }
0x1c5: {  	v60 =	vor.u32 $0x2, v4;
	_ =	sdelay $0x2  }
0x1c6: {  	v2 =	vmul.f32 v2, v3;
	_ =	sdelay $0x1  }
0x1c7: {  	[tilespmem:v60+s12+$0x0] =	vst.idx.msk $0xffff, v2  }
0x1c8: {  	v2 =	vld.idx.msk [tilespmem:v1+s7+$0x0], $0xffff;
	_ =	sdelay $0x1  }
0x1c9: {  	v61 =	vor.u32 $0x3, v4;
	_ =	sdelay $0x2  }
0x1ca: {  	v2 =	vmul.f32 v2, v3;
	_ =	sdelay $0x1  }
0x1cb: {  	[tilespmem:v61+s12+$0x0] =	vst.idx.msk $0xffff, v2  }
0x1cc: {  	v2 =	vld.idx.msk [tilespmem:v1+s6+$0x0], $0xffff;
	_ =	sdelay $0x1  }
0x1cd: {  	v62 =	vor.u32 $0x4, v4;
	_ =	sdelay $0x2  }
0x1ce: {  	v2 =	vmul.f32 v2, v3;
	_ =	sdelay $0x1  }
0x1cf: {  	[tilespmem:v62+s12+$0x0] =	vst.idx.msk $0xffff, v2  }
0x1d0: {  	v2 =	vld.idx.msk [tilespmem:v1+s5+$0x0], $0xffff;
	_ =	sdelay $0x1  }
0x1d1: {  	v63 =	vor.u32 $0x5, v4;
	_ =	sdelay $0x2  }
0x1d2: {  	v2 =	vmul.f32 v2, v3;
	_ =	sdelay $0x1  }
0x1d3: {  	[tilespmem:v63+s12+$0x0] =	vst.idx.msk $0xffff, v2  }
0x1d4: {  	v2 =	vld.idx.msk [tilespmem:v1+s4+$0x0], $0xffff;
	_ =	sdelay $0x1  }
0x1d5: {  	v1 =	vor.u32 $0x6, v4;
	_ =	sdelay $0x2  }
0x1d6: {  	s13 =	simm.s32 $0x10;
	v2 =	vmul.f32 v2, v3  }
.LBB2_17:
0x1d7: {  	_ = 	snop  }
0x1d8: {  	p0 =	sne.s32 s13, $0x1F0;
	s3 =	sadd.s32 $0x10, s3;
	s10 =	sadd.s32 $0x10, s10;
	[tilespmem:v1+s12+$0x0] =	vst.idx.msk $0xffff, v2  }
0x1d9: {  	s14 =	smov.u32 s13;
	s13 =	sadd.s32 $0x10, s13;
	v1 =	vld [tilespmem:s3+$0x0];
	_ =	sdelay $0x7  }
0x1da: {  	v2 =	vld.idx.msk [tilespmem:v1+s11+$0x0], $0xffff  }
0x1db: {  	v4 =	vmov s14;
	v3 =	vld [tilespmem:s10+$0x0]  }
0x1dc: {  	v4 =	vshll.u32 v4, $0x3  }
0x1dd: {  	v4 =	vor.u32 v0, v4;
	_ =	sdelay $0x2  }
0x1de: {  	v2 =	vmul.f32 v2, v3;
	_ =	sdelay $0x1  }
0x1df: {  	[tilespmem:v4+s12+$0x0] =	vst.idx.msk $0xffff, v2  }
0x1e0: {  	v2 =	vld.idx.msk [tilespmem:v1+s9+$0x0], $0xffff;
	_ =	sdelay $0x2  }
0x1e1: {  	v5 =	vor.u32 $0x1, v4;
	_ =	sdelay $0x2  }
0x1e2: {  	v2 =	vmul.f32 v2, v3;
	_ =	sdelay $0x1  }
0x1e3: {  	[tilespmem:v5+s12+$0x0] =	vst.idx.msk $0xffff, v2  }
0x1e4: {  	v2 =	vld.idx.msk [tilespmem:v1+s8+$0x0], $0xffff;
	_ =	sdelay $0x2  }
0x1e5: {  	v5 =	vor.u32 $0x2, v4;
	_ =	sdelay $0x2  }
0x1e6: {  	v2 =	vmul.f32 v2, v3;
	_ =	sdelay $0x1  }
0x1e7: {  	[tilespmem:v5+s12+$0x0] =	vst.idx.msk $0xffff, v2  }
0x1e8: {  	v2 =	vld.idx.msk [tilespmem:v1+s7+$0x0], $0xffff;
	_ =	sdelay $0x2  }
0x1e9: {  	v5 =	vor.u32 $0x3, v4;
	_ =	sdelay $0x2  }
0x1ea: {  	v2 =	vmul.f32 v2, v3;
	_ =	sdelay $0x1  }
0x1eb: {  	[tilespmem:v5+s12+$0x0] =	vst.idx.msk $0xffff, v2  }
0x1ec: {  	v2 =	vld.idx.msk [tilespmem:v1+s6+$0x0], $0xffff;
	_ =	sdelay $0x2  }
0x1ed: {  	v5 =	vor.u32 $0x4, v4;
	_ =	sdelay $0x2  }
0x1ee: {  	v2 =	vmul.f32 v2, v3;
	_ =	sdelay $0x1  }
0x1ef: {  	[tilespmem:v5+s12+$0x0] =	vst.idx.msk $0xffff, v2  }
0x1f0: {  	v2 =	vld.idx.msk [tilespmem:v1+s5+$0x0], $0xffff;
	_ =	sdelay $0x2  }
0x1f1: {  	v5 =	vor.u32 $0x5, v4;
	_ =	sdelay $0x2  }
0x1f2: {  	v2 =	vmul.f32 v2, v3;
	_ =	sdelay $0x1  }
0x1f3: {  	[tilespmem:v5+s12+$0x0] =	vst.idx.msk $0xffff, v2  }
0x1f4: {  	v2 =	vld.idx.msk [tilespmem:v1+s4+$0x0], $0xffff;
	_ =	sdelay $0x1  }
.Ltmp12:
0x1f5: {  	(pc) =	sbr.rel @p0 .LBB2_17-.Ltmp12, $2  }
0x1f6: {  	v1 =	vor.u32 $0x6, v4;
	_ =	sdelay $0x2  }
0x1f7: {  	v2 =	vmul.f32 v2, v3  }
0x1f8: {  	_ =	sdelay $0x3  }
0x1f9: {  	s3 =	simm.s32 $0x0;
	s4 =	simm.s32 $0x1D080;
	s31 =	simm.s32 $0x1;
	[tilespmem:v1+s12+$0x0] =	vst.idx.msk $0xffff, v2  }
0x1fa: {  	[hbm4b:s2+s3] =	stream.linear.scatter [tilespmem:s4], [sflag:$0x1], $0x1000, $0x38;
	[tilespmem:$0x1E080] =	vst v63  }
0x1fb: {  	_ =	swait.ge [sflag:s31], $0x1000  }
0x1fc: {  	[sflag:s31] =	ssyncset.done $0x0  }
0x1fd: {  	[sflag:s31] =	ssyncadd.s32 $0xFFFFF000  }
.LBB2_19:
0x1fe: {  	_ =	sfence.sel $0x180000  }
0x1ff: {  	[bflag:$0x0] =	sbarrier.arrive $0xFFFF  }
0x200: {  	p0 =	sne.s32 s1, $0x0;
	_ =	strace $0x90000047  }
0x201: {  	s0 =	sadd.s32 @!p0 $0x100000, s0;
	[bflag:$0x2] =	sbarrier.arrive $0xFFFF  }
0x202: {  	[sflag:s0] =	ssyncadd.tile.s32 @!p0 $0x1;
	_ =	shalt  }
.Lfunc_end2:
_tile_overlayer_lowered:
.L_overlay_start_2:
0x203: {  	(tag) =	ssettag $0x2  }
0x204: {  	s0 =	rddreg [dreg:$0x0];
	s2 =	stileid.u32  }
0x205: {  	s1 =	rddreg [dreg:$0x1];
	p0 =	sne.s32 s2, $0x0  }
0x206: {  	s3 =	rddreg [dreg:$0x2];
	[bflag:$0x3] =	sbarrier.arrive $0xFFFF;
	s2 =	simm.s32 @!p0 $0x1C01  }
0x207: {  	[timem:s3], [sflag:s2] =	dma.local @!p0 [hbm:s0], s1  }
0x208: {  	s0 =	simm.s32 @!p0 $0x1  }
0x209: {  	_ =	swait.ge @!p0 [sflag:s0], s1  }
0x20a: {  	s1 =	ssub.s32 @!p0 $0x0, s1;
	[sflag:s0] =	ssyncset.done @!p0 $0x0  }
0x20b: {  	[sflag:s0] =	ssyncadd.s32 @!p0 s1  }
0x20c: {  	[bflag:$0x3] =	sbarrier.arrive $0xFFFF  }
0x20d: {  	_ =	shalt  }

</sc_bundles>
